<compile_context>
chip_gen: v7x
topology: tpu7x:2x2x1
jax: 0.10.2.dev20260603
libtpu: 0.0.44.dev20260713+nightly
codegen_flags: <defaults>
</compile_context>

<pallas_src>
import functools

import jax
import jax.numpy as jnp
from jax import lax
from jax.experimental import pallas as pl
from jax.experimental.pallas import tpu as pltpu
from jax.experimental.pallas import tpu_sc as plsc

VOCAB = 100000
DIM = 128
B = 16384
NC = 2
NS = 16
NW = NC * NS
BPW = B // NW
CHUNK = 128
NCHUNK = BPW // CHUNK
LANE = 16
GROUPS = CHUNK // LANE


def _mesh():
    return plsc.VectorSubcoreMesh(
        core_axis_name="c", subcore_axis_name="s", num_cores=NC, num_subcores=NS
    )


@functools.partial(
    pl.kernel,
    out_type=jax.ShapeDtypeStruct((B,), jnp.float32),
    mesh=_mesh(),
    scratch_types=[
        pltpu.VMEM((BPW,), jnp.int32),
        pltpu.VMEM((BPW,), jnp.int32),
        pltpu.VMEM((BPW,), jnp.float32),
        pltpu.VMEM((BPW,), jnp.float32),
        pltpu.VMEM((CHUNK, DIM), jnp.float32),
        pltpu.VMEM((CHUNK, DIM), jnp.float32),
        pltpu.VMEM((CHUNK, DIM), jnp.float32),
        pltpu.VMEM((CHUNK, DIM), jnp.float32),
        pltpu.VMEM((CHUNK, DIM), jnp.float32),
        pltpu.VMEM((CHUNK, DIM), jnp.float32),
        pltpu.VMEM((BPW,), jnp.float32),
        pltpu.SemaphoreType.DMA,
        pltpu.SemaphoreType.DMA,
        pltpu.SemaphoreType.DMA,
        pltpu.SemaphoreType.DMA,
        pltpu.SemaphoreType.DMA,
        pltpu.SemaphoreType.DMA,
    ],
)
def _glove_sc(i_hbm, j_hbm, emb_hbm, ctx_hbm, bias_hbm, cbias_hbm, out_hbm,
              idx_i, idx_j, bi, bj, wi0, wj0, wi1, wj1, wi2, wj2, outv,
              sem_w0, sem_w1, sem_w2, sem_bi, sem_bj, sem_out):
    wid = lax.axis_index("s") * NC + lax.axis_index("c")
    base = wid * BPW

    ii_copy = pltpu.async_copy(i_hbm.at[pl.ds(base, BPW)], idx_i, sem_w0)
    jj_copy = pltpu.async_copy(j_hbm.at[pl.ds(base, BPW)], idx_j, sem_w1)
    ii_copy.wait()
    jj_copy.wait()

    wbufs = [(wi0, wj0), (wi1, wj1), (wi2, wj2)]
    wsems = [sem_w0, sem_w1, sem_w2]
    NBUF = 3
    SCHED = [(0, 128), (128, 128), (256, 128), (384, 128)]

    def fire_chunk(c):
        wi_b, wj_b = wbufs[c % NBUF]
        sem = wsems[c % NBUF]
        off, size = SCHED[c]
        ii = idx_i.at[pl.ds(off, size)]
        jj = idx_j.at[pl.ds(off, size)]
        ci = pltpu.async_copy(emb_hbm.at[ii], wi_b.at[pl.ds(0, size)], sem)
        cj = pltpu.async_copy(ctx_hbm.at[jj], wj_b.at[pl.ds(0, size)], sem)
        cb_i = pltpu.async_copy(bias_hbm.at[ii], bi.at[pl.ds(off, size)], sem_bi)
        cb_j = pltpu.async_copy(cbias_hbm.at[jj], bj.at[pl.ds(off, size)], sem_bj)
        return ci, cj, cb_i, cb_j

    w_copies = [fire_chunk(0), fire_chunk(1)]
    out_copies = []

    lane = lax.iota(jnp.int32, LANE)
    perm = {k: lane ^ k for k in (8, 4, 2, 1)}
    mask = {k: (lane & k) == 0 for k in (8, 4, 2, 1)}
    bitrev = [0, 8, 4, 12, 2, 10, 6, 14, 1, 9, 5, 13, 3, 11, 7, 15]

    def shuffle(v, k):
        return v.at[perm[k]].get(mode="promise_in_bounds")

    def merge(a, b, k):
        x = jnp.where(mask[k], a, b)
        y = jnp.where(mask[k], b, a)
        return x + shuffle(y, k)

    for c in range(len(SCHED)):
        wi_b, wj_b = wbufs[c % NBUF]
        ci, cj, cb_i, cb_j = w_copies[c]
        ci.wait()
        cj.wait()
        if c + 2 < len(SCHED):
            w_copies.append(fire_chunk(c + 2))
        cb_i.wait()
        cb_j.wait()
        off, size = SCHED[c]

        def group(g, _, wi_b=wi_b, wj_b=wj_b, off=off):
            rbase = g * LANE

            def kblock(k, accs, wi_b=wi_b, wj_b=wj_b, rbase=rbase):
                col = k * LANE
                return tuple(
                    accs[p]
                    + wi_b[rbase + p, pl.ds(col, LANE)]
                    * wj_b[rbase + p, pl.ds(col, LANE)]
                    for p in range(LANE)
                )

            zero = jnp.zeros((LANE,), jnp.float32)
            accs = lax.fori_loop(0, DIM // LANE, kblock, (zero,) * LANE)
            stack = []
            for p in bitrev:
                node = (16, accs[p])
                while stack and stack[-1][0] == node[0]:
                    lvl, other = stack.pop()
                    node = (lvl // 2, merge(other, node[1], lvl // 2))
                stack.append(node)
            res = stack[0][1]
            ob = off + rbase
            outv[pl.ds(ob, LANE)] = (
                res + bi[pl.ds(ob, LANE)] + bj[pl.ds(ob, LANE)]
            )
            return 0

        lax.fori_loop(0, size // LANE, group, 0)
        out_copies.append(
            pltpu.async_copy(
                outv.at[pl.ds(off, size)],
                out_hbm.at[pl.ds(base + off, size)],
                sem_out,
            )
        )

    for oc in out_copies:
        oc.wait()


def kernel(i, j, embedding, context_embedding, bias, context_bias):
    return _glove_sc(
        jnp.asarray(i, jnp.int32),
        jnp.asarray(j, jnp.int32),
        embedding,
        context_embedding,
        bias,
        context_bias,
    )

# --- scband reference (transcript-rebuilt; emitter-appended) ---
"""Pipeline reference for scband-glo-ve-75668733821257 (READ-ONLY COPY).

The authoritative reference and input builder live on the scoring server;
editing this copy changes nothing except your own understanding.
"""

import jax, jax.numpy as jnp
import numpy as np

VOCAB = 100000
DIM = 128
B = 16384

def setup_inputs(seed: int = 0) -> dict:
    key = jax.random.key(seed)
    k1, k2, k3, k4 = jax.random.split(key, 4)
    i = jax.random.randint(k1, (B,), 0, VOCAB, dtype=jnp.int64 if jax.config.jax_enable_x64 else jnp.int32)
    j = jax.random.randint(k2, (B,), 0, VOCAB, dtype=jnp.int64 if jax.config.jax_enable_x64 else jnp.int32)
    lim = 0.5 / DIM
    embedding = jax.random.uniform(k3, (VOCAB, DIM), minval=-lim, maxval=lim, dtype=jnp.float32)
    context_embedding = jax.random.uniform(k4, (VOCAB, DIM), minval=-lim, maxval=lim, dtype=jnp.float32)
    bias = jnp.zeros((VOCAB,), dtype=jnp.float32)
    context_bias = jnp.zeros((VOCAB,), dtype=jnp.float32)
    return {"i": i, "j": j, "embedding": embedding, "context_embedding": context_embedding, "bias": bias, "context_bias": context_bias}

def reference(i, j, embedding, context_embedding, bias, context_bias):
    w_i = jnp.take(embedding, i, axis=0)
    w_j = jnp.take(context_embedding, j, axis=0)
    b_i = jnp.take(bias, i, axis=0)
    b_j = jnp.take(context_bias, j, axis=0)
    return jnp.sum(w_i * w_j, axis=1) + b_i + b_j

if __name__ == "__main__":
    import jax
    _d = setup_inputs()
    print(jax.jit(kernel)(*tuple(_d.values())))

</pallas_src>

<mosaic_0001>
#map = affine_map<(d0, d1) -> (0)>
#map1 = affine_map<(d0, d1) -> (0, 0)>
module attributes {stable_mosaic.version = 14 : i64} {
  func.func @_glove_sc(%arg0: i32, %arg1: i32, %arg2: memref<16384xi32, #tpu.memory_space<hbm>>, %arg3: memref<16384xi32, #tpu.memory_space<hbm>>, %arg4: memref<100000x128xf32, #tpu.memory_space<hbm>>, %arg5: memref<100000x128xf32, #tpu.memory_space<hbm>>, %arg6: memref<100000xf32, #tpu.memory_space<hbm>>, %arg7: memref<100000xf32, #tpu.memory_space<hbm>>, %arg8: memref<16384xf32, #tpu.memory_space<hbm>>, %arg9: memref<512xi32, #tpu.memory_space<vmem>>, %arg10: memref<512xi32, #tpu.memory_space<vmem>>, %arg11: memref<512xf32, #tpu.memory_space<vmem>>, %arg12: memref<512xf32, #tpu.memory_space<vmem>>, %arg13: memref<128x128xf32, #tpu.memory_space<vmem>>, %arg14: memref<128x128xf32, #tpu.memory_space<vmem>>, %arg15: memref<128x128xf32, #tpu.memory_space<vmem>>, %arg16: memref<128x128xf32, #tpu.memory_space<vmem>>, %arg17: memref<128x128xf32, #tpu.memory_space<vmem>>, %arg18: memref<128x128xf32, #tpu.memory_space<vmem>>, %arg19: memref<512xf32, #tpu.memory_space<vmem>>, %arg20: memref<!tpu.dma_semaphore, #tpu.memory_space<semaphore_mem>>, %arg21: memref<!tpu.dma_semaphore, #tpu.memory_space<semaphore_mem>>, %arg22: memref<!tpu.dma_semaphore, #tpu.memory_space<semaphore_mem>>, %arg23: memref<!tpu.dma_semaphore, #tpu.memory_space<semaphore_mem>>, %arg24: memref<!tpu.dma_semaphore, #tpu.memory_space<semaphore_mem>>, %arg25: memref<!tpu.dma_semaphore, #tpu.memory_space<semaphore_mem>>) attributes {dimension_semantics = [#tpu.dimension_semantics<core_parallel>, #tpu.dimension_semantics<subcore_parallel>], iteration_bounds = array<i64: 2, 16>, scalar_prefetch = 0 : i64, scratch_operands = 17 : i64, tpu.core_type = #tpu.core_type<sc_vector_subcore>, window_params = [{transform_indices = #map}, {transform_indices = #map}, {transform_indices = #map1}, {transform_indices = #map1}, {transform_indices = #map}, {transform_indices = #map}, {transform_indices = #map}]} {
    %mul3A = arith.constant 2 : i32
    %mul3A_0 = arith.muli %arg1, %mul3A : i32
    %add3A = arith.addi %mul3A_0, %arg0 : i32
    %mul3A_1 = arith.constant 512 : i32
    %mul3A_2 = arith.muli %add3A, %mul3A_1 : i32
    %dma_start3A = tpu.memref_slice %arg2[%mul3A_2] : memref<16384xi32, #tpu.memory_space<hbm>> -> memref<512xi32, #tpu.memory_space<hbm>>
    %dma_start3A_3 = tpu.memref_slice %arg2[%mul3A_2] : memref<16384xi32, #tpu.memory_space<hbm>> -> memref<512xi32, #tpu.memory_space<hbm>>
    tpu.enqueue_dma source(%dma_start3A_3 : memref<512xi32, #tpu.memory_space<hbm>>) target(%arg9 : memref<512xi32, #tpu.memory_space<vmem>>) target_semaphore(%arg20 : memref<!tpu.dma_semaphore, #tpu.memory_space<semaphore_mem>>)
    %dma_start3A_4 = tpu.memref_slice %arg3[%mul3A_2] : memref<16384xi32, #tpu.memory_space<hbm>> -> memref<512xi32, #tpu.memory_space<hbm>>
    %dma_start3A_5 = tpu.memref_slice %arg3[%mul3A_2] : memref<16384xi32, #tpu.memory_space<hbm>> -> memref<512xi32, #tpu.memory_space<hbm>>
    tpu.enqueue_dma source(%dma_start3A_5 : memref<512xi32, #tpu.memory_space<hbm>>) target(%arg10 : memref<512xi32, #tpu.memory_space<vmem>>) target_semaphore(%arg21 : memref<!tpu.dma_semaphore, #tpu.memory_space<semaphore_mem>>)
    %dma_wait3A = tpu.memref_slice %arg2[%mul3A_2] : memref<16384xi32, #tpu.memory_space<hbm>> -> memref<512xi32, #tpu.memory_space<hbm>>
    %dma_wait3A_6 = tpu.memref_slice %arg2[%mul3A_2] : memref<16384xi32, #tpu.memory_space<hbm>> -> memref<512xi32, #tpu.memory_space<hbm>>
    tpu.wait_dma2 semaphore(%arg20 : memref<!tpu.dma_semaphore, #tpu.memory_space<semaphore_mem>>) src(%dma_wait3A_6 : memref<512xi32, #tpu.memory_space<hbm>>) dst(%arg9 : memref<512xi32, #tpu.memory_space<vmem>>)
    %dma_wait3A_7 = tpu.memref_slice %arg3[%mul3A_2] : memref<16384xi32, #tpu.memory_space<hbm>> -> memref<512xi32, #tpu.memory_space<hbm>>
    %dma_wait3A_8 = tpu.memref_slice %arg3[%mul3A_2] : memref<16384xi32, #tpu.memory_space<hbm>> -> memref<512xi32, #tpu.memory_space<hbm>>
    tpu.wait_dma2 semaphore(%arg21 : memref<!tpu.dma_semaphore, #tpu.memory_space<semaphore_mem>>) src(%dma_wait3A_8 : memref<512xi32, #tpu.memory_space<hbm>>) dst(%arg10 : memref<512xi32, #tpu.memory_space<vmem>>)
    %dma_start3A_9 = arith.constant 0 : i32
    %dma_start3A_10 = arith.constant 0 : i32
    %dma_start3A_11 = tpu.memref_slice %arg13[%dma_start3A_9, %dma_start3A_10] : memref<128x128xf32, #tpu.memory_space<vmem>> -> memref<128x128xf32, #tpu.memory_space<vmem>>
    %dma_start3A_12 = arith.constant 0 : i32
    %dma_start3A_13 = tpu.memref_slice %arg9[%dma_start3A_12] : memref<512xi32, #tpu.memory_space<vmem>> -> memref<128xi32, #tpu.memory_space<vmem>>
    %dma_start3A_14 = arith.constant 0 : i32
    %dma_start3A_15 = arith.constant 0 : i32
    %dma_start3A_16 = tpu.memref_slice %arg4[%dma_start3A_14, %dma_start3A_15] : memref<100000x128xf32, #tpu.memory_space<hbm>> -> memref<100000x128xf32, #tpu.memory_space<hbm>>
    tpu.enqueue_indirect_dma source(%dma_start3A_16 : memref<100000x128xf32, #tpu.memory_space<hbm>>) target(%dma_start3A_11 : memref<128x128xf32, #tpu.memory_space<vmem>>) offsets(%dma_start3A_13 : memref<128xi32, #tpu.memory_space<vmem>>) semaphore(%arg20 : memref<!tpu.dma_semaphore, #tpu.memory_space<semaphore_mem>>)
    %dma_start3A_17 = arith.constant 0 : i32
    %dma_start3A_18 = arith.constant 0 : i32
    %dma_start3A_19 = tpu.memref_slice %arg14[%dma_start3A_17, %dma_start3A_18] : memref<128x128xf32, #tpu.memory_space<vmem>> -> memref<128x128xf32, #tpu.memory_space<vmem>>
    %dma_start3A_20 = arith.constant 0 : i32
    %dma_start3A_21 = tpu.memref_slice %arg10[%dma_start3A_20] : memref<512xi32, #tpu.memory_space<vmem>> -> memref<128xi32, #tpu.memory_space<vmem>>
    %dma_start3A_22 = arith.constant 0 : i32
    %dma_start3A_23 = arith.constant 0 : i32
    %dma_start3A_24 = tpu.memref_slice %arg5[%dma_start3A_22, %dma_start3A_23] : memref<100000x128xf32, #tpu.memory_space<hbm>> -> memref<100000x128xf32, #tpu.memory_space<hbm>>
    tpu.enqueue_indirect_dma source(%dma_start3A_24 : memref<100000x128xf32, #tpu.memory_space<hbm>>) target(%dma_start3A_19 : memref<128x128xf32, #tpu.memory_space<vmem>>) offsets(%dma_start3A_21 : memref<128xi32, #tpu.memory_space<vmem>>) semaphore(%arg20 : memref<!tpu.dma_semaphore, #tpu.memory_space<semaphore_mem>>)
    %dma_start3A_25 = arith.constant 0 : i32
    %dma_start3A_26 = tpu.memref_slice %arg11[%dma_start3A_25] : memref<512xf32, #tpu.memory_space<vmem>> -> memref<128xf32, #tpu.memory_space<vmem>>
    %dma_start3A_27 = arith.constant 0 : i32
    %dma_start3A_28 = tpu.memref_slice %arg9[%dma_start3A_27] : memref<512xi32, #tpu.memory_space<vmem>> -> memref<128xi32, #tpu.memory_space<vmem>>
    %dma_start3A_29 = arith.constant 0 : i32
    %dma_start3A_30 = tpu.memref_slice %arg6[%dma_start3A_29] : memref<100000xf32, #tpu.memory_space<hbm>> -> memref<100000xf32, #tpu.memory_space<hbm>>
    tpu.enqueue_indirect_dma source(%dma_start3A_30 : memref<100000xf32, #tpu.memory_space<hbm>>) target(%dma_start3A_26 : memref<128xf32, #tpu.memory_space<vmem>>) offsets(%dma_start3A_28 : memref<128xi32, #tpu.memory_space<vmem>>) semaphore(%arg23 : memref<!tpu.dma_semaphore, #tpu.memory_space<semaphore_mem>>)
    %dma_start3A_31 = arith.constant 0 : i32
    %dma_start3A_32 = tpu.memref_slice %arg12[%dma_start3A_31] : memref<512xf32, #tpu.memory_space<vmem>> -> memref<128xf32, #tpu.memory_space<vmem>>
    %dma_start3A_33 = arith.constant 0 : i32
    %dma_start3A_34 = tpu.memref_slice %arg10[%dma_start3A_33] : memref<512xi32, #tpu.memory_space<vmem>> -> memref<128xi32, #tpu.memory_space<vmem>>
    %dma_start3A_35 = arith.constant 0 : i32
    %dma_start3A_36 = tpu.memref_slice %arg7[%dma_start3A_35] : memref<100000xf32, #tpu.memory_space<hbm>> -> memref<100000xf32, #tpu.memory_space<hbm>>
    tpu.enqueue_indirect_dma source(%dma_start3A_36 : memref<100000xf32, #tpu.memory_space<hbm>>) target(%dma_start3A_32 : memref<128xf32, #tpu.memory_space<vmem>>) offsets(%dma_start3A_34 : memref<128xi32, #tpu.memory_space<vmem>>) semaphore(%arg24 : memref<!tpu.dma_semaphore, #tpu.memory_space<semaphore_mem>>)
    %dma_start3A_37 = arith.constant 0 : i32
    %dma_start3A_38 = arith.constant 0 : i32
    %dma_start3A_39 = tpu.memref_slice %arg15[%dma_start3A_37, %dma_start3A_38] : memref<128x128xf32, #tpu.memory_space<vmem>> -> memref<128x128xf32, #tpu.memory_space<vmem>>
    %dma_start3A_40 = arith.constant 128 : i32
    %dma_start3A_41 = tpu.memref_slice %arg9[%dma_start3A_40] : memref<512xi32, #tpu.memory_space<vmem>> -> memref<128xi32, #tpu.memory_space<vmem>>
    %dma_start3A_42 = arith.constant 0 : i32
    %dma_start3A_43 = arith.constant 0 : i32
    %dma_start3A_44 = tpu.memref_slice %arg4[%dma_start3A_42, %dma_start3A_43] : memref<100000x128xf32, #tpu.memory_space<hbm>> -> memref<100000x128xf32, #tpu.memory_space<hbm>>
    tpu.enqueue_indirect_dma source(%dma_start3A_44 : memref<100000x128xf32, #tpu.memory_space<hbm>>) target(%dma_start3A_39 : memref<128x128xf32, #tpu.memory_space<vmem>>) offsets(%dma_start3A_41 : memref<128xi32, #tpu.memory_space<vmem>>) semaphore(%arg21 : memref<!tpu.dma_semaphore, #tpu.memory_space<semaphore_mem>>)
    %dma_start3A_45 = arith.constant 0 : i32
    %dma_start3A_46 = arith.constant 0 : i32
    %dma_start3A_47 = tpu.memref_slice %arg16[%dma_start3A_45, %dma_start3A_46] : memref<128x128xf32, #tpu.memory_space<vmem>> -> memref<128x128xf32, #tpu.memory_space<vmem>>
    %dma_start3A_48 = arith.constant 128 : i32
    %dma_start3A_49 = tpu.memref_slice %arg10[%dma_start3A_48] : memref<512xi32, #tpu.memory_space<vmem>> -> memref<128xi32, #tpu.memory_space<vmem>>
    %dma_start3A_50 = arith.constant 0 : i32
    %dma_start3A_51 = arith.constant 0 : i32
    %dma_start3A_52 = tpu.memref_slice %arg5[%dma_start3A_50, %dma_start3A_51] : memref<100000x128xf32, #tpu.memory_space<hbm>> -> memref<100000x128xf32, #tpu.memory_space<hbm>>
    tpu.enqueue_indirect_dma source(%dma_start3A_52 : memref<100000x128xf32, #tpu.memory_space<hbm>>) target(%dma_start3A_47 : memref<128x128xf32, #tpu.memory_space<vmem>>) offsets(%dma_start3A_49 : memref<128xi32, #tpu.memory_space<vmem>>) semaphore(%arg21 : memref<!tpu.dma_semaphore, #tpu.memory_space<semaphore_mem>>)
    %dma_start3A_53 = arith.constant 128 : i32
    %dma_start3A_54 = tpu.memref_slice %arg11[%dma_start3A_53] : memref<512xf32, #tpu.memory_space<vmem>> -> memref<128xf32, #tpu.memory_space<vmem>>
    %dma_start3A_55 = arith.constant 128 : i32
    %dma_start3A_56 = tpu.memref_slice %arg9[%dma_start3A_55] : memref<512xi32, #tpu.memory_space<vmem>> -> memref<128xi32, #tpu.memory_space<vmem>>
    %dma_start3A_57 = arith.constant 0 : i32
    %dma_start3A_58 = tpu.memref_slice %arg6[%dma_start3A_57] : memref<100000xf32, #tpu.memory_space<hbm>> -> memref<100000xf32, #tpu.memory_space<hbm>>
    tpu.enqueue_indirect_dma source(%dma_start3A_58 : memref<100000xf32, #tpu.memory_space<hbm>>) target(%dma_start3A_54 : memref<128xf32, #tpu.memory_space<vmem>>) offsets(%dma_start3A_56 : memref<128xi32, #tpu.memory_space<vmem>>) semaphore(%arg23 : memref<!tpu.dma_semaphore, #tpu.memory_space<semaphore_mem>>)
    %dma_start3A_59 = arith.constant 128 : i32
    %dma_start3A_60 = tpu.memref_slice %arg12[%dma_start3A_59] : memref<512xf32, #tpu.memory_space<vmem>> -> memref<128xf32, #tpu.memory_space<vmem>>
    %dma_start3A_61 = arith.constant 128 : i32
    %dma_start3A_62 = tpu.memref_slice %arg10[%dma_start3A_61] : memref<512xi32, #tpu.memory_space<vmem>> -> memref<128xi32, #tpu.memory_space<vmem>>
    %dma_start3A_63 = arith.constant 0 : i32
    %dma_start3A_64 = tpu.memref_slice %arg7[%dma_start3A_63] : memref<100000xf32, #tpu.memory_space<hbm>> -> memref<100000xf32, #tpu.memory_space<hbm>>
    tpu.enqueue_indirect_dma source(%dma_start3A_64 : memref<100000xf32, #tpu.memory_space<hbm>>) target(%dma_start3A_60 : memref<128xf32, #tpu.memory_space<vmem>>) offsets(%dma_start3A_62 : memref<128xi32, #tpu.memory_space<vmem>>) semaphore(%arg24 : memref<!tpu.dma_semaphore, #tpu.memory_space<semaphore_mem>>)
    %iota3A = tpu.iota {dimensions = array<i32: 0>} : vector<16xi32>
    %xor3A = arith.constant 8 : i32
    %xor3A_65 = vector.broadcast %xor3A : i32 to vector<16xi32>
    %xor3A_66 = arith.xori %iota3A, %xor3A_65 : vector<16xi32>
    %xor3A_67 = arith.constant 4 : i32
    %xor3A_68 = vector.broadcast %xor3A_67 : i32 to vector<16xi32>
    %xor3A_69 = arith.xori %iota3A, %xor3A_68 : vector<16xi32>
    %xor3A_70 = arith.constant 2 : i32
    %xor3A_71 = vector.broadcast %xor3A_70 : i32 to vector<16xi32>
    %xor3A_72 = arith.xori %iota3A, %xor3A_71 : vector<16xi32>
    %xor3A_73 = arith.constant 1 : i32
    %xor3A_74 = vector.broadcast %xor3A_73 : i32 to vector<16xi32>
    %xor3A_75 = arith.xori %iota3A, %xor3A_74 : vector<16xi32>
    %and3A = arith.constant 8 : i32
    %and3A_76 = vector.broadcast %and3A : i32 to vector<16xi32>
    %and3A_77 = arith.andi %iota3A, %and3A_76 : vector<16xi32>
    %eq3A = arith.constant 0 : i32
    %eq3A_78 = vector.broadcast %eq3A : i32 to vector<16xi32>
    %eq3A_79 = arith.cmpi eq, %and3A_77, %eq3A_78 : vector<16xi32>
    %and3A_80 = arith.constant 4 : i32
    %and3A_81 = vector.broadcast %and3A_80 : i32 to vector<16xi32>
    %and3A_82 = arith.andi %iota3A, %and3A_81 : vector<16xi32>
    %eq3A_83 = arith.constant 0 : i32
    %eq3A_84 = vector.broadcast %eq3A_83 : i32 to vector<16xi32>
    %eq3A_85 = arith.cmpi eq, %and3A_82, %eq3A_84 : vector<16xi32>
    %and3A_86 = arith.constant 2 : i32
    %and3A_87 = vector.broadcast %and3A_86 : i32 to vector<16xi32>
    %and3A_88 = arith.andi %iota3A, %and3A_87 : vector<16xi32>
    %eq3A_89 = arith.constant 0 : i32
    %eq3A_90 = vector.broadcast %eq3A_89 : i32 to vector<16xi32>
    %eq3A_91 = arith.cmpi eq, %and3A_88, %eq3A_90 : vector<16xi32>
    %and3A_92 = arith.constant 1 : i32
    %and3A_93 = vector.broadcast %and3A_92 : i32 to vector<16xi32>
    %and3A_94 = arith.andi %iota3A, %and3A_93 : vector<16xi32>
    %eq3A_95 = arith.constant 0 : i32
    %eq3A_96 = vector.broadcast %eq3A_95 : i32 to vector<16xi32>
    %eq3A_97 = arith.cmpi eq, %and3A_94, %eq3A_96 : vector<16xi32>
    %dma_wait3A_98 = arith.constant 0 : i32
    %dma_wait3A_99 = arith.constant 0 : i32
    %dma_wait3A_100 = tpu.memref_slice %arg13[%dma_wait3A_98, %dma_wait3A_99] : memref<128x128xf32, #tpu.memory_space<vmem>> -> memref<128x128xf32, #tpu.memory_space<vmem>>
    %dma_wait3A_101 = arith.constant 0 : i32
    %dma_wait3A_102 = tpu.memref_slice %arg9[%dma_wait3A_101] : memref<512xi32, #tpu.memory_space<vmem>> -> memref<128xi32, #tpu.memory_space<vmem>>
    %dma_wait3A_103 = arith.constant 0 : i32
    %dma_wait3A_104 = arith.constant 0 : i32
    %dma_wait3A_105 = tpu.memref_slice %arg4[%dma_wait3A_103, %dma_wait3A_104] : memref<100000x128xf32, #tpu.memory_space<hbm>> -> memref<100000x128xf32, #tpu.memory_space<hbm>>
    tpu.wait_indirect_dma semaphore(%arg20 : memref<!tpu.dma_semaphore, #tpu.memory_space<semaphore_mem>>) src(%dma_wait3A_105 : memref<100000x128xf32, #tpu.memory_space<hbm>>) dst(%dma_wait3A_100 : memref<128x128xf32, #tpu.memory_space<vmem>>)
    %dma_wait3A_106 = arith.constant 0 : i32
    %dma_wait3A_107 = arith.constant 0 : i32
    %dma_wait3A_108 = tpu.memref_slice %arg14[%dma_wait3A_106, %dma_wait3A_107] : memref<128x128xf32, #tpu.memory_space<vmem>> -> memref<128x128xf32, #tpu.memory_space<vmem>>
    %dma_wait3A_109 = arith.constant 0 : i32
    %dma_wait3A_110 = tpu.memref_slice %arg10[%dma_wait3A_109] : memref<512xi32, #tpu.memory_space<vmem>> -> memref<128xi32, #tpu.memory_space<vmem>>
    %dma_wait3A_111 = arith.constant 0 : i32
    %dma_wait3A_112 = arith.constant 0 : i32
    %dma_wait3A_113 = tpu.memref_slice %arg5[%dma_wait3A_111, %dma_wait3A_112] : memref<100000x128xf32, #tpu.memory_space<hbm>> -> memref<100000x128xf32, #tpu.memory_space<hbm>>
    tpu.wait_indirect_dma semaphore(%arg20 : memref<!tpu.dma_semaphore, #tpu.memory_space<semaphore_mem>>) src(%dma_wait3A_113 : memref<100000x128xf32, #tpu.memory_space<hbm>>) dst(%dma_wait3A_108 : memref<128x128xf32, #tpu.memory_space<vmem>>)
    %dma_start3A_114 = arith.constant 0 : i32
    %dma_start3A_115 = arith.constant 0 : i32
    %dma_start3A_116 = tpu.memref_slice %arg17[%dma_start3A_114, %dma_start3A_115] : memref<128x128xf32, #tpu.memory_space<vmem>> -> memref<128x128xf32, #tpu.memory_space<vmem>>
    %dma_start3A_117 = arith.constant 256 : i32
    %dma_start3A_118 = tpu.memref_slice %arg9[%dma_start3A_117] : memref<512xi32, #tpu.memory_space<vmem>> -> memref<128xi32, #tpu.memory_space<vmem>>
    %dma_start3A_119 = arith.constant 0 : i32
    %dma_start3A_120 = arith.constant 0 : i32
    %dma_start3A_121 = tpu.memref_slice %arg4[%dma_start3A_119, %dma_start3A_120] : memref<100000x128xf32, #tpu.memory_space<hbm>> -> memref<100000x128xf32, #tpu.memory_space<hbm>>
    tpu.enqueue_indirect_dma source(%dma_start3A_121 : memref<100000x128xf32, #tpu.memory_space<hbm>>) target(%dma_start3A_116 : memref<128x128xf32, #tpu.memory_space<vmem>>) offsets(%dma_start3A_118 : memref<128xi32, #tpu.memory_space<vmem>>) semaphore(%arg22 : memref<!tpu.dma_semaphore, #tpu.memory_space<semaphore_mem>>)
    %dma_start3A_122 = arith.constant 0 : i32
    %dma_start3A_123 = arith.constant 0 : i32
    %dma_start3A_124 = tpu.memref_slice %arg18[%dma_start3A_122, %dma_start3A_123] : memref<128x128xf32, #tpu.memory_space<vmem>> -> memref<128x128xf32, #tpu.memory_space<vmem>>
    %dma_start3A_125 = arith.constant 256 : i32
    %dma_start3A_126 = tpu.memref_slice %arg10[%dma_start3A_125] : memref<512xi32, #tpu.memory_space<vmem>> -> memref<128xi32, #tpu.memory_space<vmem>>
    %dma_start3A_127 = arith.constant 0 : i32
    %dma_start3A_128 = arith.constant 0 : i32
    %dma_start3A_129 = tpu.memref_slice %arg5[%dma_start3A_127, %dma_start3A_128] : memref<100000x128xf32, #tpu.memory_space<hbm>> -> memref<100000x128xf32, #tpu.memory_space<hbm>>
    tpu.enqueue_indirect_dma source(%dma_start3A_129 : memref<100000x128xf32, #tpu.memory_space<hbm>>) target(%dma_start3A_124 : memref<128x128xf32, #tpu.memory_space<vmem>>) offsets(%dma_start3A_126 : memref<128xi32, #tpu.memory_space<vmem>>) semaphore(%arg22 : memref<!tpu.dma_semaphore, #tpu.memory_space<semaphore_mem>>)
    %dma_start3A_130 = arith.constant 256 : i32
    %dma_start3A_131 = tpu.memref_slice %arg11[%dma_start3A_130] : memref<512xf32, #tpu.memory_space<vmem>> -> memref<128xf32, #tpu.memory_space<vmem>>
    %dma_start3A_132 = arith.constant 256 : i32
    %dma_start3A_133 = tpu.memref_slice %arg9[%dma_start3A_132] : memref<512xi32, #tpu.memory_space<vmem>> -> memref<128xi32, #tpu.memory_space<vmem>>
    %dma_start3A_134 = arith.constant 0 : i32
    %dma_start3A_135 = tpu.memref_slice %arg6[%dma_start3A_134] : memref<100000xf32, #tpu.memory_space<hbm>> -> memref<100000xf32, #tpu.memory_space<hbm>>
    tpu.enqueue_indirect_dma source(%dma_start3A_135 : memref<100000xf32, #tpu.memory_space<hbm>>) target(%dma_start3A_131 : memref<128xf32, #tpu.memory_space<vmem>>) offsets(%dma_start3A_133 : memref<128xi32, #tpu.memory_space<vmem>>) semaphore(%arg23 : memref<!tpu.dma_semaphore, #tpu.memory_space<semaphore_mem>>)
    %dma_start3A_136 = arith.constant 256 : i32
    %dma_start3A_137 = tpu.memref_slice %arg12[%dma_start3A_136] : memref<512xf32, #tpu.memory_space<vmem>> -> memref<128xf32, #tpu.memory_space<vmem>>
    %dma_start3A_138 = arith.constant 256 : i32
    %dma_start3A_139 = tpu.memref_slice %arg10[%dma_start3A_138] : memref<512xi32, #tpu.memory_space<vmem>> -> memref<128xi32, #tpu.memory_space<vmem>>
    %dma_start3A_140 = arith.constant 0 : i32
    %dma_start3A_141 = tpu.memref_slice %arg7[%dma_start3A_140] : memref<100000xf32, #tpu.memory_space<hbm>> -> memref<100000xf32, #tpu.memory_space<hbm>>
    tpu.enqueue_indirect_dma source(%dma_start3A_141 : memref<100000xf32, #tpu.memory_space<hbm>>) target(%dma_start3A_137 : memref<128xf32, #tpu.memory_space<vmem>>) offsets(%dma_start3A_139 : memref<128xi32, #tpu.memory_space<vmem>>) semaphore(%arg24 : memref<!tpu.dma_semaphore, #tpu.memory_space<semaphore_mem>>)
    %dma_wait3A_142 = arith.constant 0 : i32
    %dma_wait3A_143 = tpu.memref_slice %arg11[%dma_wait3A_142] : memref<512xf32, #tpu.memory_space<vmem>> -> memref<128xf32, #tpu.memory_space<vmem>>
    %dma_wait3A_144 = arith.constant 0 : i32
    %dma_wait3A_145 = tpu.memref_slice %arg9[%dma_wait3A_144] : memref<512xi32, #tpu.memory_space<vmem>> -> memref<128xi32, #tpu.memory_space<vmem>>
    %dma_wait3A_146 = arith.constant 0 : i32
    %dma_wait3A_147 = tpu.memref_slice %arg6[%dma_wait3A_146] : memref<100000xf32, #tpu.memory_space<hbm>> -> memref<100000xf32, #tpu.memory_space<hbm>>
    tpu.wait_indirect_dma semaphore(%arg23 : memref<!tpu.dma_semaphore, #tpu.memory_space<semaphore_mem>>) src(%dma_wait3A_147 : memref<100000xf32, #tpu.memory_space<hbm>>) dst(%dma_wait3A_143 : memref<128xf32, #tpu.memory_space<vmem>>)
    %dma_wait3A_148 = arith.constant 0 : i32
    %dma_wait3A_149 = tpu.memref_slice %arg12[%dma_wait3A_148] : memref<512xf32, #tpu.memory_space<vmem>> -> memref<128xf32, #tpu.memory_space<vmem>>
    %dma_wait3A_150 = arith.constant 0 : i32
    %dma_wait3A_151 = tpu.memref_slice %arg10[%dma_wait3A_150] : memref<512xi32, #tpu.memory_space<vmem>> -> memref<128xi32, #tpu.memory_space<vmem>>
    %dma_wait3A_152 = arith.constant 0 : i32
    %dma_wait3A_153 = tpu.memref_slice %arg7[%dma_wait3A_152] : memref<100000xf32, #tpu.memory_space<hbm>> -> memref<100000xf32, #tpu.memory_space<hbm>>
    tpu.wait_indirect_dma semaphore(%arg24 : memref<!tpu.dma_semaphore, #tpu.memory_space<semaphore_mem>>) src(%dma_wait3A_153 : memref<100000xf32, #tpu.memory_space<hbm>>) dst(%dma_wait3A_149 : memref<128xf32, #tpu.memory_space<vmem>>)
    %scan3A = arith.constant 0 : i32
    %scan3A_154 = arith.constant 0 : i32
    %scan3A_155 = arith.constant 8 : i32
    %scan3A_156 = arith.addi %scan3A_154, %scan3A_155 : i32
    %scan3A_157 = arith.constant 1 : i32
    %scan3A_158 = scf.for %scan3A_349 = %scan3A_154 to %scan3A_156 step %scan3A_157 iter_args(%scan3A_350 = %scan3A) -> (i32)  : i32 {
      %mul3A_351 = arith.constant 16 : i32
      %mul3A_352 = arith.muli %scan3A_349, %mul3A_351 : i32
      %broadcast_in_dim3A = arith.constant 0.000000e+00 : f32
      %broadcast_in_dim3A_353 = vector.broadcast %broadcast_in_dim3A : f32 to vector<16xf32>
      %scan3A_354 = arith.constant 0 : i32
      %scan3A_355 = arith.constant 8 : i32
      %scan3A_356 = arith.addi %scan3A_354, %scan3A_355 : i32
      %scan3A_357 = arith.constant 1 : i32
      %scan3A_358:16 = scf.for %scan3A_565 = %scan3A_354 to %scan3A_356 step %scan3A_357 iter_args(%scan3A_566 = %broadcast_in_dim3A_353, %scan3A_567 = %broadcast_in_dim3A_353, %scan3A_568 = %broadcast_in_dim3A_353, %scan3A_569 = %broadcast_in_dim3A_353, %scan3A_570 = %broadcast_in_dim3A_353, %scan3A_571 = %broadcast_in_dim3A_353, %scan3A_572 = %broadcast_in_dim3A_353, %scan3A_573 = %broadcast_in_dim3A_353, %scan3A_574 = %broadcast_in_dim3A_353, %scan3A_575 = %broadcast_in_dim3A_353, %scan3A_576 = %broadcast_in_dim3A_353, %scan3A_577 = %broadcast_in_dim3A_353, %scan3A_578 = %broadcast_in_dim3A_353, %scan3A_579 = %broadcast_in_dim3A_353, %scan3A_580 = %broadcast_in_dim3A_353, %scan3A_581 = %broadcast_in_dim3A_353) -> (vector<16xf32>, vector<16xf32>, vector<16xf32>, vector<16xf32>, vector<16xf32>, vector<16xf32>, vector<16xf32>, vector<16xf32>, vector<16xf32>, vector<16xf32>, vector<16xf32>, vector<16xf32>, vector<16xf32>, vector<16xf32>, vector<16xf32>, vector<16xf32>)  : i32 {
        %mul3A_582 = arith.constant 16 : i32
        %mul3A_583 = arith.muli %scan3A_565, %mul3A_582 : i32
        %add3A_584 = arith.constant 0 : i32
        %add3A_585 = arith.addi %mul3A_352, %add3A_584 : i32
        %get3A_586 = arith.index_cast %add3A_585 : i32 to index
        %get3A_587 = arith.index_cast %mul3A_583 : i32 to index
        %get3A_588 = tpu.vector_load %arg13[%get3A_586, %get3A_587] {strides = array<i32>} : memref<128x128xf32, #tpu.memory_space<vmem>>, vector<1x16xf32>,
        %get3A_589 = vector.shape_cast %get3A_588 : vector<1x16xf32> to vector<16xf32>
        %add3A_590 = arith.constant 0 : i32
        %add3A_591 = arith.addi %mul3A_352, %add3A_590 : i32
        %get3A_592 = arith.index_cast %add3A_591 : i32 to index
        %get3A_593 = arith.index_cast %mul3A_583 : i32 to index
        %get3A_594 = tpu.vector_load %arg14[%get3A_592, %get3A_593] {strides = array<i32>} : memref<128x128xf32, #tpu.memory_space<vmem>>, vector<1x16xf32>,
        %get3A_595 = vector.shape_cast %get3A_594 : vector<1x16xf32> to vector<16xf32>
        %mul3A_596 = arith.mulf %get3A_589, %get3A_595 : vector<16xf32>
        %add3A_597 = arith.addf %scan3A_566, %mul3A_596 : vector<16xf32>
        %add3A_598 = arith.constant 1 : i32
        %add3A_599 = arith.addi %mul3A_352, %add3A_598 : i32
        %get3A_600 = arith.index_cast %add3A_599 : i32 to index
        %get3A_601 = arith.index_cast %mul3A_583 : i32 to index
        %get3A_602 = tpu.vector_load %arg13[%get3A_600, %get3A_601] {strides = array<i32>} : memref<128x128xf32, #tpu.memory_space<vmem>>, vector<1x16xf32>,
        %get3A_603 = vector.shape_cast %get3A_602 : vector<1x16xf32> to vector<16xf32>
        %add3A_604 = arith.constant 1 : i32
        %add3A_605 = arith.addi %mul3A_352, %add3A_604 : i32
        %get3A_606 = arith.index_cast %add3A_605 : i32 to index
        %get3A_607 = arith.index_cast %mul3A_583 : i32 to index
        %get3A_608 = tpu.vector_load %arg14[%get3A_606, %get3A_607] {strides = array<i32>} : memref<128x128xf32, #tpu.memory_space<vmem>>, vector<1x16xf32>,
        %get3A_609 = vector.shape_cast %get3A_608 : vector<1x16xf32> to vector<16xf32>
        %mul3A_610 = arith.mulf %get3A_603, %get3A_609 : vector<16xf32>
        %add3A_611 = arith.addf %scan3A_567, %mul3A_610 : vector<16xf32>
        %add3A_612 = arith.constant 2 : i32
        %add3A_613 = arith.addi %mul3A_352, %add3A_612 : i32
        %get3A_614 = arith.index_cast %add3A_613 : i32 to index
        %get3A_615 = arith.index_cast %mul3A_583 : i32 to index
        %get3A_616 = tpu.vector_load %arg13[%get3A_614, %get3A_615] {strides = array<i32>} : memref<128x128xf32, #tpu.memory_space<vmem>>, vector<1x16xf32>,
        %get3A_617 = vector.shape_cast %get3A_616 : vector<1x16xf32> to vector<16xf32>
        %add3A_618 = arith.constant 2 : i32
        %add3A_619 = arith.addi %mul3A_352, %add3A_618 : i32
        %get3A_620 = arith.index_cast %add3A_619 : i32 to index
        %get3A_621 = arith.index_cast %mul3A_583 : i32 to index
        %get3A_622 = tpu.vector_load %arg14[%get3A_620, %get3A_621] {strides = array<i32>} : memref<128x128xf32, #tpu.memory_space<vmem>>, vector<1x16xf32>,
        %get3A_623 = vector.shape_cast %get3A_622 : vector<1x16xf32> to vector<16xf32>
        %mul3A_624 = arith.mulf %get3A_617, %get3A_623 : vector<16xf32>
        %add3A_625 = arith.addf %scan3A_568, %mul3A_624 : vector<16xf32>
        %add3A_626 = arith.constant 3 : i32
        %add3A_627 = arith.addi %mul3A_352, %add3A_626 : i32
        %get3A_628 = arith.index_cast %add3A_627 : i32 to index
        %get3A_629 = arith.index_cast %mul3A_583 : i32 to index
        %get3A_630 = tpu.vector_load %arg13[%get3A_628, %get3A_629] {strides = array<i32>} : memref<128x128xf32, #tpu.memory_space<vmem>>, vector<1x16xf32>,
        %get3A_631 = vector.shape_cast %get3A_630 : vector<1x16xf32> to vector<16xf32>
        %add3A_632 = arith.constant 3 : i32
        %add3A_633 = arith.addi %mul3A_352, %add3A_632 : i32
        %get3A_634 = arith.index_cast %add3A_633 : i32 to index
        %get3A_635 = arith.index_cast %mul3A_583 : i32 to index
        %get3A_636 = tpu.vector_load %arg14[%get3A_634, %get3A_635] {strides = array<i32>} : memref<128x128xf32, #tpu.memory_space<vmem>>, vector<1x16xf32>,
        %get3A_637 = vector.shape_cast %get3A_636 : vector<1x16xf32> to vector<16xf32>
        %mul3A_638 = arith.mulf %get3A_631, %get3A_637 : vector<16xf32>
        %add3A_639 = arith.addf %scan3A_569, %mul3A_638 : vector<16xf32>
        %add3A_640 = arith.constant 4 : i32
        %add3A_641 = arith.addi %mul3A_352, %add3A_640 : i32
        %get3A_642 = arith.index_cast %add3A_641 : i32 to index
        %get3A_643 = arith.index_cast %mul3A_583 : i32 to index
        %get3A_644 = tpu.vector_load %arg13[%get3A_642, %get3A_643] {strides = array<i32>} : memref<128x128xf32, #tpu.memory_space<vmem>>, vector<1x16xf32>,
        %get3A_645 = vector.shape_cast %get3A_644 : vector<1x16xf32> to vector<16xf32>
        %add3A_646 = arith.constant 4 : i32
        %add3A_647 = arith.addi %mul3A_352, %add3A_646 : i32
        %get3A_648 = arith.index_cast %add3A_647 : i32 to index
        %get3A_649 = arith.index_cast %mul3A_583 : i32 to index
        %get3A_650 = tpu.vector_load %arg14[%get3A_648, %get3A_649] {strides = array<i32>} : memref<128x128xf32, #tpu.memory_space<vmem>>, vector<1x16xf32>,
        %get3A_651 = vector.shape_cast %get3A_650 : vector<1x16xf32> to vector<16xf32>
        %mul3A_652 = arith.mulf %get3A_645, %get3A_651 : vector<16xf32>
        %add3A_653 = arith.addf %scan3A_570, %mul3A_652 : vector<16xf32>
        %add3A_654 = arith.constant 5 : i32
        %add3A_655 = arith.addi %mul3A_352, %add3A_654 : i32
        %get3A_656 = arith.index_cast %add3A_655 : i32 to index
        %get3A_657 = arith.index_cast %mul3A_583 : i32 to index
        %get3A_658 = tpu.vector_load %arg13[%get3A_656, %get3A_657] {strides = array<i32>} : memref<128x128xf32, #tpu.memory_space<vmem>>, vector<1x16xf32>,
        %get3A_659 = vector.shape_cast %get3A_658 : vector<1x16xf32> to vector<16xf32>
        %add3A_660 = arith.constant 5 : i32
        %add3A_661 = arith.addi %mul3A_352, %add3A_660 : i32
        %get3A_662 = arith.index_cast %add3A_661 : i32 to index
        %get3A_663 = arith.index_cast %mul3A_583 : i32 to index
        %get3A_664 = tpu.vector_load %arg14[%get3A_662, %get3A_663] {strides = array<i32>} : memref<128x128xf32, #tpu.memory_space<vmem>>, vector<1x16xf32>,
        %get3A_665 = vector.shape_cast %get3A_664 : vector<1x16xf32> to vector<16xf32>
        %mul3A_666 = arith.mulf %get3A_659, %get3A_665 : vector<16xf32>
        %add3A_667 = arith.addf %scan3A_571, %mul3A_666 : vector<16xf32>
        %add3A_668 = arith.constant 6 : i32
        %add3A_669 = arith.addi %mul3A_352, %add3A_668 : i32
        %get3A_670 = arith.index_cast %add3A_669 : i32 to index
        %get3A_671 = arith.index_cast %mul3A_583 : i32 to index
        %get3A_672 = tpu.vector_load %arg13[%get3A_670, %get3A_671] {strides = array<i32>} : memref<128x128xf32, #tpu.memory_space<vmem>>, vector<1x16xf32>,
        %get3A_673 = vector.shape_cast %get3A_672 : vector<1x16xf32> to vector<16xf32>
        %add3A_674 = arith.constant 6 : i32
        %add3A_675 = arith.addi %mul3A_352, %add3A_674 : i32
        %get3A_676 = arith.index_cast %add3A_675 : i32 to index
        %get3A_677 = arith.index_cast %mul3A_583 : i32 to index
        %get3A_678 = tpu.vector_load %arg14[%get3A_676, %get3A_677] {strides = array<i32>} : memref<128x128xf32, #tpu.memory_space<vmem>>, vector<1x16xf32>,
        %get3A_679 = vector.shape_cast %get3A_678 : vector<1x16xf32> to vector<16xf32>
        %mul3A_680 = arith.mulf %get3A_673, %get3A_679 : vector<16xf32>
        %add3A_681 = arith.addf %scan3A_572, %mul3A_680 : vector<16xf32>
        %add3A_682 = arith.constant 7 : i32
        %add3A_683 = arith.addi %mul3A_352, %add3A_682 : i32
        %get3A_684 = arith.index_cast %add3A_683 : i32 to index
        %get3A_685 = arith.index_cast %mul3A_583 : i32 to index
        %get3A_686 = tpu.vector_load %arg13[%get3A_684, %get3A_685] {strides = array<i32>} : memref<128x128xf32, #tpu.memory_space<vmem>>, vector<1x16xf32>,
        %get3A_687 = vector.shape_cast %get3A_686 : vector<1x16xf32> to vector<16xf32>
        %add3A_688 = arith.constant 7 : i32
        %add3A_689 = arith.addi %mul3A_352, %add3A_688 : i32
        %get3A_690 = arith.index_cast %add3A_689 : i32 to index
        %get3A_691 = arith.index_cast %mul3A_583 : i32 to index
        %get3A_692 = tpu.vector_load %arg14[%get3A_690, %get3A_691] {strides = array<i32>} : memref<128x128xf32, #tpu.memory_space<vmem>>, vector<1x16xf32>,
        %get3A_693 = vector.shape_cast %get3A_692 : vector<1x16xf32> to vector<16xf32>
        %mul3A_694 = arith.mulf %get3A_687, %get3A_693 : vector<16xf32>
        %add3A_695 = arith.addf %scan3A_573, %mul3A_694 : vector<16xf32>
        %add3A_696 = arith.constant 8 : i32
        %add3A_697 = arith.addi %mul3A_352, %add3A_696 : i32
        %get3A_698 = arith.index_cast %add3A_697 : i32 to index
        %get3A_699 = arith.index_cast %mul3A_583 : i32 to index
        %get3A_700 = tpu.vector_load %arg13[%get3A_698, %get3A_699] {strides = array<i32>} : memref<128x128xf32, #tpu.memory_space<vmem>>, vector<1x16xf32>,
        %get3A_701 = vector.shape_cast %get3A_700 : vector<1x16xf32> to vector<16xf32>
        %add3A_702 = arith.constant 8 : i32
        %add3A_703 = arith.addi %mul3A_352, %add3A_702 : i32
        %get3A_704 = arith.index_cast %add3A_703 : i32 to index
        %get3A_705 = arith.index_cast %mul3A_583 : i32 to index
        %get3A_706 = tpu.vector_load %arg14[%get3A_704, %get3A_705] {strides = array<i32>} : memref<128x128xf32, #tpu.memory_space<vmem>>, vector<1x16xf32>,
        %get3A_707 = vector.shape_cast %get3A_706 : vector<1x16xf32> to vector<16xf32>
        %mul3A_708 = arith.mulf %get3A_701, %get3A_707 : vector<16xf32>
        %add3A_709 = arith.addf %scan3A_574, %mul3A_708 : vector<16xf32>
        %add3A_710 = arith.constant 9 : i32
        %add3A_711 = arith.addi %mul3A_352, %add3A_710 : i32
        %get3A_712 = arith.index_cast %add3A_711 : i32 to index
        %get3A_713 = arith.index_cast %mul3A_583 : i32 to index
        %get3A_714 = tpu.vector_load %arg13[%get3A_712, %get3A_713] {strides = array<i32>} : memref<128x128xf32, #tpu.memory_space<vmem>>, vector<1x16xf32>,
        %get3A_715 = vector.shape_cast %get3A_714 : vector<1x16xf32> to vector<16xf32>
        %add3A_716 = arith.constant 9 : i32
        %add3A_717 = arith.addi %mul3A_352, %add3A_716 : i32
        %get3A_718 = arith.index_cast %add3A_717 : i32 to index
        %get3A_719 = arith.index_cast %mul3A_583 : i32 to index
        %get3A_720 = tpu.vector_load %arg14[%get3A_718, %get3A_719] {strides = array<i32>} : memref<128x128xf32, #tpu.memory_space<vmem>>, vector<1x16xf32>,
        %get3A_721 = vector.shape_cast %get3A_720 : vector<1x16xf32> to vector<16xf32>
        %mul3A_722 = arith.mulf %get3A_715, %get3A_721 : vector<16xf32>
        %add3A_723 = arith.addf %scan3A_575, %mul3A_722 : vector<16xf32>
        %add3A_724 = arith.constant 10 : i32
        %add3A_725 = arith.addi %mul3A_352, %add3A_724 : i32
        %get3A_726 = arith.index_cast %add3A_725 : i32 to index
        %get3A_727 = arith.index_cast %mul3A_583 : i32 to index
        %get3A_728 = tpu.vector_load %arg13[%get3A_726, %get3A_727] {strides = array<i32>} : memref<128x128xf32, #tpu.memory_space<vmem>>, vector<1x16xf32>,
        %get3A_729 = vector.shape_cast %get3A_728 : vector<1x16xf32> to vector<16xf32>
        %add3A_730 = arith.constant 10 : i32
        %add3A_731 = arith.addi %mul3A_352, %add3A_730 : i32
        %get3A_732 = arith.index_cast %add3A_731 : i32 to index
        %get3A_733 = arith.index_cast %mul3A_583 : i32 to index
        %get3A_734 = tpu.vector_load %arg14[%get3A_732, %get3A_733] {strides = array<i32>} : memref<128x128xf32, #tpu.memory_space<vmem>>, vector<1x16xf32>,
        %get3A_735 = vector.shape_cast %get3A_734 : vector<1x16xf32> to vector<16xf32>
        %mul3A_736 = arith.mulf %get3A_729, %get3A_735 : vector<16xf32>
        %add3A_737 = arith.addf %scan3A_576, %mul3A_736 : vector<16xf32>
        %add3A_738 = arith.constant 11 : i32
        %add3A_739 = arith.addi %mul3A_352, %add3A_738 : i32
        %get3A_740 = arith.index_cast %add3A_739 : i32 to index
        %get3A_741 = arith.index_cast %mul3A_583 : i32 to index
        %get3A_742 = tpu.vector_load %arg13[%get3A_740, %get3A_741] {strides = array<i32>} : memref<128x128xf32, #tpu.memory_space<vmem>>, vector<1x16xf32>,
        %get3A_743 = vector.shape_cast %get3A_742 : vector<1x16xf32> to vector<16xf32>
        %add3A_744 = arith.constant 11 : i32
        %add3A_745 = arith.addi %mul3A_352, %add3A_744 : i32
        %get3A_746 = arith.index_cast %add3A_745 : i32 to index
        %get3A_747 = arith.index_cast %mul3A_583 : i32 to index
        %get3A_748 = tpu.vector_load %arg14[%get3A_746, %get3A_747] {strides = array<i32>} : memref<128x128xf32, #tpu.memory_space<vmem>>, vector<1x16xf32>,
        %get3A_749 = vector.shape_cast %get3A_748 : vector<1x16xf32> to vector<16xf32>
        %mul3A_750 = arith.mulf %get3A_743, %get3A_749 : vector<16xf32>
        %add3A_751 = arith.addf %scan3A_577, %mul3A_750 : vector<16xf32>
        %add3A_752 = arith.constant 12 : i32
        %add3A_753 = arith.addi %mul3A_352, %add3A_752 : i32
        %get3A_754 = arith.index_cast %add3A_753 : i32 to index
        %get3A_755 = arith.index_cast %mul3A_583 : i32 to index
        %get3A_756 = tpu.vector_load %arg13[%get3A_754, %get3A_755] {strides = array<i32>} : memref<128x128xf32, #tpu.memory_space<vmem>>, vector<1x16xf32>,
        %get3A_757 = vector.shape_cast %get3A_756 : vector<1x16xf32> to vector<16xf32>
        %add3A_758 = arith.constant 12 : i32
        %add3A_759 = arith.addi %mul3A_352, %add3A_758 : i32
        %get3A_760 = arith.index_cast %add3A_759 : i32 to index
        %get3A_761 = arith.index_cast %mul3A_583 : i32 to index
        %get3A_762 = tpu.vector_load %arg14[%get3A_760, %get3A_761] {strides = array<i32>} : memref<128x128xf32, #tpu.memory_space<vmem>>, vector<1x16xf32>,
        %get3A_763 = vector.shape_cast %get3A_762 : vector<1x16xf32> to vector<16xf32>
        %mul3A_764 = arith.mulf %get3A_757, %get3A_763 : vector<16xf32>
        %add3A_765 = arith.addf %scan3A_578, %mul3A_764 : vector<16xf32>
        %add3A_766 = arith.constant 13 : i32
        %add3A_767 = arith.addi %mul3A_352, %add3A_766 : i32
        %get3A_768 = arith.index_cast %add3A_767 : i32 to index
        %get3A_769 = arith.index_cast %mul3A_583 : i32 to index
        %get3A_770 = tpu.vector_load %arg13[%get3A_768, %get3A_769] {strides = array<i32>} : memref<128x128xf32, #tpu.memory_space<vmem>>, vector<1x16xf32>,
        %get3A_771 = vector.shape_cast %get3A_770 : vector<1x16xf32> to vector<16xf32>
        %add3A_772 = arith.constant 13 : i32
        %add3A_773 = arith.addi %mul3A_352, %add3A_772 : i32
        %get3A_774 = arith.index_cast %add3A_773 : i32 to index
        %get3A_775 = arith.index_cast %mul3A_583 : i32 to index
        %get3A_776 = tpu.vector_load %arg14[%get3A_774, %get3A_775] {strides = array<i32>} : memref<128x128xf32, #tpu.memory_space<vmem>>, vector<1x16xf32>,
        %get3A_777 = vector.shape_cast %get3A_776 : vector<1x16xf32> to vector<16xf32>
        %mul3A_778 = arith.mulf %get3A_771, %get3A_777 : vector<16xf32>
        %add3A_779 = arith.addf %scan3A_579, %mul3A_778 : vector<16xf32>
        %add3A_780 = arith.constant 14 : i32
        %add3A_781 = arith.addi %mul3A_352, %add3A_780 : i32
        %get3A_782 = arith.index_cast %add3A_781 : i32 to index
        %get3A_783 = arith.index_cast %mul3A_583 : i32 to index
        %get3A_784 = tpu.vector_load %arg13[%get3A_782, %get3A_783] {strides = array<i32>} : memref<128x128xf32, #tpu.memory_space<vmem>>, vector<1x16xf32>,
        %get3A_785 = vector.shape_cast %get3A_784 : vector<1x16xf32> to vector<16xf32>
        %add3A_786 = arith.constant 14 : i32
        %add3A_787 = arith.addi %mul3A_352, %add3A_786 : i32
        %get3A_788 = arith.index_cast %add3A_787 : i32 to index
        %get3A_789 = arith.index_cast %mul3A_583 : i32 to index
        %get3A_790 = tpu.vector_load %arg14[%get3A_788, %get3A_789] {strides = array<i32>} : memref<128x128xf32, #tpu.memory_space<vmem>>, vector<1x16xf32>,
        %get3A_791 = vector.shape_cast %get3A_790 : vector<1x16xf32> to vector<16xf32>
        %mul3A_792 = arith.mulf %get3A_785, %get3A_791 : vector<16xf32>
        %add3A_793 = arith.addf %scan3A_580, %mul3A_792 : vector<16xf32>
        %add3A_794 = arith.constant 15 : i32
        %add3A_795 = arith.addi %mul3A_352, %add3A_794 : i32
        %get3A_796 = arith.index_cast %add3A_795 : i32 to index
        %get3A_797 = arith.index_cast %mul3A_583 : i32 to index
        %get3A_798 = tpu.vector_load %arg13[%get3A_796, %get3A_797] {strides = array<i32>} : memref<128x128xf32, #tpu.memory_space<vmem>>, vector<1x16xf32>,
        %get3A_799 = vector.shape_cast %get3A_798 : vector<1x16xf32> to vector<16xf32>
        %add3A_800 = arith.constant 15 : i32
        %add3A_801 = arith.addi %mul3A_352, %add3A_800 : i32
        %get3A_802 = arith.index_cast %add3A_801 : i32 to index
        %get3A_803 = arith.index_cast %mul3A_583 : i32 to index
        %get3A_804 = tpu.vector_load %arg14[%get3A_802, %get3A_803] {strides = array<i32>} : memref<128x128xf32, #tpu.memory_space<vmem>>, vector<1x16xf32>,
        %get3A_805 = vector.shape_cast %get3A_804 : vector<1x16xf32> to vector<16xf32>
        %mul3A_806 = arith.mulf %get3A_799, %get3A_805 : vector<16xf32>
        %add3A_807 = arith.addf %scan3A_581, %mul3A_806 : vector<16xf32>
        scf.yield %add3A_597, %add3A_611, %add3A_625, %add3A_639, %add3A_653, %add3A_667, %add3A_681, %add3A_695, %add3A_709, %add3A_723, %add3A_737, %add3A_751, %add3A_765, %add3A_779, %add3A_793, %add3A_807 : vector<16xf32>, vector<16xf32>, vector<16xf32>, vector<16xf32>, vector<16xf32>, vector<16xf32>, vector<16xf32>, vector<16xf32>, vector<16xf32>, vector<16xf32>, vector<16xf32>, vector<16xf32>, vector<16xf32>, vector<16xf32>, vector<16xf32>, vector<16xf32>
      }
      %scan3A_359 = arith.constant 8 : i32
      %select_n3A = arith.select %eq3A_79, %scan3A_358#0, %scan3A_358#8 : vector<16xi1>, vector<16xf32>
      %select_n3A_360 = arith.select %eq3A_79, %scan3A_358#8, %scan3A_358#0 : vector<16xi1>, vector<16xf32>
      %lt3A = arith.constant 0 : i32
      %lt3A_361 = vector.broadcast %lt3A : i32 to vector<16xi32>
      %lt3A_362 = arith.cmpi slt, %xor3A_66, %lt3A_361 : vector<16xi32>
      %add3A_363 = arith.constant 16 : i32
      %add3A_364 = vector.broadcast %add3A_363 : i32 to vector<16xi32>
      %add3A_365 = arith.addi %xor3A_66, %add3A_364 : vector<16xi32>
      %select_n3A_366 = arith.select %lt3A_362, %add3A_365, %xor3A_66 : vector<16xi1>, vector<16xi32>
      %broadcast_in_dim3A_367 = vector.shape_cast %select_n3A_366 : vector<16xi32> to vector<16x1xi32>
      %gather3A = vector.shape_cast %broadcast_in_dim3A_367 : vector<16x1xi32> to vector<16xi32>
      %gather3A_368 = tpu.dynamic_gather %select_n3A_360[%gather3A] in [0] : vector<16xf32>, vector<16xi32> -> vector<16xf32>
      %add3A_369 = arith.addf %select_n3A, %gather3A_368 : vector<16xf32>
      %select_n3A_370 = arith.select %eq3A_79, %scan3A_358#4, %scan3A_358#12 : vector<16xi1>, vector<16xf32>
      %select_n3A_371 = arith.select %eq3A_79, %scan3A_358#12, %scan3A_358#4 : vector<16xi1>, vector<16xf32>
      %lt3A_372 = arith.constant 0 : i32
      %lt3A_373 = vector.broadcast %lt3A_372 : i32 to vector<16xi32>
      %lt3A_374 = arith.cmpi slt, %xor3A_66, %lt3A_373 : vector<16xi32>
      %add3A_375 = arith.constant 16 : i32
      %add3A_376 = vector.broadcast %add3A_375 : i32 to vector<16xi32>
      %add3A_377 = arith.addi %xor3A_66, %add3A_376 : vector<16xi32>
      %select_n3A_378 = arith.select %lt3A_374, %add3A_377, %xor3A_66 : vector<16xi1>, vector<16xi32>
      %broadcast_in_dim3A_379 = vector.shape_cast %select_n3A_378 : vector<16xi32> to vector<16x1xi32>
      %gather3A_380 = vector.shape_cast %broadcast_in_dim3A_379 : vector<16x1xi32> to vector<16xi32>
      %gather3A_381 = tpu.dynamic_gather %select_n3A_371[%gather3A_380] in [0] : vector<16xf32>, vector<16xi32> -> vector<16xf32>
      %add3A_382 = arith.addf %select_n3A_370, %gather3A_381 : vector<16xf32>
      %select_n3A_383 = arith.select %eq3A_85, %add3A_369, %add3A_382 : vector<16xi1>, vector<16xf32>
      %select_n3A_384 = arith.select %eq3A_85, %add3A_382, %add3A_369 : vector<16xi1>, vector<16xf32>
      %lt3A_385 = arith.constant 0 : i32
      %lt3A_386 = vector.broadcast %lt3A_385 : i32 to vector<16xi32>
      %lt3A_387 = arith.cmpi slt, %xor3A_69, %lt3A_386 : vector<16xi32>
      %add3A_388 = arith.constant 16 : i32
      %add3A_389 = vector.broadcast %add3A_388 : i32 to vector<16xi32>
      %add3A_390 = arith.addi %xor3A_69, %add3A_389 : vector<16xi32>
      %select_n3A_391 = arith.select %lt3A_387, %add3A_390, %xor3A_69 : vector<16xi1>, vector<16xi32>
      %broadcast_in_dim3A_392 = vector.shape_cast %select_n3A_391 : vector<16xi32> to vector<16x1xi32>
      %gather3A_393 = vector.shape_cast %broadcast_in_dim3A_392 : vector<16x1xi32> to vector<16xi32>
      %gather3A_394 = tpu.dynamic_gather %select_n3A_384[%gather3A_393] in [0] : vector<16xf32>, vector<16xi32> -> vector<16xf32>
      %add3A_395 = arith.addf %select_n3A_383, %gather3A_394 : vector<16xf32>
      %select_n3A_396 = arith.select %eq3A_79, %scan3A_358#2, %scan3A_358#10 : vector<16xi1>, vector<16xf32>
      %select_n3A_397 = arith.select %eq3A_79, %scan3A_358#10, %scan3A_358#2 : vector<16xi1>, vector<16xf32>
      %lt3A_398 = arith.constant 0 : i32
      %lt3A_399 = vector.broadcast %lt3A_398 : i32 to vector<16xi32>
      %lt3A_400 = arith.cmpi slt, %xor3A_66, %lt3A_399 : vector<16xi32>
      %add3A_401 = arith.constant 16 : i32
      %add3A_402 = vector.broadcast %add3A_401 : i32 to vector<16xi32>
      %add3A_403 = arith.addi %xor3A_66, %add3A_402 : vector<16xi32>
      %select_n3A_404 = arith.select %lt3A_400, %add3A_403, %xor3A_66 : vector<16xi1>, vector<16xi32>
      %broadcast_in_dim3A_405 = vector.shape_cast %select_n3A_404 : vector<16xi32> to vector<16x1xi32>
      %gather3A_406 = vector.shape_cast %broadcast_in_dim3A_405 : vector<16x1xi32> to vector<16xi32>
      %gather3A_407 = tpu.dynamic_gather %select_n3A_397[%gather3A_406] in [0] : vector<16xf32>, vector<16xi32> -> vector<16xf32>
      %add3A_408 = arith.addf %select_n3A_396, %gather3A_407 : vector<16xf32>
      %select_n3A_409 = arith.select %eq3A_79, %scan3A_358#6, %scan3A_358#14 : vector<16xi1>, vector<16xf32>
      %select_n3A_410 = arith.select %eq3A_79, %scan3A_358#14, %scan3A_358#6 : vector<16xi1>, vector<16xf32>
      %lt3A_411 = arith.constant 0 : i32
      %lt3A_412 = vector.broadcast %lt3A_411 : i32 to vector<16xi32>
      %lt3A_413 = arith.cmpi slt, %xor3A_66, %lt3A_412 : vector<16xi32>
      %add3A_414 = arith.constant 16 : i32
      %add3A_415 = vector.broadcast %add3A_414 : i32 to vector<16xi32>
      %add3A_416 = arith.addi %xor3A_66, %add3A_415 : vector<16xi32>
      %select_n3A_417 = arith.select %lt3A_413, %add3A_416, %xor3A_66 : vector<16xi1>, vector<16xi32>
      %broadcast_in_dim3A_418 = vector.shape_cast %select_n3A_417 : vector<16xi32> to vector<16x1xi32>
      %gather3A_419 = vector.shape_cast %broadcast_in_dim3A_418 : vector<16x1xi32> to vector<16xi32>
      %gather3A_420 = tpu.dynamic_gather %select_n3A_410[%gather3A_419] in [0] : vector<16xf32>, vector<16xi32> -> vector<16xf32>
      %add3A_421 = arith.addf %select_n3A_409, %gather3A_420 : vector<16xf32>
      %select_n3A_422 = arith.select %eq3A_85, %add3A_408, %add3A_421 : vector<16xi1>, vector<16xf32>
      %select_n3A_423 = arith.select %eq3A_85, %add3A_421, %add3A_408 : vector<16xi1>, vector<16xf32>
      %lt3A_424 = arith.constant 0 : i32
      %lt3A_425 = vector.broadcast %lt3A_424 : i32 to vector<16xi32>
      %lt3A_426 = arith.cmpi slt, %xor3A_69, %lt3A_425 : vector<16xi32>
      %add3A_427 = arith.constant 16 : i32
      %add3A_428 = vector.broadcast %add3A_427 : i32 to vector<16xi32>
      %add3A_429 = arith.addi %xor3A_69, %add3A_428 : vector<16xi32>
      %select_n3A_430 = arith.select %lt3A_426, %add3A_429, %xor3A_69 : vector<16xi1>, vector<16xi32>
      %broadcast_in_dim3A_431 = vector.shape_cast %select_n3A_430 : vector<16xi32> to vector<16x1xi32>
      %gather3A_432 = vector.shape_cast %broadcast_in_dim3A_431 : vector<16x1xi32> to vector<16xi32>
      %gather3A_433 = tpu.dynamic_gather %select_n3A_423[%gather3A_432] in [0] : vector<16xf32>, vector<16xi32> -> vector<16xf32>
      %add3A_434 = arith.addf %select_n3A_422, %gather3A_433 : vector<16xf32>
      %select_n3A_435 = arith.select %eq3A_91, %add3A_395, %add3A_434 : vector<16xi1>, vector<16xf32>
      %select_n3A_436 = arith.select %eq3A_91, %add3A_434, %add3A_395 : vector<16xi1>, vector<16xf32>
      %lt3A_437 = arith.constant 0 : i32
      %lt3A_438 = vector.broadcast %lt3A_437 : i32 to vector<16xi32>
      %lt3A_439 = arith.cmpi slt, %xor3A_72, %lt3A_438 : vector<16xi32>
      %add3A_440 = arith.constant 16 : i32
      %add3A_441 = vector.broadcast %add3A_440 : i32 to vector<16xi32>
      %add3A_442 = arith.addi %xor3A_72, %add3A_441 : vector<16xi32>
      %select_n3A_443 = arith.select %lt3A_439, %add3A_442, %xor3A_72 : vector<16xi1>, vector<16xi32>
      %broadcast_in_dim3A_444 = vector.shape_cast %select_n3A_443 : vector<16xi32> to vector<16x1xi32>
      %gather3A_445 = vector.shape_cast %broadcast_in_dim3A_444 : vector<16x1xi32> to vector<16xi32>
      %gather3A_446 = tpu.dynamic_gather %select_n3A_436[%gather3A_445] in [0] : vector<16xf32>, vector<16xi32> -> vector<16xf32>
      %add3A_447 = arith.addf %select_n3A_435, %gather3A_446 : vector<16xf32>
      %select_n3A_448 = arith.select %eq3A_79, %scan3A_358#1, %scan3A_358#9 : vector<16xi1>, vector<16xf32>
      %select_n3A_449 = arith.select %eq3A_79, %scan3A_358#9, %scan3A_358#1 : vector<16xi1>, vector<16xf32>
      %lt3A_450 = arith.constant 0 : i32
      %lt3A_451 = vector.broadcast %lt3A_450 : i32 to vector<16xi32>
      %lt3A_452 = arith.cmpi slt, %xor3A_66, %lt3A_451 : vector<16xi32>
      %add3A_453 = arith.constant 16 : i32
      %add3A_454 = vector.broadcast %add3A_453 : i32 to vector<16xi32>
      %add3A_455 = arith.addi %xor3A_66, %add3A_454 : vector<16xi32>
      %select_n3A_456 = arith.select %lt3A_452, %add3A_455, %xor3A_66 : vector<16xi1>, vector<16xi32>
      %broadcast_in_dim3A_457 = vector.shape_cast %select_n3A_456 : vector<16xi32> to vector<16x1xi32>
      %gather3A_458 = vector.shape_cast %broadcast_in_dim3A_457 : vector<16x1xi32> to vector<16xi32>
      %gather3A_459 = tpu.dynamic_gather %select_n3A_449[%gather3A_458] in [0] : vector<16xf32>, vector<16xi32> -> vector<16xf32>
      %add3A_460 = arith.addf %select_n3A_448, %gather3A_459 : vector<16xf32>
      %select_n3A_461 = arith.select %eq3A_79, %scan3A_358#5, %scan3A_358#13 : vector<16xi1>, vector<16xf32>
      %select_n3A_462 = arith.select %eq3A_79, %scan3A_358#13, %scan3A_358#5 : vector<16xi1>, vector<16xf32>
      %lt3A_463 = arith.constant 0 : i32
      %lt3A_464 = vector.broadcast %lt3A_463 : i32 to vector<16xi32>
      %lt3A_465 = arith.cmpi slt, %xor3A_66, %lt3A_464 : vector<16xi32>
      %add3A_466 = arith.constant 16 : i32
      %add3A_467 = vector.broadcast %add3A_466 : i32 to vector<16xi32>
      %add3A_468 = arith.addi %xor3A_66, %add3A_467 : vector<16xi32>
      %select_n3A_469 = arith.select %lt3A_465, %add3A_468, %xor3A_66 : vector<16xi1>, vector<16xi32>
      %broadcast_in_dim3A_470 = vector.shape_cast %select_n3A_469 : vector<16xi32> to vector<16x1xi32>
      %gather3A_471 = vector.shape_cast %broadcast_in_dim3A_470 : vector<16x1xi32> to vector<16xi32>
      %gather3A_472 = tpu.dynamic_gather %select_n3A_462[%gather3A_471] in [0] : vector<16xf32>, vector<16xi32> -> vector<16xf32>
      %add3A_473 = arith.addf %select_n3A_461, %gather3A_472 : vector<16xf32>
      %select_n3A_474 = arith.select %eq3A_85, %add3A_460, %add3A_473 : vector<16xi1>, vector<16xf32>
      %select_n3A_475 = arith.select %eq3A_85, %add3A_473, %add3A_460 : vector<16xi1>, vector<16xf32>
      %lt3A_476 = arith.constant 0 : i32
      %lt3A_477 = vector.broadcast %lt3A_476 : i32 to vector<16xi32>
      %lt3A_478 = arith.cmpi slt, %xor3A_69, %lt3A_477 : vector<16xi32>
      %add3A_479 = arith.constant 16 : i32
      %add3A_480 = vector.broadcast %add3A_479 : i32 to vector<16xi32>
      %add3A_481 = arith.addi %xor3A_69, %add3A_480 : vector<16xi32>
      %select_n3A_482 = arith.select %lt3A_478, %add3A_481, %xor3A_69 : vector<16xi1>, vector<16xi32>
      %broadcast_in_dim3A_483 = vector.shape_cast %select_n3A_482 : vector<16xi32> to vector<16x1xi32>
      %gather3A_484 = vector.shape_cast %broadcast_in_dim3A_483 : vector<16x1xi32> to vector<16xi32>
      %gather3A_485 = tpu.dynamic_gather %select_n3A_475[%gather3A_484] in [0] : vector<16xf32>, vector<16xi32> -> vector<16xf32>
      %add3A_486 = arith.addf %select_n3A_474, %gather3A_485 : vector<16xf32>
      %select_n3A_487 = arith.select %eq3A_79, %scan3A_358#3, %scan3A_358#11 : vector<16xi1>, vector<16xf32>
      %select_n3A_488 = arith.select %eq3A_79, %scan3A_358#11, %scan3A_358#3 : vector<16xi1>, vector<16xf32>
      %lt3A_489 = arith.constant 0 : i32
      %lt3A_490 = vector.broadcast %lt3A_489 : i32 to vector<16xi32>
      %lt3A_491 = arith.cmpi slt, %xor3A_66, %lt3A_490 : vector<16xi32>
      %add3A_492 = arith.constant 16 : i32
      %add3A_493 = vector.broadcast %add3A_492 : i32 to vector<16xi32>
      %add3A_494 = arith.addi %xor3A_66, %add3A_493 : vector<16xi32>
      %select_n3A_495 = arith.select %lt3A_491, %add3A_494, %xor3A_66 : vector<16xi1>, vector<16xi32>
      %broadcast_in_dim3A_496 = vector.shape_cast %select_n3A_495 : vector<16xi32> to vector<16x1xi32>
      %gather3A_497 = vector.shape_cast %broadcast_in_dim3A_496 : vector<16x1xi32> to vector<16xi32>
      %gather3A_498 = tpu.dynamic_gather %select_n3A_488[%gather3A_497] in [0] : vector<16xf32>, vector<16xi32> -> vector<16xf32>
      %add3A_499 = arith.addf %select_n3A_487, %gather3A_498 : vector<16xf32>
      %select_n3A_500 = arith.select %eq3A_79, %scan3A_358#7, %scan3A_358#15 : vector<16xi1>, vector<16xf32>
      %select_n3A_501 = arith.select %eq3A_79, %scan3A_358#15, %scan3A_358#7 : vector<16xi1>, vector<16xf32>
      %lt3A_502 = arith.constant 0 : i32
      %lt3A_503 = vector.broadcast %lt3A_502 : i32 to vector<16xi32>
      %lt3A_504 = arith.cmpi slt, %xor3A_66, %lt3A_503 : vector<16xi32>
      %add3A_505 = arith.constant 16 : i32
      %add3A_506 = vector.broadcast %add3A_505 : i32 to vector<16xi32>
      %add3A_507 = arith.addi %xor3A_66, %add3A_506 : vector<16xi32>
      %select_n3A_508 = arith.select %lt3A_504, %add3A_507, %xor3A_66 : vector<16xi1>, vector<16xi32>
      %broadcast_in_dim3A_509 = vector.shape_cast %select_n3A_508 : vector<16xi32> to vector<16x1xi32>
      %gather3A_510 = vector.shape_cast %broadcast_in_dim3A_509 : vector<16x1xi32> to vector<16xi32>
      %gather3A_511 = tpu.dynamic_gather %select_n3A_501[%gather3A_510] in [0] : vector<16xf32>, vector<16xi32> -> vector<16xf32>
      %add3A_512 = arith.addf %select_n3A_500, %gather3A_511 : vector<16xf32>
      %select_n3A_513 = arith.select %eq3A_85, %add3A_499, %add3A_512 : vector<16xi1>, vector<16xf32>
      %select_n3A_514 = arith.select %eq3A_85, %add3A_512, %add3A_499 : vector<16xi1>, vector<16xf32>
      %lt3A_515 = arith.constant 0 : i32
      %lt3A_516 = vector.broadcast %lt3A_515 : i32 to vector<16xi32>
      %lt3A_517 = arith.cmpi slt, %xor3A_69, %lt3A_516 : vector<16xi32>
      %add3A_518 = arith.constant 16 : i32
      %add3A_519 = vector.broadcast %add3A_518 : i32 to vector<16xi32>
      %add3A_520 = arith.addi %xor3A_69, %add3A_519 : vector<16xi32>
      %select_n3A_521 = arith.select %lt3A_517, %add3A_520, %xor3A_69 : vector<16xi1>, vector<16xi32>
      %broadcast_in_dim3A_522 = vector.shape_cast %select_n3A_521 : vector<16xi32> to vector<16x1xi32>
      %gather3A_523 = vector.shape_cast %broadcast_in_dim3A_522 : vector<16x1xi32> to vector<16xi32>
      %gather3A_524 = tpu.dynamic_gather %select_n3A_514[%gather3A_523] in [0] : vector<16xf32>, vector<16xi32> -> vector<16xf32>
      %add3A_525 = arith.addf %select_n3A_513, %gather3A_524 : vector<16xf32>
      %select_n3A_526 = arith.select %eq3A_91, %add3A_486, %add3A_525 : vector<16xi1>, vector<16xf32>
      %select_n3A_527 = arith.select %eq3A_91, %add3A_525, %add3A_486 : vector<16xi1>, vector<16xf32>
      %lt3A_528 = arith.constant 0 : i32
      %lt3A_529 = vector.broadcast %lt3A_528 : i32 to vector<16xi32>
      %lt3A_530 = arith.cmpi slt, %xor3A_72, %lt3A_529 : vector<16xi32>
      %add3A_531 = arith.constant 16 : i32
      %add3A_532 = vector.broadcast %add3A_531 : i32 to vector<16xi32>
      %add3A_533 = arith.addi %xor3A_72, %add3A_532 : vector<16xi32>
      %select_n3A_534 = arith.select %lt3A_530, %add3A_533, %xor3A_72 : vector<16xi1>, vector<16xi32>
      %broadcast_in_dim3A_535 = vector.shape_cast %select_n3A_534 : vector<16xi32> to vector<16x1xi32>
      %gather3A_536 = vector.shape_cast %broadcast_in_dim3A_535 : vector<16x1xi32> to vector<16xi32>
      %gather3A_537 = tpu.dynamic_gather %select_n3A_527[%gather3A_536] in [0] : vector<16xf32>, vector<16xi32> -> vector<16xf32>
      %add3A_538 = arith.addf %select_n3A_526, %gather3A_537 : vector<16xf32>
      %select_n3A_539 = arith.select %eq3A_97, %add3A_447, %add3A_538 : vector<16xi1>, vector<16xf32>
      %select_n3A_540 = arith.select %eq3A_97, %add3A_538, %add3A_447 : vector<16xi1>, vector<16xf32>
      %lt3A_541 = arith.constant 0 : i32
      %lt3A_542 = vector.broadcast %lt3A_541 : i32 to vector<16xi32>
      %lt3A_543 = arith.cmpi slt, %xor3A_75, %lt3A_542 : vector<16xi32>
      %add3A_544 = arith.constant 16 : i32
      %add3A_545 = vector.broadcast %add3A_544 : i32 to vector<16xi32>
      %add3A_546 = arith.addi %xor3A_75, %add3A_545 : vector<16xi32>
      %select_n3A_547 = arith.select %lt3A_543, %add3A_546, %xor3A_75 : vector<16xi1>, vector<16xi32>
      %broadcast_in_dim3A_548 = vector.shape_cast %select_n3A_547 : vector<16xi32> to vector<16x1xi32>
      %gather3A_549 = vector.shape_cast %broadcast_in_dim3A_548 : vector<16x1xi32> to vector<16xi32>
      %gather3A_550 = tpu.dynamic_gather %select_n3A_540[%gather3A_549] in [0] : vector<16xf32>, vector<16xi32> -> vector<16xf32>
      %add3A_551 = arith.addf %select_n3A_539, %gather3A_550 : vector<16xf32>
      %add3A_552 = arith.constant 0 : i32
      %add3A_553 = arith.addi %add3A_552, %mul3A_352 : i32
      %get3A = arith.index_cast %add3A_553 : i32 to index
      %get3A_554 = tpu.vector_load %arg11[%get3A] {strides = array<i32>} : memref<512xf32, #tpu.memory_space<vmem>>, vector<16xf32>,
      %get3A_555 = vector.shape_cast %get3A_554 : vector<16xf32> to vector<16xf32>
      %add3A_556 = arith.addf %add3A_551, %get3A_555 : vector<16xf32>
      %get3A_557 = arith.index_cast %add3A_553 : i32 to index
      %get3A_558 = tpu.vector_load %arg12[%get3A_557] {strides = array<i32>} : memref<512xf32, #tpu.memory_space<vmem>>, vector<16xf32>,
      %get3A_559 = vector.shape_cast %get3A_558 : vector<16xf32> to vector<16xf32>
      %add3A_560 = arith.addf %add3A_556, %get3A_559 : vector<16xf32>
      %swap3A = arith.index_cast %add3A_553 : i32 to index
      %swap3A_561 = tpu.vector_load %arg19[%swap3A] {strides = array<i32>} : memref<512xf32, #tpu.memory_space<vmem>>, vector<16xf32>,
      %swap3A_562 = vector.shape_cast %swap3A_561 : vector<16xf32> to vector<16xf32>
      %swap3A_563 = vector.shape_cast %add3A_560 : vector<16xf32> to vector<16xf32>
      tpu.vector_store %arg19[%swap3A], %swap3A_563 {strides = array<i32>} : memref<512xf32, #tpu.memory_space<vmem>>, vector<16xf32>,
      %scan3A_564 = arith.constant 0 : i32
      scf.yield %scan3A_564 : i32
    }
    %scan3A_159 = arith.constant 8 : i32
    %add3A_160 = arith.constant 0 : i32
    %add3A_161 = arith.addi %mul3A_2, %add3A_160 : i32
    %dma_start3A_162 = arith.constant 0 : i32
    %dma_start3A_163 = tpu.memref_slice %arg19[%dma_start3A_162] : memref<512xf32, #tpu.memory_space<vmem>> -> memref<128xf32, #tpu.memory_space<vmem>>
    %dma_start3A_164 = tpu.memref_slice %arg8[%add3A_161] : memref<16384xf32, #tpu.memory_space<hbm>> -> memref<128xf32, #tpu.memory_space<hbm>>
    %dma_start3A_165 = tpu.memref_slice %arg8[%add3A_161] : memref<16384xf32, #tpu.memory_space<hbm>> -> memref<128xf32, #tpu.memory_space<hbm>>
    %dma_start3A_166 = arith.constant 0 : i32
    %dma_start3A_167 = tpu.memref_slice %arg19[%dma_start3A_166] : memref<512xf32, #tpu.memory_space<vmem>> -> memref<128xf32, #tpu.memory_space<vmem>>
    tpu.enqueue_dma source(%dma_start3A_167 : memref<128xf32, #tpu.memory_space<vmem>>) target(%dma_start3A_165 : memref<128xf32, #tpu.memory_space<hbm>>) target_semaphore(%arg25 : memref<!tpu.dma_semaphore, #tpu.memory_space<semaphore_mem>>)
    %dma_wait3A_168 = arith.constant 0 : i32
    %dma_wait3A_169 = arith.constant 0 : i32
    %dma_wait3A_170 = tpu.memref_slice %arg15[%dma_wait3A_168, %dma_wait3A_169] : memref<128x128xf32, #tpu.memory_space<vmem>> -> memref<128x128xf32, #tpu.memory_space<vmem>>
    %dma_wait3A_171 = arith.constant 128 : i32
    %dma_wait3A_172 = tpu.memref_slice %arg9[%dma_wait3A_171] : memref<512xi32, #tpu.memory_space<vmem>> -> memref<128xi32, #tpu.memory_space<vmem>>
    %dma_wait3A_173 = arith.constant 0 : i32
    %dma_wait3A_174 = arith.constant 0 : i32
    %dma_wait3A_175 = tpu.memref_slice %arg4[%dma_wait3A_173, %dma_wait3A_174] : memref<100000x128xf32, #tpu.memory_space<hbm>> -> memref<100000x128xf32, #tpu.memory_space<hbm>>
    tpu.wait_indirect_dma semaphore(%arg21 : memref<!tpu.dma_semaphore, #tpu.memory_space<semaphore_mem>>) src(%dma_wait3A_175 : memref<100000x128xf32, #tpu.memory_space<hbm>>) dst(%dma_wait3A_170 : memref<128x128xf32, #tpu.memory_space<vmem>>)
    %dma_wait3A_176 = arith.constant 0 : i32
    %dma_wait3A_177 = arith.constant 0 : i32
    %dma_wait3A_178 = tpu.memref_slice %arg16[%dma_wait3A_176, %dma_wait3A_177] : memref<128x128xf32, #tpu.memory_space<vmem>> -> memref<128x128xf32, #tpu.memory_space<vmem>>
    %dma_wait3A_179 = arith.constant 128 : i32
    %dma_wait3A_180 = tpu.memref_slice %arg10[%dma_wait3A_179] : memref<512xi32, #tpu.memory_space<vmem>> -> memref<128xi32, #tpu.memory_space<vmem>>
    %dma_wait3A_181 = arith.constant 0 : i32
    %dma_wait3A_182 = arith.constant 0 : i32
    %dma_wait3A_183 = tpu.memref_slice %arg5[%dma_wait3A_181, %dma_wait3A_182] : memref<100000x128xf32, #tpu.memory_space<hbm>> -> memref<100000x128xf32, #tpu.memory_space<hbm>>
    tpu.wait_indirect_dma semaphore(%arg21 : memref<!tpu.dma_semaphore, #tpu.memory_space<semaphore_mem>>) src(%dma_wait3A_183 : memref<100000x128xf32, #tpu.memory_space<hbm>>) dst(%dma_wait3A_178 : memref<128x128xf32, #tpu.memory_space<vmem>>)
    %dma_start3A_184 = arith.constant 0 : i32
    %dma_start3A_185 = arith.constant 0 : i32
    %dma_start3A_186 = tpu.memref_slice %arg13[%dma_start3A_184, %dma_start3A_185] : memref<128x128xf32, #tpu.memory_space<vmem>> -> memref<128x128xf32, #tpu.memory_space<vmem>>
    %dma_start3A_187 = arith.constant 384 : i32
    %dma_start3A_188 = tpu.memref_slice %arg9[%dma_start3A_187] : memref<512xi32, #tpu.memory_space<vmem>> -> memref<128xi32, #tpu.memory_space<vmem>>
    %dma_start3A_189 = arith.constant 0 : i32
    %dma_start3A_190 = arith.constant 0 : i32
    %dma_start3A_191 = tpu.memref_slice %arg4[%dma_start3A_189, %dma_start3A_190] : memref<100000x128xf32, #tpu.memory_space<hbm>> -> memref<100000x128xf32, #tpu.memory_space<hbm>>
    tpu.enqueue_indirect_dma source(%dma_start3A_191 : memref<100000x128xf32, #tpu.memory_space<hbm>>) target(%dma_start3A_186 : memref<128x128xf32, #tpu.memory_space<vmem>>) offsets(%dma_start3A_188 : memref<128xi32, #tpu.memory_space<vmem>>) semaphore(%arg20 : memref<!tpu.dma_semaphore, #tpu.memory_space<semaphore_mem>>)
    %dma_start3A_192 = arith.constant 0 : i32
    %dma_start3A_193 = arith.constant 0 : i32
    %dma_start3A_194 = tpu.memref_slice %arg14[%dma_start3A_192, %dma_start3A_193] : memref<128x128xf32, #tpu.memory_space<vmem>> -> memref<128x128xf32, #tpu.memory_space<vmem>>
    %dma_start3A_195 = arith.constant 384 : i32
    %dma_start3A_196 = tpu.memref_slice %arg10[%dma_start3A_195] : memref<512xi32, #tpu.memory_space<vmem>> -> memref<128xi32, #tpu.memory_space<vmem>>
    %dma_start3A_197 = arith.constant 0 : i32
    %dma_start3A_198 = arith.constant 0 : i32
    %dma_start3A_199 = tpu.memref_slice %arg5[%dma_start3A_197, %dma_start3A_198] : memref<100000x128xf32, #tpu.memory_space<hbm>> -> memref<100000x128xf32, #tpu.memory_space<hbm>>
    tpu.enqueue_indirect_dma source(%dma_start3A_199 : memref<100000x128xf32, #tpu.memory_space<hbm>>) target(%dma_start3A_194 : memref<128x128xf32, #tpu.memory_space<vmem>>) offsets(%dma_start3A_196 : memref<128xi32, #tpu.memory_space<vmem>>) semaphore(%arg20 : memref<!tpu.dma_semaphore, #tpu.memory_space<semaphore_mem>>)
    %dma_start3A_200 = arith.constant 384 : i32
    %dma_start3A_201 = tpu.memref_slice %arg11[%dma_start3A_200] : memref<512xf32, #tpu.memory_space<vmem>> -> memref<128xf32, #tpu.memory_space<vmem>>
    %dma_start3A_202 = arith.constant 384 : i32
    %dma_start3A_203 = tpu.memref_slice %arg9[%dma_start3A_202] : memref<512xi32, #tpu.memory_space<vmem>> -> memref<128xi32, #tpu.memory_space<vmem>>
    %dma_start3A_204 = arith.constant 0 : i32
    %dma_start3A_205 = tpu.memref_slice %arg6[%dma_start3A_204] : memref<100000xf32, #tpu.memory_space<hbm>> -> memref<100000xf32, #tpu.memory_space<hbm>>
    tpu.enqueue_indirect_dma source(%dma_start3A_205 : memref<100000xf32, #tpu.memory_space<hbm>>) target(%dma_start3A_201 : memref<128xf32, #tpu.memory_space<vmem>>) offsets(%dma_start3A_203 : memref<128xi32, #tpu.memory_space<vmem>>) semaphore(%arg23 : memref<!tpu.dma_semaphore, #tpu.memory_space<semaphore_mem>>)
    %dma_start3A_206 = arith.constant 384 : i32
    %dma_start3A_207 = tpu.memref_slice %arg12[%dma_start3A_206] : memref<512xf32, #tpu.memory_space<vmem>> -> memref<128xf32, #tpu.memory_space<vmem>>
    %dma_start3A_208 = arith.constant 384 : i32
    %dma_start3A_209 = tpu.memref_slice %arg10[%dma_start3A_208] : memref<512xi32, #tpu.memory_space<vmem>> -> memref<128xi32, #tpu.memory_space<vmem>>
    %dma_start3A_210 = arith.constant 0 : i32
    %dma_start3A_211 = tpu.memref_slice %arg7[%dma_start3A_210] : memref<100000xf32, #tpu.memory_space<hbm>> -> memref<100000xf32, #tpu.memory_space<hbm>>
    tpu.enqueue_indirect_dma source(%dma_start3A_211 : memref<100000xf32, #tpu.memory_space<hbm>>) target(%dma_start3A_207 : memref<128xf32, #tpu.memory_space<vmem>>) offsets(%dma_start3A_209 : memref<128xi32, #tpu.memory_space<vmem>>) semaphore(%arg24 : memref<!tpu.dma_semaphore, #tpu.memory_space<semaphore_mem>>)
    %dma_wait3A_212 = arith.constant 128 : i32
    %dma_wait3A_213 = tpu.memref_slice %arg11[%dma_wait3A_212] : memref<512xf32, #tpu.memory_space<vmem>> -> memref<128xf32, #tpu.memory_space<vmem>>
    %dma_wait3A_214 = arith.constant 128 : i32
    %dma_wait3A_215 = tpu.memref_slice %arg9[%dma_wait3A_214] : memref<512xi32, #tpu.memory_space<vmem>> -> memref<128xi32, #tpu.memory_space<vmem>>
    %dma_wait3A_216 = arith.constant 0 : i32
    %dma_wait3A_217 = tpu.memref_slice %arg6[%dma_wait3A_216] : memref<100000xf32, #tpu.memory_space<hbm>> -> memref<100000xf32, #tpu.memory_space<hbm>>
    tpu.wait_indirect_dma semaphore(%arg23 : memref<!tpu.dma_semaphore, #tpu.memory_space<semaphore_mem>>) src(%dma_wait3A_217 : memref<100000xf32, #tpu.memory_space<hbm>>) dst(%dma_wait3A_213 : memref<128xf32, #tpu.memory_space<vmem>>)
    %dma_wait3A_218 = arith.constant 128 : i32
    %dma_wait3A_219 = tpu.memref_slice %arg12[%dma_wait3A_218] : memref<512xf32, #tpu.memory_space<vmem>> -> memref<128xf32, #tpu.memory_space<vmem>>
    %dma_wait3A_220 = arith.constant 128 : i32
    %dma_wait3A_221 = tpu.memref_slice %arg10[%dma_wait3A_220] : memref<512xi32, #tpu.memory_space<vmem>> -> memref<128xi32, #tpu.memory_space<vmem>>
    %dma_wait3A_222 = arith.constant 0 : i32
    %dma_wait3A_223 = tpu.memref_slice %arg7[%dma_wait3A_222] : memref<100000xf32, #tpu.memory_space<hbm>> -> memref<100000xf32, #tpu.memory_space<hbm>>
    tpu.wait_indirect_dma semaphore(%arg24 : memref<!tpu.dma_semaphore, #tpu.memory_space<semaphore_mem>>) src(%dma_wait3A_223 : memref<100000xf32, #tpu.memory_space<hbm>>) dst(%dma_wait3A_219 : memref<128xf32, #tpu.memory_space<vmem>>)
    %scan3A_224 = arith.constant 0 : i32
    %scan3A_225 = arith.constant 0 : i32
    %scan3A_226 = arith.constant 8 : i32
    %scan3A_227 = arith.addi %scan3A_225, %scan3A_226 : i32
    %scan3A_228 = arith.constant 1 : i32
    %scan3A_229 = scf.for %scan3A_349 = %scan3A_225 to %scan3A_227 step %scan3A_228 iter_args(%scan3A_350 = %scan3A_224) -> (i32)  : i32 {
      %mul3A_351 = arith.constant 16 : i32
      %mul3A_352 = arith.muli %scan3A_349, %mul3A_351 : i32
      %broadcast_in_dim3A = arith.constant 0.000000e+00 : f32
      %broadcast_in_dim3A_353 = vector.broadcast %broadcast_in_dim3A : f32 to vector<16xf32>
      %scan3A_354 = arith.constant 0 : i32
      %scan3A_355 = arith.constant 8 : i32
      %scan3A_356 = arith.addi %scan3A_354, %scan3A_355 : i32
      %scan3A_357 = arith.constant 1 : i32
      %scan3A_358:16 = scf.for %scan3A_565 = %scan3A_354 to %scan3A_356 step %scan3A_357 iter_args(%scan3A_566 = %broadcast_in_dim3A_353, %scan3A_567 = %broadcast_in_dim3A_353, %scan3A_568 = %broadcast_in_dim3A_353, %scan3A_569 = %broadcast_in_dim3A_353, %scan3A_570 = %broadcast_in_dim3A_353, %scan3A_571 = %broadcast_in_dim3A_353, %scan3A_572 = %broadcast_in_dim3A_353, %scan3A_573 = %broadcast_in_dim3A_353, %scan3A_574 = %broadcast_in_dim3A_353, %scan3A_575 = %broadcast_in_dim3A_353, %scan3A_576 = %broadcast_in_dim3A_353, %scan3A_577 = %broadcast_in_dim3A_353, %scan3A_578 = %broadcast_in_dim3A_353, %scan3A_579 = %broadcast_in_dim3A_353, %scan3A_580 = %broadcast_in_dim3A_353, %scan3A_581 = %broadcast_in_dim3A_353) -> (vector<16xf32>, vector<16xf32>, vector<16xf32>, vector<16xf32>, vector<16xf32>, vector<16xf32>, vector<16xf32>, vector<16xf32>, vector<16xf32>, vector<16xf32>, vector<16xf32>, vector<16xf32>, vector<16xf32>, vector<16xf32>, vector<16xf32>, vector<16xf32>)  : i32 {
        %mul3A_582 = arith.constant 16 : i32
        %mul3A_583 = arith.muli %scan3A_565, %mul3A_582 : i32
        %add3A_584 = arith.constant 0 : i32
        %add3A_585 = arith.addi %mul3A_352, %add3A_584 : i32
        %get3A_586 = arith.index_cast %add3A_585 : i32 to index
        %get3A_587 = arith.index_cast %mul3A_583 : i32 to index
        %get3A_588 = tpu.vector_load %arg15[%get3A_586, %get3A_587] {strides = array<i32>} : memref<128x128xf32, #tpu.memory_space<vmem>>, vector<1x16xf32>,
        %get3A_589 = vector.shape_cast %get3A_588 : vector<1x16xf32> to vector<16xf32>
        %add3A_590 = arith.constant 0 : i32
        %add3A_591 = arith.addi %mul3A_352, %add3A_590 : i32
        %get3A_592 = arith.index_cast %add3A_591 : i32 to index
        %get3A_593 = arith.index_cast %mul3A_583 : i32 to index
        %get3A_594 = tpu.vector_load %arg16[%get3A_592, %get3A_593] {strides = array<i32>} : memref<128x128xf32, #tpu.memory_space<vmem>>, vector<1x16xf32>,
        %get3A_595 = vector.shape_cast %get3A_594 : vector<1x16xf32> to vector<16xf32>
        %mul3A_596 = arith.mulf %get3A_589, %get3A_595 : vector<16xf32>
        %add3A_597 = arith.addf %scan3A_566, %mul3A_596 : vector<16xf32>
        %add3A_598 = arith.constant 1 : i32
        %add3A_599 = arith.addi %mul3A_352, %add3A_598 : i32
        %get3A_600 = arith.index_cast %add3A_599 : i32 to index
        %get3A_601 = arith.index_cast %mul3A_583 : i32 to index
        %get3A_602 = tpu.vector_load %arg15[%get3A_600, %get3A_601] {strides = array<i32>} : memref<128x128xf32, #tpu.memory_space<vmem>>, vector<1x16xf32>,
        %get3A_603 = vector.shape_cast %get3A_602 : vector<1x16xf32> to vector<16xf32>
        %add3A_604 = arith.constant 1 : i32
        %add3A_605 = arith.addi %mul3A_352, %add3A_604 : i32
        %get3A_606 = arith.index_cast %add3A_605 : i32 to index
        %get3A_607 = arith.index_cast %mul3A_583 : i32 to index
        %get3A_608 = tpu.vector_load %arg16[%get3A_606, %get3A_607] {strides = array<i32>} : memref<128x128xf32, #tpu.memory_space<vmem>>, vector<1x16xf32>,
        %get3A_609 = vector.shape_cast %get3A_608 : vector<1x16xf32> to vector<16xf32>
        %mul3A_610 = arith.mulf %get3A_603, %get3A_609 : vector<16xf32>
        %add3A_611 = arith.addf %scan3A_567, %mul3A_610 : vector<16xf32>
        %add3A_612 = arith.constant 2 : i32
        %add3A_613 = arith.addi %mul3A_352, %add3A_612 : i32
        %get3A_614 = arith.index_cast %add3A_613 : i32 to index
        %get3A_615 = arith.index_cast %mul3A_583 : i32 to index
        %get3A_616 = tpu.vector_load %arg15[%get3A_614, %get3A_615] {strides = array<i32>} : memref<128x128xf32, #tpu.memory_space<vmem>>, vector<1x16xf32>,
        %get3A_617 = vector.shape_cast %get3A_616 : vector<1x16xf32> to vector<16xf32>
        %add3A_618 = arith.constant 2 : i32
        %add3A_619 = arith.addi %mul3A_352, %add3A_618 : i32
        %get3A_620 = arith.index_cast %add3A_619 : i32 to index
        %get3A_621 = arith.index_cast %mul3A_583 : i32 to index
        %get3A_622 = tpu.vector_load %arg16[%get3A_620, %get3A_621] {strides = array<i32>} : memref<128x128xf32, #tpu.memory_space<vmem>>, vector<1x16xf32>,
        %get3A_623 = vector.shape_cast %get3A_622 : vector<1x16xf32> to vector<16xf32>
        %mul3A_624 = arith.mulf %get3A_617, %get3A_623 : vector<16xf32>
        %add3A_625 = arith.addf %scan3A_568, %mul3A_624 : vector<16xf32>
        %add3A_626 = arith.constant 3 : i32
        %add3A_627 = arith.addi %mul3A_352, %add3A_626 : i32
        %get3A_628 = arith.index_cast %add3A_627 : i32 to index
        %get3A_629 = arith.index_cast %mul3A_583 : i32 to index
        %get3A_630 = tpu.vector_load %arg15[%get3A_628, %get3A_629] {strides = array<i32>} : memref<128x128xf32, #tpu.memory_space<vmem>>, vector<1x16xf32>,
        %get3A_631 = vector.shape_cast %get3A_630 : vector<1x16xf32> to vector<16xf32>
        %add3A_632 = arith.constant 3 : i32
        %add3A_633 = arith.addi %mul3A_352, %add3A_632 : i32
        %get3A_634 = arith.index_cast %add3A_633 : i32 to index
        %get3A_635 = arith.index_cast %mul3A_583 : i32 to index
        %get3A_636 = tpu.vector_load %arg16[%get3A_634, %get3A_635] {strides = array<i32>} : memref<128x128xf32, #tpu.memory_space<vmem>>, vector<1x16xf32>,
        %get3A_637 = vector.shape_cast %get3A_636 : vector<1x16xf32> to vector<16xf32>
        %mul3A_638 = arith.mulf %get3A_631, %get3A_637 : vector<16xf32>
        %add3A_639 = arith.addf %scan3A_569, %mul3A_638 : vector<16xf32>
        %add3A_640 = arith.constant 4 : i32
        %add3A_641 = arith.addi %mul3A_352, %add3A_640 : i32
        %get3A_642 = arith.index_cast %add3A_641 : i32 to index
        %get3A_643 = arith.index_cast %mul3A_583 : i32 to index
        %get3A_644 = tpu.vector_load %arg15[%get3A_642, %get3A_643] {strides = array<i32>} : memref<128x128xf32, #tpu.memory_space<vmem>>, vector<1x16xf32>,
        %get3A_645 = vector.shape_cast %get3A_644 : vector<1x16xf32> to vector<16xf32>
        %add3A_646 = arith.constant 4 : i32
        %add3A_647 = arith.addi %mul3A_352, %add3A_646 : i32
        %get3A_648 = arith.index_cast %add3A_647 : i32 to index
        %get3A_649 = arith.index_cast %mul3A_583 : i32 to index
        %get3A_650 = tpu.vector_load %arg16[%get3A_648, %get3A_649] {strides = array<i32>} : memref<128x128xf32, #tpu.memory_space<vmem>>, vector<1x16xf32>,
        %get3A_651 = vector.shape_cast %get3A_650 : vector<1x16xf32> to vector<16xf32>
        %mul3A_652 = arith.mulf %get3A_645, %get3A_651 : vector<16xf32>
        %add3A_653 = arith.addf %scan3A_570, %mul3A_652 : vector<16xf32>
        %add3A_654 = arith.constant 5 : i32
        %add3A_655 = arith.addi %mul3A_352, %add3A_654 : i32
        %get3A_656 = arith.index_cast %add3A_655 : i32 to index
        %get3A_657 = arith.index_cast %mul3A_583 : i32 to index
        %get3A_658 = tpu.vector_load %arg15[%get3A_656, %get3A_657] {strides = array<i32>} : memref<128x128xf32, #tpu.memory_space<vmem>>, vector<1x16xf32>,
        %get3A_659 = vector.shape_cast %get3A_658 : vector<1x16xf32> to vector<16xf32>
        %add3A_660 = arith.constant 5 : i32
        %add3A_661 = arith.addi %mul3A_352, %add3A_660 : i32
        %get3A_662 = arith.index_cast %add3A_661 : i32 to index
        %get3A_663 = arith.index_cast %mul3A_583 : i32 to index
        %get3A_664 = tpu.vector_load %arg16[%get3A_662, %get3A_663] {strides = array<i32>} : memref<128x128xf32, #tpu.memory_space<vmem>>, vector<1x16xf32>,
        %get3A_665 = vector.shape_cast %get3A_664 : vector<1x16xf32> to vector<16xf32>
        %mul3A_666 = arith.mulf %get3A_659, %get3A_665 : vector<16xf32>
        %add3A_667 = arith.addf %scan3A_571, %mul3A_666 : vector<16xf32>
        %add3A_668 = arith.constant 6 : i32
        %add3A_669 = arith.addi %mul3A_352, %add3A_668 : i32
        %get3A_670 = arith.index_cast %add3A_669 : i32 to index
        %get3A_671 = arith.index_cast %mul3A_583 : i32 to index
        %get3A_672 = tpu.vector_load %arg15[%get3A_670, %get3A_671] {strides = array<i32>} : memref<128x128xf32, #tpu.memory_space<vmem>>, vector<1x16xf32>,
        %get3A_673 = vector.shape_cast %get3A_672 : vector<1x16xf32> to vector<16xf32>
        %add3A_674 = arith.constant 6 : i32
        %add3A_675 = arith.addi %mul3A_352, %add3A_674 : i32
        %get3A_676 = arith.index_cast %add3A_675 : i32 to index
        %get3A_677 = arith.index_cast %mul3A_583 : i32 to index
        %get3A_678 = tpu.vector_load %arg16[%get3A_676, %get3A_677] {strides = array<i32>} : memref<128x128xf32, #tpu.memory_space<vmem>>, vector<1x16xf32>,
        %get3A_679 = vector.shape_cast %get3A_678 : vector<1x16xf32> to vector<16xf32>
        %mul3A_680 = arith.mulf %get3A_673, %get3A_679 : vector<16xf32>
        %add3A_681 = arith.addf %scan3A_572, %mul3A_680 : vector<16xf32>
        %add3A_682 = arith.constant 7 : i32
        %add3A_683 = arith.addi %mul3A_352, %add3A_682 : i32
        %get3A_684 = arith.index_cast %add3A_683 : i32 to index
        %get3A_685 = arith.index_cast %mul3A_583 : i32 to index
        %get3A_686 = tpu.vector_load %arg15[%get3A_684, %get3A_685] {strides = array<i32>} : memref<128x128xf32, #tpu.memory_space<vmem>>, vector<1x16xf32>,
        %get3A_687 = vector.shape_cast %get3A_686 : vector<1x16xf32> to vector<16xf32>
        %add3A_688 = arith.constant 7 : i32
        %add3A_689 = arith.addi %mul3A_352, %add3A_688 : i32
        %get3A_690 = arith.index_cast %add3A_689 : i32 to index
        %get3A_691 = arith.index_cast %mul3A_583 : i32 to index
        %get3A_692 = tpu.vector_load %arg16[%get3A_690, %get3A_691] {strides = array<i32>} : memref<128x128xf32, #tpu.memory_space<vmem>>, vector<1x16xf32>,
        %get3A_693 = vector.shape_cast %get3A_692 : vector<1x16xf32> to vector<16xf32>
        %mul3A_694 = arith.mulf %get3A_687, %get3A_693 : vector<16xf32>
        %add3A_695 = arith.addf %scan3A_573, %mul3A_694 : vector<16xf32>
        %add3A_696 = arith.constant 8 : i32
        %add3A_697 = arith.addi %mul3A_352, %add3A_696 : i32
        %get3A_698 = arith.index_cast %add3A_697 : i32 to index
        %get3A_699 = arith.index_cast %mul3A_583 : i32 to index
        %get3A_700 = tpu.vector_load %arg15[%get3A_698, %get3A_699] {strides = array<i32>} : memref<128x128xf32, #tpu.memory_space<vmem>>, vector<1x16xf32>,
        %get3A_701 = vector.shape_cast %get3A_700 : vector<1x16xf32> to vector<16xf32>
        %add3A_702 = arith.constant 8 : i32
        %add3A_703 = arith.addi %mul3A_352, %add3A_702 : i32
        %get3A_704 = arith.index_cast %add3A_703 : i32 to index
        %get3A_705 = arith.index_cast %mul3A_583 : i32 to index
        %get3A_706 = tpu.vector_load %arg16[%get3A_704, %get3A_705] {strides = array<i32>} : memref<128x128xf32, #tpu.memory_space<vmem>>, vector<1x16xf32>,
        %get3A_707 = vector.shape_cast %get3A_706 : vector<1x16xf32> to vector<16xf32>
        %mul3A_708 = arith.mulf %get3A_701, %get3A_707 : vector<16xf32>
        %add3A_709 = arith.addf %scan3A_574, %mul3A_708 : vector<16xf32>
        %add3A_710 = arith.constant 9 : i32
        %add3A_711 = arith.addi %mul3A_352, %add3A_710 : i32
        %get3A_712 = arith.index_cast %add3A_711 : i32 to index
        %get3A_713 = arith.index_cast %mul3A_583 : i32 to index
        %get3A_714 = tpu.vector_load %arg15[%get3A_712, %get3A_713] {strides = array<i32>} : memref<128x128xf32, #tpu.memory_space<vmem>>, vector<1x16xf32>,
        %get3A_715 = vector.shape_cast %get3A_714 : vector<1x16xf32> to vector<16xf32>
        %add3A_716 = arith.constant 9 : i32
        %add3A_717 = arith.addi %mul3A_352, %add3A_716 : i32
        %get3A_718 = arith.index_cast %add3A_717 : i32 to index
        %get3A_719 = arith.index_cast %mul3A_583 : i32 to index
        %get3A_720 = tpu.vector_load %arg16[%get3A_718, %get3A_719] {strides = array<i32>} : memref<128x128xf32, #tpu.memory_space<vmem>>, vector<1x16xf32>,
        %get3A_721 = vector.shape_cast %get3A_720 : vector<1x16xf32> to vector<16xf32>
        %mul3A_722 = arith.mulf %get3A_715, %get3A_721 : vector<16xf32>
        %add3A_723 = arith.addf %scan3A_575, %mul3A_722 : vector<16xf32>
        %add3A_724 = arith.constant 10 : i32
        %add3A_725 = arith.addi %mul3A_352, %add3A_724 : i32
        %get3A_726 = arith.index_cast %add3A_725 : i32 to index
        %get3A_727 = arith.index_cast %mul3A_583 : i32 to index
        %get3A_728 = tpu.vector_load %arg15[%get3A_726, %get3A_727] {strides = array<i32>} : memref<128x128xf32, #tpu.memory_space<vmem>>, vector<1x16xf32>,
        %get3A_729 = vector.shape_cast %get3A_728 : vector<1x16xf32> to vector<16xf32>
        %add3A_730 = arith.constant 10 : i32
        %add3A_731 = arith.addi %mul3A_352, %add3A_730 : i32
        %get3A_732 = arith.index_cast %add3A_731 : i32 to index
        %get3A_733 = arith.index_cast %mul3A_583 : i32 to index
        %get3A_734 = tpu.vector_load %arg16[%get3A_732, %get3A_733] {strides = array<i32>} : memref<128x128xf32, #tpu.memory_space<vmem>>, vector<1x16xf32>,
        %get3A_735 = vector.shape_cast %get3A_734 : vector<1x16xf32> to vector<16xf32>
        %mul3A_736 = arith.mulf %get3A_729, %get3A_735 : vector<16xf32>
        %add3A_737 = arith.addf %scan3A_576, %mul3A_736 : vector<16xf32>
        %add3A_738 = arith.constant 11 : i32
        %add3A_739 = arith.addi %mul3A_352, %add3A_738 : i32
        %get3A_740 = arith.index_cast %add3A_739 : i32 to index
        %get3A_741 = arith.index_cast %mul3A_583 : i32 to index
        %get3A_742 = tpu.vector_load %arg15[%get3A_740, %get3A_741] {strides = array<i32>} : memref<128x128xf32, #tpu.memory_space<vmem>>, vector<1x16xf32>,
        %get3A_743 = vector.shape_cast %get3A_742 : vector<1x16xf32> to vector<16xf32>
        %add3A_744 = arith.constant 11 : i32
        %add3A_745 = arith.addi %mul3A_352, %add3A_744 : i32
        %get3A_746 = arith.index_cast %add3A_745 : i32 to index
        %get3A_747 = arith.index_cast %mul3A_583 : i32 to index
        %get3A_748 = tpu.vector_load %arg16[%get3A_746, %get3A_747] {strides = array<i32>} : memref<128x128xf32, #tpu.memory_space<vmem>>, vector<1x16xf32>,
        %get3A_749 = vector.shape_cast %get3A_748 : vector<1x16xf32> to vector<16xf32>
        %mul3A_750 = arith.mulf %get3A_743, %get3A_749 : vector<16xf32>
        %add3A_751 = arith.addf %scan3A_577, %mul3A_750 : vector<16xf32>
        %add3A_752 = arith.constant 12 : i32
        %add3A_753 = arith.addi %mul3A_352, %add3A_752 : i32
        %get3A_754 = arith.index_cast %add3A_753 : i32 to index
        %get3A_755 = arith.index_cast %mul3A_583 : i32 to index
        %get3A_756 = tpu.vector_load %arg15[%get3A_754, %get3A_755] {strides = array<i32>} : memref<128x128xf32, #tpu.memory_space<vmem>>, vector<1x16xf32>,
        %get3A_757 = vector.shape_cast %get3A_756 : vector<1x16xf32> to vector<16xf32>
        %add3A_758 = arith.constant 12 : i32
        %add3A_759 = arith.addi %mul3A_352, %add3A_758 : i32
        %get3A_760 = arith.index_cast %add3A_759 : i32 to index
        %get3A_761 = arith.index_cast %mul3A_583 : i32 to index
        %get3A_762 = tpu.vector_load %arg16[%get3A_760, %get3A_761] {strides = array<i32>} : memref<128x128xf32, #tpu.memory_space<vmem>>, vector<1x16xf32>,
        %get3A_763 = vector.shape_cast %get3A_762 : vector<1x16xf32> to vector<16xf32>
        %mul3A_764 = arith.mulf %get3A_757, %get3A_763 : vector<16xf32>
        %add3A_765 = arith.addf %scan3A_578, %mul3A_764 : vector<16xf32>
        %add3A_766 = arith.constant 13 : i32
        %add3A_767 = arith.addi %mul3A_352, %add3A_766 : i32
        %get3A_768 = arith.index_cast %add3A_767 : i32 to index
        %get3A_769 = arith.index_cast %mul3A_583 : i32 to index
        %get3A_770 = tpu.vector_load %arg15[%get3A_768, %get3A_769] {strides = array<i32>} : memref<128x128xf32, #tpu.memory_space<vmem>>, vector<1x16xf32>,
        %get3A_771 = vector.shape_cast %get3A_770 : vector<1x16xf32> to vector<16xf32>
        %add3A_772 = arith.constant 13 : i32
        %add3A_773 = arith.addi %mul3A_352, %add3A_772 : i32
        %get3A_774 = arith.index_cast %add3A_773 : i32 to index
        %get3A_775 = arith.index_cast %mul3A_583 : i32 to index
        %get3A_776 = tpu.vector_load %arg16[%get3A_774, %get3A_775] {strides = array<i32>} : memref<128x128xf32, #tpu.memory_space<vmem>>, vector<1x16xf32>,
        %get3A_777 = vector.shape_cast %get3A_776 : vector<1x16xf32> to vector<16xf32>
        %mul3A_778 = arith.mulf %get3A_771, %get3A_777 : vector<16xf32>
        %add3A_779 = arith.addf %scan3A_579, %mul3A_778 : vector<16xf32>
        %add3A_780 = arith.constant 14 : i32
        %add3A_781 = arith.addi %mul3A_352, %add3A_780 : i32
        %get3A_782 = arith.index_cast %add3A_781 : i32 to index
        %get3A_783 = arith.index_cast %mul3A_583 : i32 to index
        %get3A_784 = tpu.vector_load %arg15[%get3A_782, %get3A_783] {strides = array<i32>} : memref<128x128xf32, #tpu.memory_space<vmem>>, vector<1x16xf32>,
        %get3A_785 = vector.shape_cast %get3A_784 : vector<1x16xf32> to vector<16xf32>
        %add3A_786 = arith.constant 14 : i32
        %add3A_787 = arith.addi %mul3A_352, %add3A_786 : i32
        %get3A_788 = arith.index_cast %add3A_787 : i32 to index
        %get3A_789 = arith.index_cast %mul3A_583 : i32 to index
        %get3A_790 = tpu.vector_load %arg16[%get3A_788, %get3A_789] {strides = array<i32>} : memref<128x128xf32, #tpu.memory_space<vmem>>, vector<1x16xf32>,
        %get3A_791 = vector.shape_cast %get3A_790 : vector<1x16xf32> to vector<16xf32>
        %mul3A_792 = arith.mulf %get3A_785, %get3A_791 : vector<16xf32>
        %add3A_793 = arith.addf %scan3A_580, %mul3A_792 : vector<16xf32>
        %add3A_794 = arith.constant 15 : i32
        %add3A_795 = arith.addi %mul3A_352, %add3A_794 : i32
        %get3A_796 = arith.index_cast %add3A_795 : i32 to index
        %get3A_797 = arith.index_cast %mul3A_583 : i32 to index
        %get3A_798 = tpu.vector_load %arg15[%get3A_796, %get3A_797] {strides = array<i32>} : memref<128x128xf32, #tpu.memory_space<vmem>>, vector<1x16xf32>,
        %get3A_799 = vector.shape_cast %get3A_798 : vector<1x16xf32> to vector<16xf32>
        %add3A_800 = arith.constant 15 : i32
        %add3A_801 = arith.addi %mul3A_352, %add3A_800 : i32
        %get3A_802 = arith.index_cast %add3A_801 : i32 to index
        %get3A_803 = arith.index_cast %mul3A_583 : i32 to index
        %get3A_804 = tpu.vector_load %arg16[%get3A_802, %get3A_803] {strides = array<i32>} : memref<128x128xf32, #tpu.memory_space<vmem>>, vector<1x16xf32>,
        %get3A_805 = vector.shape_cast %get3A_804 : vector<1x16xf32> to vector<16xf32>
        %mul3A_806 = arith.mulf %get3A_799, %get3A_805 : vector<16xf32>
        %add3A_807 = arith.addf %scan3A_581, %mul3A_806 : vector<16xf32>
        scf.yield %add3A_597, %add3A_611, %add3A_625, %add3A_639, %add3A_653, %add3A_667, %add3A_681, %add3A_695, %add3A_709, %add3A_723, %add3A_737, %add3A_751, %add3A_765, %add3A_779, %add3A_793, %add3A_807 : vector<16xf32>, vector<16xf32>, vector<16xf32>, vector<16xf32>, vector<16xf32>, vector<16xf32>, vector<16xf32>, vector<16xf32>, vector<16xf32>, vector<16xf32>, vector<16xf32>, vector<16xf32>, vector<16xf32>, vector<16xf32>, vector<16xf32>, vector<16xf32>
      }
      %scan3A_359 = arith.constant 8 : i32
      %select_n3A = arith.select %eq3A_79, %scan3A_358#0, %scan3A_358#8 : vector<16xi1>, vector<16xf32>
      %select_n3A_360 = arith.select %eq3A_79, %scan3A_358#8, %scan3A_358#0 : vector<16xi1>, vector<16xf32>
      %lt3A = arith.constant 0 : i32
      %lt3A_361 = vector.broadcast %lt3A : i32 to vector<16xi32>
      %lt3A_362 = arith.cmpi slt, %xor3A_66, %lt3A_361 : vector<16xi32>
      %add3A_363 = arith.constant 16 : i32
      %add3A_364 = vector.broadcast %add3A_363 : i32 to vector<16xi32>
      %add3A_365 = arith.addi %xor3A_66, %add3A_364 : vector<16xi32>
      %select_n3A_366 = arith.select %lt3A_362, %add3A_365, %xor3A_66 : vector<16xi1>, vector<16xi32>
      %broadcast_in_dim3A_367 = vector.shape_cast %select_n3A_366 : vector<16xi32> to vector<16x1xi32>
      %gather3A = vector.shape_cast %broadcast_in_dim3A_367 : vector<16x1xi32> to vector<16xi32>
      %gather3A_368 = tpu.dynamic_gather %select_n3A_360[%gather3A] in [0] : vector<16xf32>, vector<16xi32> -> vector<16xf32>
      %add3A_369 = arith.addf %select_n3A, %gather3A_368 : vector<16xf32>
      %select_n3A_370 = arith.select %eq3A_79, %scan3A_358#4, %scan3A_358#12 : vector<16xi1>, vector<16xf32>
      %select_n3A_371 = arith.select %eq3A_79, %scan3A_358#12, %scan3A_358#4 : vector<16xi1>, vector<16xf32>
      %lt3A_372 = arith.constant 0 : i32
      %lt3A_373 = vector.broadcast %lt3A_372 : i32 to vector<16xi32>
      %lt3A_374 = arith.cmpi slt, %xor3A_66, %lt3A_373 : vector<16xi32>
      %add3A_375 = arith.constant 16 : i32
      %add3A_376 = vector.broadcast %add3A_375 : i32 to vector<16xi32>
      %add3A_377 = arith.addi %xor3A_66, %add3A_376 : vector<16xi32>
      %select_n3A_378 = arith.select %lt3A_374, %add3A_377, %xor3A_66 : vector<16xi1>, vector<16xi32>
      %broadcast_in_dim3A_379 = vector.shape_cast %select_n3A_378 : vector<16xi32> to vector<16x1xi32>
      %gather3A_380 = vector.shape_cast %broadcast_in_dim3A_379 : vector<16x1xi32> to vector<16xi32>
      %gather3A_381 = tpu.dynamic_gather %select_n3A_371[%gather3A_380] in [0] : vector<16xf32>, vector<16xi32> -> vector<16xf32>
      %add3A_382 = arith.addf %select_n3A_370, %gather3A_381 : vector<16xf32>
      %select_n3A_383 = arith.select %eq3A_85, %add3A_369, %add3A_382 : vector<16xi1>, vector<16xf32>
      %select_n3A_384 = arith.select %eq3A_85, %add3A_382, %add3A_369 : vector<16xi1>, vector<16xf32>
      %lt3A_385 = arith.constant 0 : i32
      %lt3A_386 = vector.broadcast %lt3A_385 : i32 to vector<16xi32>
      %lt3A_387 = arith.cmpi slt, %xor3A_69, %lt3A_386 : vector<16xi32>
      %add3A_388 = arith.constant 16 : i32
      %add3A_389 = vector.broadcast %add3A_388 : i32 to vector<16xi32>
      %add3A_390 = arith.addi %xor3A_69, %add3A_389 : vector<16xi32>
      %select_n3A_391 = arith.select %lt3A_387, %add3A_390, %xor3A_69 : vector<16xi1>, vector<16xi32>
      %broadcast_in_dim3A_392 = vector.shape_cast %select_n3A_391 : vector<16xi32> to vector<16x1xi32>
      %gather3A_393 = vector.shape_cast %broadcast_in_dim3A_392 : vector<16x1xi32> to vector<16xi32>
      %gather3A_394 = tpu.dynamic_gather %select_n3A_384[%gather3A_393] in [0] : vector<16xf32>, vector<16xi32> -> vector<16xf32>
      %add3A_395 = arith.addf %select_n3A_383, %gather3A_394 : vector<16xf32>
      %select_n3A_396 = arith.select %eq3A_79, %scan3A_358#2, %scan3A_358#10 : vector<16xi1>, vector<16xf32>
      %select_n3A_397 = arith.select %eq3A_79, %scan3A_358#10, %scan3A_358#2 : vector<16xi1>, vector<16xf32>
      %lt3A_398 = arith.constant 0 : i32
      %lt3A_399 = vector.broadcast %lt3A_398 : i32 to vector<16xi32>
      %lt3A_400 = arith.cmpi slt, %xor3A_66, %lt3A_399 : vector<16xi32>
      %add3A_401 = arith.constant 16 : i32
      %add3A_402 = vector.broadcast %add3A_401 : i32 to vector<16xi32>
      %add3A_403 = arith.addi %xor3A_66, %add3A_402 : vector<16xi32>
      %select_n3A_404 = arith.select %lt3A_400, %add3A_403, %xor3A_66 : vector<16xi1>, vector<16xi32>
      %broadcast_in_dim3A_405 = vector.shape_cast %select_n3A_404 : vector<16xi32> to vector<16x1xi32>
      %gather3A_406 = vector.shape_cast %broadcast_in_dim3A_405 : vector<16x1xi32> to vector<16xi32>
      %gather3A_407 = tpu.dynamic_gather %select_n3A_397[%gather3A_406] in [0] : vector<16xf32>, vector<16xi32> -> vector<16xf32>
      %add3A_408 = arith.addf %select_n3A_396, %gather3A_407 : vector<16xf32>
      %select_n3A_409 = arith.select %eq3A_79, %scan3A_358#6, %scan3A_358#14 : vector<16xi1>, vector<16xf32>
      %select_n3A_410 = arith.select %eq3A_79, %scan3A_358#14, %scan3A_358#6 : vector<16xi1>, vector<16xf32>
      %lt3A_411 = arith.constant 0 : i32
      %lt3A_412 = vector.broadcast %lt3A_411 : i32 to vector<16xi32>
      %lt3A_413 = arith.cmpi slt, %xor3A_66, %lt3A_412 : vector<16xi32>
      %add3A_414 = arith.constant 16 : i32
      %add3A_415 = vector.broadcast %add3A_414 : i32 to vector<16xi32>
      %add3A_416 = arith.addi %xor3A_66, %add3A_415 : vector<16xi32>
      %select_n3A_417 = arith.select %lt3A_413, %add3A_416, %xor3A_66 : vector<16xi1>, vector<16xi32>
      %broadcast_in_dim3A_418 = vector.shape_cast %select_n3A_417 : vector<16xi32> to vector<16x1xi32>
      %gather3A_419 = vector.shape_cast %broadcast_in_dim3A_418 : vector<16x1xi32> to vector<16xi32>
      %gather3A_420 = tpu.dynamic_gather %select_n3A_410[%gather3A_419] in [0] : vector<16xf32>, vector<16xi32> -> vector<16xf32>
      %add3A_421 = arith.addf %select_n3A_409, %gather3A_420 : vector<16xf32>
      %select_n3A_422 = arith.select %eq3A_85, %add3A_408, %add3A_421 : vector<16xi1>, vector<16xf32>
      %select_n3A_423 = arith.select %eq3A_85, %add3A_421, %add3A_408 : vector<16xi1>, vector<16xf32>
      %lt3A_424 = arith.constant 0 : i32
      %lt3A_425 = vector.broadcast %lt3A_424 : i32 to vector<16xi32>
      %lt3A_426 = arith.cmpi slt, %xor3A_69, %lt3A_425 : vector<16xi32>
      %add3A_427 = arith.constant 16 : i32
      %add3A_428 = vector.broadcast %add3A_427 : i32 to vector<16xi32>
      %add3A_429 = arith.addi %xor3A_69, %add3A_428 : vector<16xi32>
      %select_n3A_430 = arith.select %lt3A_426, %add3A_429, %xor3A_69 : vector<16xi1>, vector<16xi32>
      %broadcast_in_dim3A_431 = vector.shape_cast %select_n3A_430 : vector<16xi32> to vector<16x1xi32>
      %gather3A_432 = vector.shape_cast %broadcast_in_dim3A_431 : vector<16x1xi32> to vector<16xi32>
      %gather3A_433 = tpu.dynamic_gather %select_n3A_423[%gather3A_432] in [0] : vector<16xf32>, vector<16xi32> -> vector<16xf32>
      %add3A_434 = arith.addf %select_n3A_422, %gather3A_433 : vector<16xf32>
      %select_n3A_435 = arith.select %eq3A_91, %add3A_395, %add3A_434 : vector<16xi1>, vector<16xf32>
      %select_n3A_436 = arith.select %eq3A_91, %add3A_434, %add3A_395 : vector<16xi1>, vector<16xf32>
      %lt3A_437 = arith.constant 0 : i32
      %lt3A_438 = vector.broadcast %lt3A_437 : i32 to vector<16xi32>
      %lt3A_439 = arith.cmpi slt, %xor3A_72, %lt3A_438 : vector<16xi32>
      %add3A_440 = arith.constant 16 : i32
      %add3A_441 = vector.broadcast %add3A_440 : i32 to vector<16xi32>
      %add3A_442 = arith.addi %xor3A_72, %add3A_441 : vector<16xi32>
      %select_n3A_443 = arith.select %lt3A_439, %add3A_442, %xor3A_72 : vector<16xi1>, vector<16xi32>
      %broadcast_in_dim3A_444 = vector.shape_cast %select_n3A_443 : vector<16xi32> to vector<16x1xi32>
      %gather3A_445 = vector.shape_cast %broadcast_in_dim3A_444 : vector<16x1xi32> to vector<16xi32>
      %gather3A_446 = tpu.dynamic_gather %select_n3A_436[%gather3A_445] in [0] : vector<16xf32>, vector<16xi32> -> vector<16xf32>
      %add3A_447 = arith.addf %select_n3A_435, %gather3A_446 : vector<16xf32>
      %select_n3A_448 = arith.select %eq3A_79, %scan3A_358#1, %scan3A_358#9 : vector<16xi1>, vector<16xf32>
      %select_n3A_449 = arith.select %eq3A_79, %scan3A_358#9, %scan3A_358#1 : vector<16xi1>, vector<16xf32>
      %lt3A_450 = arith.constant 0 : i32
      %lt3A_451 = vector.broadcast %lt3A_450 : i32 to vector<16xi32>
      %lt3A_452 = arith.cmpi slt, %xor3A_66, %lt3A_451 : vector<16xi32>
      %add3A_453 = arith.constant 16 : i32
      %add3A_454 = vector.broadcast %add3A_453 : i32 to vector<16xi32>
      %add3A_455 = arith.addi %xor3A_66, %add3A_454 : vector<16xi32>
      %select_n3A_456 = arith.select %lt3A_452, %add3A_455, %xor3A_66 : vector<16xi1>, vector<16xi32>
      %broadcast_in_dim3A_457 = vector.shape_cast %select_n3A_456 : vector<16xi32> to vector<16x1xi32>
      %gather3A_458 = vector.shape_cast %broadcast_in_dim3A_457 : vector<16x1xi32> to vector<16xi32>
      %gather3A_459 = tpu.dynamic_gather %select_n3A_449[%gather3A_458] in [0] : vector<16xf32>, vector<16xi32> -> vector<16xf32>
      %add3A_460 = arith.addf %select_n3A_448, %gather3A_459 : vector<16xf32>
      %select_n3A_461 = arith.select %eq3A_79, %scan3A_358#5, %scan3A_358#13 : vector<16xi1>, vector<16xf32>
      %select_n3A_462 = arith.select %eq3A_79, %scan3A_358#13, %scan3A_358#5 : vector<16xi1>, vector<16xf32>
      %lt3A_463 = arith.constant 0 : i32
      %lt3A_464 = vector.broadcast %lt3A_463 : i32 to vector<16xi32>
      %lt3A_465 = arith.cmpi slt, %xor3A_66, %lt3A_464 : vector<16xi32>
      %add3A_466 = arith.constant 16 : i32
      %add3A_467 = vector.broadcast %add3A_466 : i32 to vector<16xi32>
      %add3A_468 = arith.addi %xor3A_66, %add3A_467 : vector<16xi32>
      %select_n3A_469 = arith.select %lt3A_465, %add3A_468, %xor3A_66 : vector<16xi1>, vector<16xi32>
      %broadcast_in_dim3A_470 = vector.shape_cast %select_n3A_469 : vector<16xi32> to vector<16x1xi32>
      %gather3A_471 = vector.shape_cast %broadcast_in_dim3A_470 : vector<16x1xi32> to vector<16xi32>
      %gather3A_472 = tpu.dynamic_gather %select_n3A_462[%gather3A_471] in [0] : vector<16xf32>, vector<16xi32> -> vector<16xf32>
      %add3A_473 = arith.addf %select_n3A_461, %gather3A_472 : vector<16xf32>
      %select_n3A_474 = arith.select %eq3A_85, %add3A_460, %add3A_473 : vector<16xi1>, vector<16xf32>
      %select_n3A_475 = arith.select %eq3A_85, %add3A_473, %add3A_460 : vector<16xi1>, vector<16xf32>
      %lt3A_476 = arith.constant 0 : i32
      %lt3A_477 = vector.broadcast %lt3A_476 : i32 to vector<16xi32>
      %lt3A_478 = arith.cmpi slt, %xor3A_69, %lt3A_477 : vector<16xi32>
      %add3A_479 = arith.constant 16 : i32
      %add3A_480 = vector.broadcast %add3A_479 : i32 to vector<16xi32>
      %add3A_481 = arith.addi %xor3A_69, %add3A_480 : vector<16xi32>
      %select_n3A_482 = arith.select %lt3A_478, %add3A_481, %xor3A_69 : vector<16xi1>, vector<16xi32>
      %broadcast_in_dim3A_483 = vector.shape_cast %select_n3A_482 : vector<16xi32> to vector<16x1xi32>
      %gather3A_484 = vector.shape_cast %broadcast_in_dim3A_483 : vector<16x1xi32> to vector<16xi32>
      %gather3A_485 = tpu.dynamic_gather %select_n3A_475[%gather3A_484] in [0] : vector<16xf32>, vector<16xi32> -> vector<16xf32>
      %add3A_486 = arith.addf %select_n3A_474, %gather3A_485 : vector<16xf32>
      %select_n3A_487 = arith.select %eq3A_79, %scan3A_358#3, %scan3A_358#11 : vector<16xi1>, vector<16xf32>
      %select_n3A_488 = arith.select %eq3A_79, %scan3A_358#11, %scan3A_358#3 : vector<16xi1>, vector<16xf32>
      %lt3A_489 = arith.constant 0 : i32
      %lt3A_490 = vector.broadcast %lt3A_489 : i32 to vector<16xi32>
      %lt3A_491 = arith.cmpi slt, %xor3A_66, %lt3A_490 : vector<16xi32>
      %add3A_492 = arith.constant 16 : i32
      %add3A_493 = vector.broadcast %add3A_492 : i32 to vector<16xi32>
      %add3A_494 = arith.addi %xor3A_66, %add3A_493 : vector<16xi32>
      %select_n3A_495 = arith.select %lt3A_491, %add3A_494, %xor3A_66 : vector<16xi1>, vector<16xi32>
      %broadcast_in_dim3A_496 = vector.shape_cast %select_n3A_495 : vector<16xi32> to vector<16x1xi32>
      %gather3A_497 = vector.shape_cast %broadcast_in_dim3A_496 : vector<16x1xi32> to vector<16xi32>
      %gather3A_498 = tpu.dynamic_gather %select_n3A_488[%gather3A_497] in [0] : vector<16xf32>, vector<16xi32> -> vector<16xf32>
      %add3A_499 = arith.addf %select_n3A_487, %gather3A_498 : vector<16xf32>
      %select_n3A_500 = arith.select %eq3A_79, %scan3A_358#7, %scan3A_358#15 : vector<16xi1>, vector<16xf32>
      %select_n3A_501 = arith.select %eq3A_79, %scan3A_358#15, %scan3A_358#7 : vector<16xi1>, vector<16xf32>
      %lt3A_502 = arith.constant 0 : i32
      %lt3A_503 = vector.broadcast %lt3A_502 : i32 to vector<16xi32>
      %lt3A_504 = arith.cmpi slt, %xor3A_66, %lt3A_503 : vector<16xi32>
      %add3A_505 = arith.constant 16 : i32
      %add3A_506 = vector.broadcast %add3A_505 : i32 to vector<16xi32>
      %add3A_507 = arith.addi %xor3A_66, %add3A_506 : vector<16xi32>
      %select_n3A_508 = arith.select %lt3A_504, %add3A_507, %xor3A_66 : vector<16xi1>, vector<16xi32>
      %broadcast_in_dim3A_509 = vector.shape_cast %select_n3A_508 : vector<16xi32> to vector<16x1xi32>
      %gather3A_510 = vector.shape_cast %broadcast_in_dim3A_509 : vector<16x1xi32> to vector<16xi32>
      %gather3A_511 = tpu.dynamic_gather %select_n3A_501[%gather3A_510] in [0] : vector<16xf32>, vector<16xi32> -> vector<16xf32>
      %add3A_512 = arith.addf %select_n3A_500, %gather3A_511 : vector<16xf32>
      %select_n3A_513 = arith.select %eq3A_85, %add3A_499, %add3A_512 : vector<16xi1>, vector<16xf32>
      %select_n3A_514 = arith.select %eq3A_85, %add3A_512, %add3A_499 : vector<16xi1>, vector<16xf32>
      %lt3A_515 = arith.constant 0 : i32
      %lt3A_516 = vector.broadcast %lt3A_515 : i32 to vector<16xi32>
      %lt3A_517 = arith.cmpi slt, %xor3A_69, %lt3A_516 : vector<16xi32>
      %add3A_518 = arith.constant 16 : i32
      %add3A_519 = vector.broadcast %add3A_518 : i32 to vector<16xi32>
      %add3A_520 = arith.addi %xor3A_69, %add3A_519 : vector<16xi32>
      %select_n3A_521 = arith.select %lt3A_517, %add3A_520, %xor3A_69 : vector<16xi1>, vector<16xi32>
      %broadcast_in_dim3A_522 = vector.shape_cast %select_n3A_521 : vector<16xi32> to vector<16x1xi32>
      %gather3A_523 = vector.shape_cast %broadcast_in_dim3A_522 : vector<16x1xi32> to vector<16xi32>
      %gather3A_524 = tpu.dynamic_gather %select_n3A_514[%gather3A_523] in [0] : vector<16xf32>, vector<16xi32> -> vector<16xf32>
      %add3A_525 = arith.addf %select_n3A_513, %gather3A_524 : vector<16xf32>
      %select_n3A_526 = arith.select %eq3A_91, %add3A_486, %add3A_525 : vector<16xi1>, vector<16xf32>
      %select_n3A_527 = arith.select %eq3A_91, %add3A_525, %add3A_486 : vector<16xi1>, vector<16xf32>
      %lt3A_528 = arith.constant 0 : i32
      %lt3A_529 = vector.broadcast %lt3A_528 : i32 to vector<16xi32>
      %lt3A_530 = arith.cmpi slt, %xor3A_72, %lt3A_529 : vector<16xi32>
      %add3A_531 = arith.constant 16 : i32
      %add3A_532 = vector.broadcast %add3A_531 : i32 to vector<16xi32>
      %add3A_533 = arith.addi %xor3A_72, %add3A_532 : vector<16xi32>
      %select_n3A_534 = arith.select %lt3A_530, %add3A_533, %xor3A_72 : vector<16xi1>, vector<16xi32>
      %broadcast_in_dim3A_535 = vector.shape_cast %select_n3A_534 : vector<16xi32> to vector<16x1xi32>
      %gather3A_536 = vector.shape_cast %broadcast_in_dim3A_535 : vector<16x1xi32> to vector<16xi32>
      %gather3A_537 = tpu.dynamic_gather %select_n3A_527[%gather3A_536] in [0] : vector<16xf32>, vector<16xi32> -> vector<16xf32>
      %add3A_538 = arith.addf %select_n3A_526, %gather3A_537 : vector<16xf32>
      %select_n3A_539 = arith.select %eq3A_97, %add3A_447, %add3A_538 : vector<16xi1>, vector<16xf32>
      %select_n3A_540 = arith.select %eq3A_97, %add3A_538, %add3A_447 : vector<16xi1>, vector<16xf32>
      %lt3A_541 = arith.constant 0 : i32
      %lt3A_542 = vector.broadcast %lt3A_541 : i32 to vector<16xi32>
      %lt3A_543 = arith.cmpi slt, %xor3A_75, %lt3A_542 : vector<16xi32>
      %add3A_544 = arith.constant 16 : i32
      %add3A_545 = vector.broadcast %add3A_544 : i32 to vector<16xi32>
      %add3A_546 = arith.addi %xor3A_75, %add3A_545 : vector<16xi32>
      %select_n3A_547 = arith.select %lt3A_543, %add3A_546, %xor3A_75 : vector<16xi1>, vector<16xi32>
      %broadcast_in_dim3A_548 = vector.shape_cast %select_n3A_547 : vector<16xi32> to vector<16x1xi32>
      %gather3A_549 = vector.shape_cast %broadcast_in_dim3A_548 : vector<16x1xi32> to vector<16xi32>
      %gather3A_550 = tpu.dynamic_gather %select_n3A_540[%gather3A_549] in [0] : vector<16xf32>, vector<16xi32> -> vector<16xf32>
      %add3A_551 = arith.addf %select_n3A_539, %gather3A_550 : vector<16xf32>
      %add3A_552 = arith.constant 128 : i32
      %add3A_553 = arith.addi %add3A_552, %mul3A_352 : i32
      %get3A = arith.index_cast %add3A_553 : i32 to index
      %get3A_554 = tpu.vector_load %arg11[%get3A] {strides = array<i32>} : memref<512xf32, #tpu.memory_space<vmem>>, vector<16xf32>,
      %get3A_555 = vector.shape_cast %get3A_554 : vector<16xf32> to vector<16xf32>
      %add3A_556 = arith.addf %add3A_551, %get3A_555 : vector<16xf32>
      %get3A_557 = arith.index_cast %add3A_553 : i32 to index
      %get3A_558 = tpu.vector_load %arg12[%get3A_557] {strides = array<i32>} : memref<512xf32, #tpu.memory_space<vmem>>, vector<16xf32>,
      %get3A_559 = vector.shape_cast %get3A_558 : vector<16xf32> to vector<16xf32>
      %add3A_560 = arith.addf %add3A_556, %get3A_559 : vector<16xf32>
      %swap3A = arith.index_cast %add3A_553 : i32 to index
      %swap3A_561 = tpu.vector_load %arg19[%swap3A] {strides = array<i32>} : memref<512xf32, #tpu.memory_space<vmem>>, vector<16xf32>,
      %swap3A_562 = vector.shape_cast %swap3A_561 : vector<16xf32> to vector<16xf32>
      %swap3A_563 = vector.shape_cast %add3A_560 : vector<16xf32> to vector<16xf32>
      tpu.vector_store %arg19[%swap3A], %swap3A_563 {strides = array<i32>} : memref<512xf32, #tpu.memory_space<vmem>>, vector<16xf32>,
      %scan3A_564 = arith.constant 0 : i32
      scf.yield %scan3A_564 : i32
    }
    %scan3A_230 = arith.constant 8 : i32
    %add3A_231 = arith.constant 128 : i32
    %add3A_232 = arith.addi %mul3A_2, %add3A_231 : i32
    %dma_start3A_233 = arith.constant 128 : i32
    %dma_start3A_234 = tpu.memref_slice %arg19[%dma_start3A_233] : memref<512xf32, #tpu.memory_space<vmem>> -> memref<128xf32, #tpu.memory_space<vmem>>
    %dma_start3A_235 = tpu.memref_slice %arg8[%add3A_232] : memref<16384xf32, #tpu.memory_space<hbm>> -> memref<128xf32, #tpu.memory_space<hbm>>
    %dma_start3A_236 = tpu.memref_slice %arg8[%add3A_232] : memref<16384xf32, #tpu.memory_space<hbm>> -> memref<128xf32, #tpu.memory_space<hbm>>
    %dma_start3A_237 = arith.constant 128 : i32
    %dma_start3A_238 = tpu.memref_slice %arg19[%dma_start3A_237] : memref<512xf32, #tpu.memory_space<vmem>> -> memref<128xf32, #tpu.memory_space<vmem>>
    tpu.enqueue_dma source(%dma_start3A_238 : memref<128xf32, #tpu.memory_space<vmem>>) target(%dma_start3A_236 : memref<128xf32, #tpu.memory_space<hbm>>) target_semaphore(%arg25 : memref<!tpu.dma_semaphore, #tpu.memory_space<semaphore_mem>>)
    %dma_wait3A_239 = arith.constant 0 : i32
    %dma_wait3A_240 = arith.constant 0 : i32
    %dma_wait3A_241 = tpu.memref_slice %arg17[%dma_wait3A_239, %dma_wait3A_240] : memref<128x128xf32, #tpu.memory_space<vmem>> -> memref<128x128xf32, #tpu.memory_space<vmem>>
    %dma_wait3A_242 = arith.constant 256 : i32
    %dma_wait3A_243 = tpu.memref_slice %arg9[%dma_wait3A_242] : memref<512xi32, #tpu.memory_space<vmem>> -> memref<128xi32, #tpu.memory_space<vmem>>
    %dma_wait3A_244 = arith.constant 0 : i32
    %dma_wait3A_245 = arith.constant 0 : i32
    %dma_wait3A_246 = tpu.memref_slice %arg4[%dma_wait3A_244, %dma_wait3A_245] : memref<100000x128xf32, #tpu.memory_space<hbm>> -> memref<100000x128xf32, #tpu.memory_space<hbm>>
    tpu.wait_indirect_dma semaphore(%arg22 : memref<!tpu.dma_semaphore, #tpu.memory_space<semaphore_mem>>) src(%dma_wait3A_246 : memref<100000x128xf32, #tpu.memory_space<hbm>>) dst(%dma_wait3A_241 : memref<128x128xf32, #tpu.memory_space<vmem>>)
    %dma_wait3A_247 = arith.constant 0 : i32
    %dma_wait3A_248 = arith.constant 0 : i32
    %dma_wait3A_249 = tpu.memref_slice %arg18[%dma_wait3A_247, %dma_wait3A_248] : memref<128x128xf32, #tpu.memory_space<vmem>> -> memref<128x128xf32, #tpu.memory_space<vmem>>
    %dma_wait3A_250 = arith.constant 256 : i32
    %dma_wait3A_251 = tpu.memref_slice %arg10[%dma_wait3A_250] : memref<512xi32, #tpu.memory_space<vmem>> -> memref<128xi32, #tpu.memory_space<vmem>>
    %dma_wait3A_252 = arith.constant 0 : i32
    %dma_wait3A_253 = arith.constant 0 : i32
    %dma_wait3A_254 = tpu.memref_slice %arg5[%dma_wait3A_252, %dma_wait3A_253] : memref<100000x128xf32, #tpu.memory_space<hbm>> -> memref<100000x128xf32, #tpu.memory_space<hbm>>
    tpu.wait_indirect_dma semaphore(%arg22 : memref<!tpu.dma_semaphore, #tpu.memory_space<semaphore_mem>>) src(%dma_wait3A_254 : memref<100000x128xf32, #tpu.memory_space<hbm>>) dst(%dma_wait3A_249 : memref<128x128xf32, #tpu.memory_space<vmem>>)
    %dma_wait3A_255 = arith.constant 256 : i32
    %dma_wait3A_256 = tpu.memref_slice %arg11[%dma_wait3A_255] : memref<512xf32, #tpu.memory_space<vmem>> -> memref<128xf32, #tpu.memory_space<vmem>>
    %dma_wait3A_257 = arith.constant 256 : i32
    %dma_wait3A_258 = tpu.memref_slice %arg9[%dma_wait3A_257] : memref<512xi32, #tpu.memory_space<vmem>> -> memref<128xi32, #tpu.memory_space<vmem>>
    %dma_wait3A_259 = arith.constant 0 : i32
    %dma_wait3A_260 = tpu.memref_slice %arg6[%dma_wait3A_259] : memref<100000xf32, #tpu.memory_space<hbm>> -> memref<100000xf32, #tpu.memory_space<hbm>>
    tpu.wait_indirect_dma semaphore(%arg23 : memref<!tpu.dma_semaphore, #tpu.memory_space<semaphore_mem>>) src(%dma_wait3A_260 : memref<100000xf32, #tpu.memory_space<hbm>>) dst(%dma_wait3A_256 : memref<128xf32, #tpu.memory_space<vmem>>)
    %dma_wait3A_261 = arith.constant 256 : i32
    %dma_wait3A_262 = tpu.memref_slice %arg12[%dma_wait3A_261] : memref<512xf32, #tpu.memory_space<vmem>> -> memref<128xf32, #tpu.memory_space<vmem>>
    %dma_wait3A_263 = arith.constant 256 : i32
    %dma_wait3A_264 = tpu.memref_slice %arg10[%dma_wait3A_263] : memref<512xi32, #tpu.memory_space<vmem>> -> memref<128xi32, #tpu.memory_space<vmem>>
    %dma_wait3A_265 = arith.constant 0 : i32
    %dma_wait3A_266 = tpu.memref_slice %arg7[%dma_wait3A_265] : memref<100000xf32, #tpu.memory_space<hbm>> -> memref<100000xf32, #tpu.memory_space<hbm>>
    tpu.wait_indirect_dma semaphore(%arg24 : memref<!tpu.dma_semaphore, #tpu.memory_space<semaphore_mem>>) src(%dma_wait3A_266 : memref<100000xf32, #tpu.memory_space<hbm>>) dst(%dma_wait3A_262 : memref<128xf32, #tpu.memory_space<vmem>>)
    %scan3A_267 = arith.constant 0 : i32
    %scan3A_268 = arith.constant 0 : i32
    %scan3A_269 = arith.constant 8 : i32
    %scan3A_270 = arith.addi %scan3A_268, %scan3A_269 : i32
    %scan3A_271 = arith.constant 1 : i32
    %scan3A_272 = scf.for %scan3A_349 = %scan3A_268 to %scan3A_270 step %scan3A_271 iter_args(%scan3A_350 = %scan3A_267) -> (i32)  : i32 {
      %mul3A_351 = arith.constant 16 : i32
      %mul3A_352 = arith.muli %scan3A_349, %mul3A_351 : i32
      %broadcast_in_dim3A = arith.constant 0.000000e+00 : f32
      %broadcast_in_dim3A_353 = vector.broadcast %broadcast_in_dim3A : f32 to vector<16xf32>
      %scan3A_354 = arith.constant 0 : i32
      %scan3A_355 = arith.constant 8 : i32
      %scan3A_356 = arith.addi %scan3A_354, %scan3A_355 : i32
      %scan3A_357 = arith.constant 1 : i32
      %scan3A_358:16 = scf.for %scan3A_565 = %scan3A_354 to %scan3A_356 step %scan3A_357 iter_args(%scan3A_566 = %broadcast_in_dim3A_353, %scan3A_567 = %broadcast_in_dim3A_353, %scan3A_568 = %broadcast_in_dim3A_353, %scan3A_569 = %broadcast_in_dim3A_353, %scan3A_570 = %broadcast_in_dim3A_353, %scan3A_571 = %broadcast_in_dim3A_353, %scan3A_572 = %broadcast_in_dim3A_353, %scan3A_573 = %broadcast_in_dim3A_353, %scan3A_574 = %broadcast_in_dim3A_353, %scan3A_575 = %broadcast_in_dim3A_353, %scan3A_576 = %broadcast_in_dim3A_353, %scan3A_577 = %broadcast_in_dim3A_353, %scan3A_578 = %broadcast_in_dim3A_353, %scan3A_579 = %broadcast_in_dim3A_353, %scan3A_580 = %broadcast_in_dim3A_353, %scan3A_581 = %broadcast_in_dim3A_353) -> (vector<16xf32>, vector<16xf32>, vector<16xf32>, vector<16xf32>, vector<16xf32>, vector<16xf32>, vector<16xf32>, vector<16xf32>, vector<16xf32>, vector<16xf32>, vector<16xf32>, vector<16xf32>, vector<16xf32>, vector<16xf32>, vector<16xf32>, vector<16xf32>)  : i32 {
        %mul3A_582 = arith.constant 16 : i32
        %mul3A_583 = arith.muli %scan3A_565, %mul3A_582 : i32
        %add3A_584 = arith.constant 0 : i32
        %add3A_585 = arith.addi %mul3A_352, %add3A_584 : i32
        %get3A_586 = arith.index_cast %add3A_585 : i32 to index
        %get3A_587 = arith.index_cast %mul3A_583 : i32 to index
        %get3A_588 = tpu.vector_load %arg17[%get3A_586, %get3A_587] {strides = array<i32>} : memref<128x128xf32, #tpu.memory_space<vmem>>, vector<1x16xf32>,
        %get3A_589 = vector.shape_cast %get3A_588 : vector<1x16xf32> to vector<16xf32>
        %add3A_590 = arith.constant 0 : i32
        %add3A_591 = arith.addi %mul3A_352, %add3A_590 : i32
        %get3A_592 = arith.index_cast %add3A_591 : i32 to index
        %get3A_593 = arith.index_cast %mul3A_583 : i32 to index
        %get3A_594 = tpu.vector_load %arg18[%get3A_592, %get3A_593] {strides = array<i32>} : memref<128x128xf32, #tpu.memory_space<vmem>>, vector<1x16xf32>,
        %get3A_595 = vector.shape_cast %get3A_594 : vector<1x16xf32> to vector<16xf32>
        %mul3A_596 = arith.mulf %get3A_589, %get3A_595 : vector<16xf32>
        %add3A_597 = arith.addf %scan3A_566, %mul3A_596 : vector<16xf32>
        %add3A_598 = arith.constant 1 : i32
        %add3A_599 = arith.addi %mul3A_352, %add3A_598 : i32
        %get3A_600 = arith.index_cast %add3A_599 : i32 to index
        %get3A_601 = arith.index_cast %mul3A_583 : i32 to index
        %get3A_602 = tpu.vector_load %arg17[%get3A_600, %get3A_601] {strides = array<i32>} : memref<128x128xf32, #tpu.memory_space<vmem>>, vector<1x16xf32>,
        %get3A_603 = vector.shape_cast %get3A_602 : vector<1x16xf32> to vector<16xf32>
        %add3A_604 = arith.constant 1 : i32
        %add3A_605 = arith.addi %mul3A_352, %add3A_604 : i32
        %get3A_606 = arith.index_cast %add3A_605 : i32 to index
        %get3A_607 = arith.index_cast %mul3A_583 : i32 to index
        %get3A_608 = tpu.vector_load %arg18[%get3A_606, %get3A_607] {strides = array<i32>} : memref<128x128xf32, #tpu.memory_space<vmem>>, vector<1x16xf32>,
        %get3A_609 = vector.shape_cast %get3A_608 : vector<1x16xf32> to vector<16xf32>
        %mul3A_610 = arith.mulf %get3A_603, %get3A_609 : vector<16xf32>
        %add3A_611 = arith.addf %scan3A_567, %mul3A_610 : vector<16xf32>
        %add3A_612 = arith.constant 2 : i32
        %add3A_613 = arith.addi %mul3A_352, %add3A_612 : i32
        %get3A_614 = arith.index_cast %add3A_613 : i32 to index
        %get3A_615 = arith.index_cast %mul3A_583 : i32 to index
        %get3A_616 = tpu.vector_load %arg17[%get3A_614, %get3A_615] {strides = array<i32>} : memref<128x128xf32, #tpu.memory_space<vmem>>, vector<1x16xf32>,
        %get3A_617 = vector.shape_cast %get3A_616 : vector<1x16xf32> to vector<16xf32>
        %add3A_618 = arith.constant 2 : i32
        %add3A_619 = arith.addi %mul3A_352, %add3A_618 : i32
        %get3A_620 = arith.index_cast %add3A_619 : i32 to index
        %get3A_621 = arith.index_cast %mul3A_583 : i32 to index
        %get3A_622 = tpu.vector_load %arg18[%get3A_620, %get3A_621] {strides = array<i32>} : memref<128x128xf32, #tpu.memory_space<vmem>>, vector<1x16xf32>,
        %get3A_623 = vector.shape_cast %get3A_622 : vector<1x16xf32> to vector<16xf32>
        %mul3A_624 = arith.mulf %get3A_617, %get3A_623 : vector<16xf32>
        %add3A_625 = arith.addf %scan3A_568, %mul3A_624 : vector<16xf32>
        %add3A_626 = arith.constant 3 : i32
        %add3A_627 = arith.addi %mul3A_352, %add3A_626 : i32
        %get3A_628 = arith.index_cast %add3A_627 : i32 to index
        %get3A_629 = arith.index_cast %mul3A_583 : i32 to index
        %get3A_630 = tpu.vector_load %arg17[%get3A_628, %get3A_629] {strides = array<i32>} : memref<128x128xf32, #tpu.memory_space<vmem>>, vector<1x16xf32>,
        %get3A_631 = vector.shape_cast %get3A_630 : vector<1x16xf32> to vector<16xf32>
        %add3A_632 = arith.constant 3 : i32
        %add3A_633 = arith.addi %mul3A_352, %add3A_632 : i32
        %get3A_634 = arith.index_cast %add3A_633 : i32 to index
        %get3A_635 = arith.index_cast %mul3A_583 : i32 to index
        %get3A_636 = tpu.vector_load %arg18[%get3A_634, %get3A_635] {strides = array<i32>} : memref<128x128xf32, #tpu.memory_space<vmem>>, vector<1x16xf32>,
        %get3A_637 = vector.shape_cast %get3A_636 : vector<1x16xf32> to vector<16xf32>
        %mul3A_638 = arith.mulf %get3A_631, %get3A_637 : vector<16xf32>
        %add3A_639 = arith.addf %scan3A_569, %mul3A_638 : vector<16xf32>
        %add3A_640 = arith.constant 4 : i32
        %add3A_641 = arith.addi %mul3A_352, %add3A_640 : i32
        %get3A_642 = arith.index_cast %add3A_641 : i32 to index
        %get3A_643 = arith.index_cast %mul3A_583 : i32 to index
        %get3A_644 = tpu.vector_load %arg17[%get3A_642, %get3A_643] {strides = array<i32>} : memref<128x128xf32, #tpu.memory_space<vmem>>, vector<1x16xf32>,
        %get3A_645 = vector.shape_cast %get3A_644 : vector<1x16xf32> to vector<16xf32>
        %add3A_646 = arith.constant 4 : i32
        %add3A_647 = arith.addi %mul3A_352, %add3A_646 : i32
        %get3A_648 = arith.index_cast %add3A_647 : i32 to index
        %get3A_649 = arith.index_cast %mul3A_583 : i32 to index
        %get3A_650 = tpu.vector_load %arg18[%get3A_648, %get3A_649] {strides = array<i32>} : memref<128x128xf32, #tpu.memory_space<vmem>>, vector<1x16xf32>,
        %get3A_651 = vector.shape_cast %get3A_650 : vector<1x16xf32> to vector<16xf32>
        %mul3A_652 = arith.mulf %get3A_645, %get3A_651 : vector<16xf32>
        %add3A_653 = arith.addf %scan3A_570, %mul3A_652 : vector<16xf32>
        %add3A_654 = arith.constant 5 : i32
        %add3A_655 = arith.addi %mul3A_352, %add3A_654 : i32
        %get3A_656 = arith.index_cast %add3A_655 : i32 to index
        %get3A_657 = arith.index_cast %mul3A_583 : i32 to index
        %get3A_658 = tpu.vector_load %arg17[%get3A_656, %get3A_657] {strides = array<i32>} : memref<128x128xf32, #tpu.memory_space<vmem>>, vector<1x16xf32>,
        %get3A_659 = vector.shape_cast %get3A_658 : vector<1x16xf32> to vector<16xf32>
        %add3A_660 = arith.constant 5 : i32
        %add3A_661 = arith.addi %mul3A_352, %add3A_660 : i32
        %get3A_662 = arith.index_cast %add3A_661 : i32 to index
        %get3A_663 = arith.index_cast %mul3A_583 : i32 to index
        %get3A_664 = tpu.vector_load %arg18[%get3A_662, %get3A_663] {strides = array<i32>} : memref<128x128xf32, #tpu.memory_space<vmem>>, vector<1x16xf32>,
        %get3A_665 = vector.shape_cast %get3A_664 : vector<1x16xf32> to vector<16xf32>
        %mul3A_666 = arith.mulf %get3A_659, %get3A_665 : vector<16xf32>
        %add3A_667 = arith.addf %scan3A_571, %mul3A_666 : vector<16xf32>
        %add3A_668 = arith.constant 6 : i32
        %add3A_669 = arith.addi %mul3A_352, %add3A_668 : i32
        %get3A_670 = arith.index_cast %add3A_669 : i32 to index
        %get3A_671 = arith.index_cast %mul3A_583 : i32 to index
        %get3A_672 = tpu.vector_load %arg17[%get3A_670, %get3A_671] {strides = array<i32>} : memref<128x128xf32, #tpu.memory_space<vmem>>, vector<1x16xf32>,
        %get3A_673 = vector.shape_cast %get3A_672 : vector<1x16xf32> to vector<16xf32>
        %add3A_674 = arith.constant 6 : i32
        %add3A_675 = arith.addi %mul3A_352, %add3A_674 : i32
        %get3A_676 = arith.index_cast %add3A_675 : i32 to index
        %get3A_677 = arith.index_cast %mul3A_583 : i32 to index
        %get3A_678 = tpu.vector_load %arg18[%get3A_676, %get3A_677] {strides = array<i32>} : memref<128x128xf32, #tpu.memory_space<vmem>>, vector<1x16xf32>,
        %get3A_679 = vector.shape_cast %get3A_678 : vector<1x16xf32> to vector<16xf32>
        %mul3A_680 = arith.mulf %get3A_673, %get3A_679 : vector<16xf32>
        %add3A_681 = arith.addf %scan3A_572, %mul3A_680 : vector<16xf32>
        %add3A_682 = arith.constant 7 : i32
        %add3A_683 = arith.addi %mul3A_352, %add3A_682 : i32
        %get3A_684 = arith.index_cast %add3A_683 : i32 to index
        %get3A_685 = arith.index_cast %mul3A_583 : i32 to index
        %get3A_686 = tpu.vector_load %arg17[%get3A_684, %get3A_685] {strides = array<i32>} : memref<128x128xf32, #tpu.memory_space<vmem>>, vector<1x16xf32>,
        %get3A_687 = vector.shape_cast %get3A_686 : vector<1x16xf32> to vector<16xf32>
        %add3A_688 = arith.constant 7 : i32
        %add3A_689 = arith.addi %mul3A_352, %add3A_688 : i32
        %get3A_690 = arith.index_cast %add3A_689 : i32 to index
        %get3A_691 = arith.index_cast %mul3A_583 : i32 to index
        %get3A_692 = tpu.vector_load %arg18[%get3A_690, %get3A_691] {strides = array<i32>} : memref<128x128xf32, #tpu.memory_space<vmem>>, vector<1x16xf32>,
        %get3A_693 = vector.shape_cast %get3A_692 : vector<1x16xf32> to vector<16xf32>
        %mul3A_694 = arith.mulf %get3A_687, %get3A_693 : vector<16xf32>
        %add3A_695 = arith.addf %scan3A_573, %mul3A_694 : vector<16xf32>
        %add3A_696 = arith.constant 8 : i32
        %add3A_697 = arith.addi %mul3A_352, %add3A_696 : i32
        %get3A_698 = arith.index_cast %add3A_697 : i32 to index
        %get3A_699 = arith.index_cast %mul3A_583 : i32 to index
        %get3A_700 = tpu.vector_load %arg17[%get3A_698, %get3A_699] {strides = array<i32>} : memref<128x128xf32, #tpu.memory_space<vmem>>, vector<1x16xf32>,
        %get3A_701 = vector.shape_cast %get3A_700 : vector<1x16xf32> to vector<16xf32>
        %add3A_702 = arith.constant 8 : i32
        %add3A_703 = arith.addi %mul3A_352, %add3A_702 : i32
        %get3A_704 = arith.index_cast %add3A_703 : i32 to index
        %get3A_705 = arith.index_cast %mul3A_583 : i32 to index
        %get3A_706 = tpu.vector_load %arg18[%get3A_704, %get3A_705] {strides = array<i32>} : memref<128x128xf32, #tpu.memory_space<vmem>>, vector<1x16xf32>,
        %get3A_707 = vector.shape_cast %get3A_706 : vector<1x16xf32> to vector<16xf32>
        %mul3A_708 = arith.mulf %get3A_701, %get3A_707 : vector<16xf32>
        %add3A_709 = arith.addf %scan3A_574, %mul3A_708 : vector<16xf32>
        %add3A_710 = arith.constant 9 : i32
        %add3A_711 = arith.addi %mul3A_352, %add3A_710 : i32
        %get3A_712 = arith.index_cast %add3A_711 : i32 to index
        %get3A_713 = arith.index_cast %mul3A_583 : i32 to index
        %get3A_714 = tpu.vector_load %arg17[%get3A_712, %get3A_713] {strides = array<i32>} : memref<128x128xf32, #tpu.memory_space<vmem>>, vector<1x16xf32>,
        %get3A_715 = vector.shape_cast %get3A_714 : vector<1x16xf32> to vector<16xf32>
        %add3A_716 = arith.constant 9 : i32
        %add3A_717 = arith.addi %mul3A_352, %add3A_716 : i32
        %get3A_718 = arith.index_cast %add3A_717 : i32 to index
        %get3A_719 = arith.index_cast %mul3A_583 : i32 to index
        %get3A_720 = tpu.vector_load %arg18[%get3A_718, %get3A_719] {strides = array<i32>} : memref<128x128xf32, #tpu.memory_space<vmem>>, vector<1x16xf32>,
        %get3A_721 = vector.shape_cast %get3A_720 : vector<1x16xf32> to vector<16xf32>
        %mul3A_722 = arith.mulf %get3A_715, %get3A_721 : vector<16xf32>
        %add3A_723 = arith.addf %scan3A_575, %mul3A_722 : vector<16xf32>
        %add3A_724 = arith.constant 10 : i32
        %add3A_725 = arith.addi %mul3A_352, %add3A_724 : i32
        %get3A_726 = arith.index_cast %add3A_725 : i32 to index
        %get3A_727 = arith.index_cast %mul3A_583 : i32 to index
        %get3A_728 = tpu.vector_load %arg17[%get3A_726, %get3A_727] {strides = array<i32>} : memref<128x128xf32, #tpu.memory_space<vmem>>, vector<1x16xf32>,
        %get3A_729 = vector.shape_cast %get3A_728 : vector<1x16xf32> to vector<16xf32>
        %add3A_730 = arith.constant 10 : i32
        %add3A_731 = arith.addi %mul3A_352, %add3A_730 : i32
        %get3A_732 = arith.index_cast %add3A_731 : i32 to index
        %get3A_733 = arith.index_cast %mul3A_583 : i32 to index
        %get3A_734 = tpu.vector_load %arg18[%get3A_732, %get3A_733] {strides = array<i32>} : memref<128x128xf32, #tpu.memory_space<vmem>>, vector<1x16xf32>,
        %get3A_735 = vector.shape_cast %get3A_734 : vector<1x16xf32> to vector<16xf32>
        %mul3A_736 = arith.mulf %get3A_729, %get3A_735 : vector<16xf32>
        %add3A_737 = arith.addf %scan3A_576, %mul3A_736 : vector<16xf32>
        %add3A_738 = arith.constant 11 : i32
        %add3A_739 = arith.addi %mul3A_352, %add3A_738 : i32
        %get3A_740 = arith.index_cast %add3A_739 : i32 to index
        %get3A_741 = arith.index_cast %mul3A_583 : i32 to index
        %get3A_742 = tpu.vector_load %arg17[%get3A_740, %get3A_741] {strides = array<i32>} : memref<128x128xf32, #tpu.memory_space<vmem>>, vector<1x16xf32>,
        %get3A_743 = vector.shape_cast %get3A_742 : vector<1x16xf32> to vector<16xf32>
        %add3A_744 = arith.constant 11 : i32
        %add3A_745 = arith.addi %mul3A_352, %add3A_744 : i32
        %get3A_746 = arith.index_cast %add3A_745 : i32 to index
        %get3A_747 = arith.index_cast %mul3A_583 : i32 to index
        %get3A_748 = tpu.vector_load %arg18[%get3A_746, %get3A_747] {strides = array<i32>} : memref<128x128xf32, #tpu.memory_space<vmem>>, vector<1x16xf32>,
        %get3A_749 = vector.shape_cast %get3A_748 : vector<1x16xf32> to vector<16xf32>
        %mul3A_750 = arith.mulf %get3A_743, %get3A_749 : vector<16xf32>
        %add3A_751 = arith.addf %scan3A_577, %mul3A_750 : vector<16xf32>
        %add3A_752 = arith.constant 12 : i32
        %add3A_753 = arith.addi %mul3A_352, %add3A_752 : i32
        %get3A_754 = arith.index_cast %add3A_753 : i32 to index
        %get3A_755 = arith.index_cast %mul3A_583 : i32 to index
        %get3A_756 = tpu.vector_load %arg17[%get3A_754, %get3A_755] {strides = array<i32>} : memref<128x128xf32, #tpu.memory_space<vmem>>, vector<1x16xf32>,
        %get3A_757 = vector.shape_cast %get3A_756 : vector<1x16xf32> to vector<16xf32>
        %add3A_758 = arith.constant 12 : i32
        %add3A_759 = arith.addi %mul3A_352, %add3A_758 : i32
        %get3A_760 = arith.index_cast %add3A_759 : i32 to index
        %get3A_761 = arith.index_cast %mul3A_583 : i32 to index
        %get3A_762 = tpu.vector_load %arg18[%get3A_760, %get3A_761] {strides = array<i32>} : memref<128x128xf32, #tpu.memory_space<vmem>>, vector<1x16xf32>,
        %get3A_763 = vector.shape_cast %get3A_762 : vector<1x16xf32> to vector<16xf32>
        %mul3A_764 = arith.mulf %get3A_757, %get3A_763 : vector<16xf32>
        %add3A_765 = arith.addf %scan3A_578, %mul3A_764 : vector<16xf32>
        %add3A_766 = arith.constant 13 : i32
        %add3A_767 = arith.addi %mul3A_352, %add3A_766 : i32
        %get3A_768 = arith.index_cast %add3A_767 : i32 to index
        %get3A_769 = arith.index_cast %mul3A_583 : i32 to index
        %get3A_770 = tpu.vector_load %arg17[%get3A_768, %get3A_769] {strides = array<i32>} : memref<128x128xf32, #tpu.memory_space<vmem>>, vector<1x16xf32>,
        %get3A_771 = vector.shape_cast %get3A_770 : vector<1x16xf32> to vector<16xf32>
        %add3A_772 = arith.constant 13 : i32
        %add3A_773 = arith.addi %mul3A_352, %add3A_772 : i32
        %get3A_774 = arith.index_cast %add3A_773 : i32 to index
        %get3A_775 = arith.index_cast %mul3A_583 : i32 to index
        %get3A_776 = tpu.vector_load %arg18[%get3A_774, %get3A_775] {strides = array<i32>} : memref<128x128xf32, #tpu.memory_space<vmem>>, vector<1x16xf32>,
        %get3A_777 = vector.shape_cast %get3A_776 : vector<1x16xf32> to vector<16xf32>
        %mul3A_778 = arith.mulf %get3A_771, %get3A_777 : vector<16xf32>
        %add3A_779 = arith.addf %scan3A_579, %mul3A_778 : vector<16xf32>
        %add3A_780 = arith.constant 14 : i32
        %add3A_781 = arith.addi %mul3A_352, %add3A_780 : i32
        %get3A_782 = arith.index_cast %add3A_781 : i32 to index
        %get3A_783 = arith.index_cast %mul3A_583 : i32 to index
        %get3A_784 = tpu.vector_load %arg17[%get3A_782, %get3A_783] {strides = array<i32>} : memref<128x128xf32, #tpu.memory_space<vmem>>, vector<1x16xf32>,
        %get3A_785 = vector.shape_cast %get3A_784 : vector<1x16xf32> to vector<16xf32>
        %add3A_786 = arith.constant 14 : i32
        %add3A_787 = arith.addi %mul3A_352, %add3A_786 : i32
        %get3A_788 = arith.index_cast %add3A_787 : i32 to index
        %get3A_789 = arith.index_cast %mul3A_583 : i32 to index
        %get3A_790 = tpu.vector_load %arg18[%get3A_788, %get3A_789] {strides = array<i32>} : memref<128x128xf32, #tpu.memory_space<vmem>>, vector<1x16xf32>,
        %get3A_791 = vector.shape_cast %get3A_790 : vector<1x16xf32> to vector<16xf32>
        %mul3A_792 = arith.mulf %get3A_785, %get3A_791 : vector<16xf32>
        %add3A_793 = arith.addf %scan3A_580, %mul3A_792 : vector<16xf32>
        %add3A_794 = arith.constant 15 : i32
        %add3A_795 = arith.addi %mul3A_352, %add3A_794 : i32
        %get3A_796 = arith.index_cast %add3A_795 : i32 to index
        %get3A_797 = arith.index_cast %mul3A_583 : i32 to index
        %get3A_798 = tpu.vector_load %arg17[%get3A_796, %get3A_797] {strides = array<i32>} : memref<128x128xf32, #tpu.memory_space<vmem>>, vector<1x16xf32>,
        %get3A_799 = vector.shape_cast %get3A_798 : vector<1x16xf32> to vector<16xf32>
        %add3A_800 = arith.constant 15 : i32
        %add3A_801 = arith.addi %mul3A_352, %add3A_800 : i32
        %get3A_802 = arith.index_cast %add3A_801 : i32 to index
        %get3A_803 = arith.index_cast %mul3A_583 : i32 to index
        %get3A_804 = tpu.vector_load %arg18[%get3A_802, %get3A_803] {strides = array<i32>} : memref<128x128xf32, #tpu.memory_space<vmem>>, vector<1x16xf32>,
        %get3A_805 = vector.shape_cast %get3A_804 : vector<1x16xf32> to vector<16xf32>
        %mul3A_806 = arith.mulf %get3A_799, %get3A_805 : vector<16xf32>
        %add3A_807 = arith.addf %scan3A_581, %mul3A_806 : vector<16xf32>
        scf.yield %add3A_597, %add3A_611, %add3A_625, %add3A_639, %add3A_653, %add3A_667, %add3A_681, %add3A_695, %add3A_709, %add3A_723, %add3A_737, %add3A_751, %add3A_765, %add3A_779, %add3A_793, %add3A_807 : vector<16xf32>, vector<16xf32>, vector<16xf32>, vector<16xf32>, vector<16xf32>, vector<16xf32>, vector<16xf32>, vector<16xf32>, vector<16xf32>, vector<16xf32>, vector<16xf32>, vector<16xf32>, vector<16xf32>, vector<16xf32>, vector<16xf32>, vector<16xf32>
      }
      %scan3A_359 = arith.constant 8 : i32
      %select_n3A = arith.select %eq3A_79, %scan3A_358#0, %scan3A_358#8 : vector<16xi1>, vector<16xf32>
      %select_n3A_360 = arith.select %eq3A_79, %scan3A_358#8, %scan3A_358#0 : vector<16xi1>, vector<16xf32>
      %lt3A = arith.constant 0 : i32
      %lt3A_361 = vector.broadcast %lt3A : i32 to vector<16xi32>
      %lt3A_362 = arith.cmpi slt, %xor3A_66, %lt3A_361 : vector<16xi32>
      %add3A_363 = arith.constant 16 : i32
      %add3A_364 = vector.broadcast %add3A_363 : i32 to vector<16xi32>
      %add3A_365 = arith.addi %xor3A_66, %add3A_364 : vector<16xi32>
      %select_n3A_366 = arith.select %lt3A_362, %add3A_365, %xor3A_66 : vector<16xi1>, vector<16xi32>
      %broadcast_in_dim3A_367 = vector.shape_cast %select_n3A_366 : vector<16xi32> to vector<16x1xi32>
      %gather3A = vector.shape_cast %broadcast_in_dim3A_367 : vector<16x1xi32> to vector<16xi32>
      %gather3A_368 = tpu.dynamic_gather %select_n3A_360[%gather3A] in [0] : vector<16xf32>, vector<16xi32> -> vector<16xf32>
      %add3A_369 = arith.addf %select_n3A, %gather3A_368 : vector<16xf32>
      %select_n3A_370 = arith.select %eq3A_79, %scan3A_358#4, %scan3A_358#12 : vector<16xi1>, vector<16xf32>
      %select_n3A_371 = arith.select %eq3A_79, %scan3A_358#12, %scan3A_358#4 : vector<16xi1>, vector<16xf32>
      %lt3A_372 = arith.constant 0 : i32
      %lt3A_373 = vector.broadcast %lt3A_372 : i32 to vector<16xi32>
      %lt3A_374 = arith.cmpi slt, %xor3A_66, %lt3A_373 : vector<16xi32>
      %add3A_375 = arith.constant 16 : i32
      %add3A_376 = vector.broadcast %add3A_375 : i32 to vector<16xi32>
      %add3A_377 = arith.addi %xor3A_66, %add3A_376 : vector<16xi32>
      %select_n3A_378 = arith.select %lt3A_374, %add3A_377, %xor3A_66 : vector<16xi1>, vector<16xi32>
      %broadcast_in_dim3A_379 = vector.shape_cast %select_n3A_378 : vector<16xi32> to vector<16x1xi32>
      %gather3A_380 = vector.shape_cast %broadcast_in_dim3A_379 : vector<16x1xi32> to vector<16xi32>
      %gather3A_381 = tpu.dynamic_gather %select_n3A_371[%gather3A_380] in [0] : vector<16xf32>, vector<16xi32> -> vector<16xf32>
      %add3A_382 = arith.addf %select_n3A_370, %gather3A_381 : vector<16xf32>
      %select_n3A_383 = arith.select %eq3A_85, %add3A_369, %add3A_382 : vector<16xi1>, vector<16xf32>
      %select_n3A_384 = arith.select %eq3A_85, %add3A_382, %add3A_369 : vector<16xi1>, vector<16xf32>
      %lt3A_385 = arith.constant 0 : i32
      %lt3A_386 = vector.broadcast %lt3A_385 : i32 to vector<16xi32>
      %lt3A_387 = arith.cmpi slt, %xor3A_69, %lt3A_386 : vector<16xi32>
      %add3A_388 = arith.constant 16 : i32
      %add3A_389 = vector.broadcast %add3A_388 : i32 to vector<16xi32>
      %add3A_390 = arith.addi %xor3A_69, %add3A_389 : vector<16xi32>
      %select_n3A_391 = arith.select %lt3A_387, %add3A_390, %xor3A_69 : vector<16xi1>, vector<16xi32>
      %broadcast_in_dim3A_392 = vector.shape_cast %select_n3A_391 : vector<16xi32> to vector<16x1xi32>
      %gather3A_393 = vector.shape_cast %broadcast_in_dim3A_392 : vector<16x1xi32> to vector<16xi32>
      %gather3A_394 = tpu.dynamic_gather %select_n3A_384[%gather3A_393] in [0] : vector<16xf32>, vector<16xi32> -> vector<16xf32>
      %add3A_395 = arith.addf %select_n3A_383, %gather3A_394 : vector<16xf32>
      %select_n3A_396 = arith.select %eq3A_79, %scan3A_358#2, %scan3A_358#10 : vector<16xi1>, vector<16xf32>
      %select_n3A_397 = arith.select %eq3A_79, %scan3A_358#10, %scan3A_358#2 : vector<16xi1>, vector<16xf32>
      %lt3A_398 = arith.constant 0 : i32
      %lt3A_399 = vector.broadcast %lt3A_398 : i32 to vector<16xi32>
      %lt3A_400 = arith.cmpi slt, %xor3A_66, %lt3A_399 : vector<16xi32>
      %add3A_401 = arith.constant 16 : i32
      %add3A_402 = vector.broadcast %add3A_401 : i32 to vector<16xi32>
      %add3A_403 = arith.addi %xor3A_66, %add3A_402 : vector<16xi32>
      %select_n3A_404 = arith.select %lt3A_400, %add3A_403, %xor3A_66 : vector<16xi1>, vector<16xi32>
      %broadcast_in_dim3A_405 = vector.shape_cast %select_n3A_404 : vector<16xi32> to vector<16x1xi32>
      %gather3A_406 = vector.shape_cast %broadcast_in_dim3A_405 : vector<16x1xi32> to vector<16xi32>
      %gather3A_407 = tpu.dynamic_gather %select_n3A_397[%gather3A_406] in [0] : vector<16xf32>, vector<16xi32> -> vector<16xf32>
      %add3A_408 = arith.addf %select_n3A_396, %gather3A_407 : vector<16xf32>
      %select_n3A_409 = arith.select %eq3A_79, %scan3A_358#6, %scan3A_358#14 : vector<16xi1>, vector<16xf32>
      %select_n3A_410 = arith.select %eq3A_79, %scan3A_358#14, %scan3A_358#6 : vector<16xi1>, vector<16xf32>
      %lt3A_411 = arith.constant 0 : i32
      %lt3A_412 = vector.broadcast %lt3A_411 : i32 to vector<16xi32>
      %lt3A_413 = arith.cmpi slt, %xor3A_66, %lt3A_412 : vector<16xi32>
      %add3A_414 = arith.constant 16 : i32
      %add3A_415 = vector.broadcast %add3A_414 : i32 to vector<16xi32>
      %add3A_416 = arith.addi %xor3A_66, %add3A_415 : vector<16xi32>
      %select_n3A_417 = arith.select %lt3A_413, %add3A_416, %xor3A_66 : vector<16xi1>, vector<16xi32>
      %broadcast_in_dim3A_418 = vector.shape_cast %select_n3A_417 : vector<16xi32> to vector<16x1xi32>
      %gather3A_419 = vector.shape_cast %broadcast_in_dim3A_418 : vector<16x1xi32> to vector<16xi32>
      %gather3A_420 = tpu.dynamic_gather %select_n3A_410[%gather3A_419] in [0] : vector<16xf32>, vector<16xi32> -> vector<16xf32>
      %add3A_421 = arith.addf %select_n3A_409, %gather3A_420 : vector<16xf32>
      %select_n3A_422 = arith.select %eq3A_85, %add3A_408, %add3A_421 : vector<16xi1>, vector<16xf32>
      %select_n3A_423 = arith.select %eq3A_85, %add3A_421, %add3A_408 : vector<16xi1>, vector<16xf32>
      %lt3A_424 = arith.constant 0 : i32
      %lt3A_425 = vector.broadcast %lt3A_424 : i32 to vector<16xi32>
      %lt3A_426 = arith.cmpi slt, %xor3A_69, %lt3A_425 : vector<16xi32>
      %add3A_427 = arith.constant 16 : i32
      %add3A_428 = vector.broadcast %add3A_427 : i32 to vector<16xi32>
      %add3A_429 = arith.addi %xor3A_69, %add3A_428 : vector<16xi32>
      %select_n3A_430 = arith.select %lt3A_426, %add3A_429, %xor3A_69 : vector<16xi1>, vector<16xi32>
      %broadcast_in_dim3A_431 = vector.shape_cast %select_n3A_430 : vector<16xi32> to vector<16x1xi32>
      %gather3A_432 = vector.shape_cast %broadcast_in_dim3A_431 : vector<16x1xi32> to vector<16xi32>
      %gather3A_433 = tpu.dynamic_gather %select_n3A_423[%gather3A_432] in [0] : vector<16xf32>, vector<16xi32> -> vector<16xf32>
      %add3A_434 = arith.addf %select_n3A_422, %gather3A_433 : vector<16xf32>
      %select_n3A_435 = arith.select %eq3A_91, %add3A_395, %add3A_434 : vector<16xi1>, vector<16xf32>
      %select_n3A_436 = arith.select %eq3A_91, %add3A_434, %add3A_395 : vector<16xi1>, vector<16xf32>
      %lt3A_437 = arith.constant 0 : i32
      %lt3A_438 = vector.broadcast %lt3A_437 : i32 to vector<16xi32>
      %lt3A_439 = arith.cmpi slt, %xor3A_72, %lt3A_438 : vector<16xi32>
      %add3A_440 = arith.constant 16 : i32
      %add3A_441 = vector.broadcast %add3A_440 : i32 to vector<16xi32>
      %add3A_442 = arith.addi %xor3A_72, %add3A_441 : vector<16xi32>
      %select_n3A_443 = arith.select %lt3A_439, %add3A_442, %xor3A_72 : vector<16xi1>, vector<16xi32>
      %broadcast_in_dim3A_444 = vector.shape_cast %select_n3A_443 : vector<16xi32> to vector<16x1xi32>
      %gather3A_445 = vector.shape_cast %broadcast_in_dim3A_444 : vector<16x1xi32> to vector<16xi32>
      %gather3A_446 = tpu.dynamic_gather %select_n3A_436[%gather3A_445] in [0] : vector<16xf32>, vector<16xi32> -> vector<16xf32>
      %add3A_447 = arith.addf %select_n3A_435, %gather3A_446 : vector<16xf32>
      %select_n3A_448 = arith.select %eq3A_79, %scan3A_358#1, %scan3A_358#9 : vector<16xi1>, vector<16xf32>
      %select_n3A_449 = arith.select %eq3A_79, %scan3A_358#9, %scan3A_358#1 : vector<16xi1>, vector<16xf32>
      %lt3A_450 = arith.constant 0 : i32
      %lt3A_451 = vector.broadcast %lt3A_450 : i32 to vector<16xi32>
      %lt3A_452 = arith.cmpi slt, %xor3A_66, %lt3A_451 : vector<16xi32>
      %add3A_453 = arith.constant 16 : i32
      %add3A_454 = vector.broadcast %add3A_453 : i32 to vector<16xi32>
      %add3A_455 = arith.addi %xor3A_66, %add3A_454 : vector<16xi32>
      %select_n3A_456 = arith.select %lt3A_452, %add3A_455, %xor3A_66 : vector<16xi1>, vector<16xi32>
      %broadcast_in_dim3A_457 = vector.shape_cast %select_n3A_456 : vector<16xi32> to vector<16x1xi32>
      %gather3A_458 = vector.shape_cast %broadcast_in_dim3A_457 : vector<16x1xi32> to vector<16xi32>
      %gather3A_459 = tpu.dynamic_gather %select_n3A_449[%gather3A_458] in [0] : vector<16xf32>, vector<16xi32> -> vector<16xf32>
      %add3A_460 = arith.addf %select_n3A_448, %gather3A_459 : vector<16xf32>
      %select_n3A_461 = arith.select %eq3A_79, %scan3A_358#5, %scan3A_358#13 : vector<16xi1>, vector<16xf32>
      %select_n3A_462 = arith.select %eq3A_79, %scan3A_358#13, %scan3A_358#5 : vector<16xi1>, vector<16xf32>
      %lt3A_463 = arith.constant 0 : i32
      %lt3A_464 = vector.broadcast %lt3A_463 : i32 to vector<16xi32>
      %lt3A_465 = arith.cmpi slt, %xor3A_66, %lt3A_464 : vector<16xi32>
      %add3A_466 = arith.constant 16 : i32
      %add3A_467 = vector.broadcast %add3A_466 : i32 to vector<16xi32>
      %add3A_468 = arith.addi %xor3A_66, %add3A_467 : vector<16xi32>
      %select_n3A_469 = arith.select %lt3A_465, %add3A_468, %xor3A_66 : vector<16xi1>, vector<16xi32>
      %broadcast_in_dim3A_470 = vector.shape_cast %select_n3A_469 : vector<16xi32> to vector<16x1xi32>
      %gather3A_471 = vector.shape_cast %broadcast_in_dim3A_470 : vector<16x1xi32> to vector<16xi32>
      %gather3A_472 = tpu.dynamic_gather %select_n3A_462[%gather3A_471] in [0] : vector<16xf32>, vector<16xi32> -> vector<16xf32>
      %add3A_473 = arith.addf %select_n3A_461, %gather3A_472 : vector<16xf32>
      %select_n3A_474 = arith.select %eq3A_85, %add3A_460, %add3A_473 : vector<16xi1>, vector<16xf32>
      %select_n3A_475 = arith.select %eq3A_85, %add3A_473, %add3A_460 : vector<16xi1>, vector<16xf32>
      %lt3A_476 = arith.constant 0 : i32
      %lt3A_477 = vector.broadcast %lt3A_476 : i32 to vector<16xi32>
      %lt3A_478 = arith.cmpi slt, %xor3A_69, %lt3A_477 : vector<16xi32>
      %add3A_479 = arith.constant 16 : i32
      %add3A_480 = vector.broadcast %add3A_479 : i32 to vector<16xi32>
      %add3A_481 = arith.addi %xor3A_69, %add3A_480 : vector<16xi32>
      %select_n3A_482 = arith.select %lt3A_478, %add3A_481, %xor3A_69 : vector<16xi1>, vector<16xi32>
      %broadcast_in_dim3A_483 = vector.shape_cast %select_n3A_482 : vector<16xi32> to vector<16x1xi32>
      %gather3A_484 = vector.shape_cast %broadcast_in_dim3A_483 : vector<16x1xi32> to vector<16xi32>
      %gather3A_485 = tpu.dynamic_gather %select_n3A_475[%gather3A_484] in [0] : vector<16xf32>, vector<16xi32> -> vector<16xf32>
      %add3A_486 = arith.addf %select_n3A_474, %gather3A_485 : vector<16xf32>
      %select_n3A_487 = arith.select %eq3A_79, %scan3A_358#3, %scan3A_358#11 : vector<16xi1>, vector<16xf32>
      %select_n3A_488 = arith.select %eq3A_79, %scan3A_358#11, %scan3A_358#3 : vector<16xi1>, vector<16xf32>
      %lt3A_489 = arith.constant 0 : i32
      %lt3A_490 = vector.broadcast %lt3A_489 : i32 to vector<16xi32>
      %lt3A_491 = arith.cmpi slt, %xor3A_66, %lt3A_490 : vector<16xi32>
      %add3A_492 = arith.constant 16 : i32
      %add3A_493 = vector.broadcast %add3A_492 : i32 to vector<16xi32>
      %add3A_494 = arith.addi %xor3A_66, %add3A_493 : vector<16xi32>
      %select_n3A_495 = arith.select %lt3A_491, %add3A_494, %xor3A_66 : vector<16xi1>, vector<16xi32>
      %broadcast_in_dim3A_496 = vector.shape_cast %select_n3A_495 : vector<16xi32> to vector<16x1xi32>
      %gather3A_497 = vector.shape_cast %broadcast_in_dim3A_496 : vector<16x1xi32> to vector<16xi32>
      %gather3A_498 = tpu.dynamic_gather %select_n3A_488[%gather3A_497] in [0] : vector<16xf32>, vector<16xi32> -> vector<16xf32>
      %add3A_499 = arith.addf %select_n3A_487, %gather3A_498 : vector<16xf32>
      %select_n3A_500 = arith.select %eq3A_79, %scan3A_358#7, %scan3A_358#15 : vector<16xi1>, vector<16xf32>
      %select_n3A_501 = arith.select %eq3A_79, %scan3A_358#15, %scan3A_358#7 : vector<16xi1>, vector<16xf32>
      %lt3A_502 = arith.constant 0 : i32
      %lt3A_503 = vector.broadcast %lt3A_502 : i32 to vector<16xi32>
      %lt3A_504 = arith.cmpi slt, %xor3A_66, %lt3A_503 : vector<16xi32>
      %add3A_505 = arith.constant 16 : i32
      %add3A_506 = vector.broadcast %add3A_505 : i32 to vector<16xi32>
      %add3A_507 = arith.addi %xor3A_66, %add3A_506 : vector<16xi32>
      %select_n3A_508 = arith.select %lt3A_504, %add3A_507, %xor3A_66 : vector<16xi1>, vector<16xi32>
      %broadcast_in_dim3A_509 = vector.shape_cast %select_n3A_508 : vector<16xi32> to vector<16x1xi32>
      %gather3A_510 = vector.shape_cast %broadcast_in_dim3A_509 : vector<16x1xi32> to vector<16xi32>
      %gather3A_511 = tpu.dynamic_gather %select_n3A_501[%gather3A_510] in [0] : vector<16xf32>, vector<16xi32> -> vector<16xf32>
      %add3A_512 = arith.addf %select_n3A_500, %gather3A_511 : vector<16xf32>
      %select_n3A_513 = arith.select %eq3A_85, %add3A_499, %add3A_512 : vector<16xi1>, vector<16xf32>
      %select_n3A_514 = arith.select %eq3A_85, %add3A_512, %add3A_499 : vector<16xi1>, vector<16xf32>
      %lt3A_515 = arith.constant 0 : i32
      %lt3A_516 = vector.broadcast %lt3A_515 : i32 to vector<16xi32>
      %lt3A_517 = arith.cmpi slt, %xor3A_69, %lt3A_516 : vector<16xi32>
      %add3A_518 = arith.constant 16 : i32
      %add3A_519 = vector.broadcast %add3A_518 : i32 to vector<16xi32>
      %add3A_520 = arith.addi %xor3A_69, %add3A_519 : vector<16xi32>
      %select_n3A_521 = arith.select %lt3A_517, %add3A_520, %xor3A_69 : vector<16xi1>, vector<16xi32>
      %broadcast_in_dim3A_522 = vector.shape_cast %select_n3A_521 : vector<16xi32> to vector<16x1xi32>
      %gather3A_523 = vector.shape_cast %broadcast_in_dim3A_522 : vector<16x1xi32> to vector<16xi32>
      %gather3A_524 = tpu.dynamic_gather %select_n3A_514[%gather3A_523] in [0] : vector<16xf32>, vector<16xi32> -> vector<16xf32>
      %add3A_525 = arith.addf %select_n3A_513, %gather3A_524 : vector<16xf32>
      %select_n3A_526 = arith.select %eq3A_91, %add3A_486, %add3A_525 : vector<16xi1>, vector<16xf32>
      %select_n3A_527 = arith.select %eq3A_91, %add3A_525, %add3A_486 : vector<16xi1>, vector<16xf32>
      %lt3A_528 = arith.constant 0 : i32
      %lt3A_529 = vector.broadcast %lt3A_528 : i32 to vector<16xi32>
      %lt3A_530 = arith.cmpi slt, %xor3A_72, %lt3A_529 : vector<16xi32>
      %add3A_531 = arith.constant 16 : i32
      %add3A_532 = vector.broadcast %add3A_531 : i32 to vector<16xi32>
      %add3A_533 = arith.addi %xor3A_72, %add3A_532 : vector<16xi32>
      %select_n3A_534 = arith.select %lt3A_530, %add3A_533, %xor3A_72 : vector<16xi1>, vector<16xi32>
      %broadcast_in_dim3A_535 = vector.shape_cast %select_n3A_534 : vector<16xi32> to vector<16x1xi32>
      %gather3A_536 = vector.shape_cast %broadcast_in_dim3A_535 : vector<16x1xi32> to vector<16xi32>
      %gather3A_537 = tpu.dynamic_gather %select_n3A_527[%gather3A_536] in [0] : vector<16xf32>, vector<16xi32> -> vector<16xf32>
      %add3A_538 = arith.addf %select_n3A_526, %gather3A_537 : vector<16xf32>
      %select_n3A_539 = arith.select %eq3A_97, %add3A_447, %add3A_538 : vector<16xi1>, vector<16xf32>
      %select_n3A_540 = arith.select %eq3A_97, %add3A_538, %add3A_447 : vector<16xi1>, vector<16xf32>
      %lt3A_541 = arith.constant 0 : i32
      %lt3A_542 = vector.broadcast %lt3A_541 : i32 to vector<16xi32>
      %lt3A_543 = arith.cmpi slt, %xor3A_75, %lt3A_542 : vector<16xi32>
      %add3A_544 = arith.constant 16 : i32
      %add3A_545 = vector.broadcast %add3A_544 : i32 to vector<16xi32>
      %add3A_546 = arith.addi %xor3A_75, %add3A_545 : vector<16xi32>
      %select_n3A_547 = arith.select %lt3A_543, %add3A_546, %xor3A_75 : vector<16xi1>, vector<16xi32>
      %broadcast_in_dim3A_548 = vector.shape_cast %select_n3A_547 : vector<16xi32> to vector<16x1xi32>
      %gather3A_549 = vector.shape_cast %broadcast_in_dim3A_548 : vector<16x1xi32> to vector<16xi32>
      %gather3A_550 = tpu.dynamic_gather %select_n3A_540[%gather3A_549] in [0] : vector<16xf32>, vector<16xi32> -> vector<16xf32>
      %add3A_551 = arith.addf %select_n3A_539, %gather3A_550 : vector<16xf32>
      %add3A_552 = arith.constant 256 : i32
      %add3A_553 = arith.addi %add3A_552, %mul3A_352 : i32
      %get3A = arith.index_cast %add3A_553 : i32 to index
      %get3A_554 = tpu.vector_load %arg11[%get3A] {strides = array<i32>} : memref<512xf32, #tpu.memory_space<vmem>>, vector<16xf32>,
      %get3A_555 = vector.shape_cast %get3A_554 : vector<16xf32> to vector<16xf32>
      %add3A_556 = arith.addf %add3A_551, %get3A_555 : vector<16xf32>
      %get3A_557 = arith.index_cast %add3A_553 : i32 to index
      %get3A_558 = tpu.vector_load %arg12[%get3A_557] {strides = array<i32>} : memref<512xf32, #tpu.memory_space<vmem>>, vector<16xf32>,
      %get3A_559 = vector.shape_cast %get3A_558 : vector<16xf32> to vector<16xf32>
      %add3A_560 = arith.addf %add3A_556, %get3A_559 : vector<16xf32>
      %swap3A = arith.index_cast %add3A_553 : i32 to index
      %swap3A_561 = tpu.vector_load %arg19[%swap3A] {strides = array<i32>} : memref<512xf32, #tpu.memory_space<vmem>>, vector<16xf32>,
      %swap3A_562 = vector.shape_cast %swap3A_561 : vector<16xf32> to vector<16xf32>
      %swap3A_563 = vector.shape_cast %add3A_560 : vector<16xf32> to vector<16xf32>
      tpu.vector_store %arg19[%swap3A], %swap3A_563 {strides = array<i32>} : memref<512xf32, #tpu.memory_space<vmem>>, vector<16xf32>,
      %scan3A_564 = arith.constant 0 : i32
      scf.yield %scan3A_564 : i32
    }
    %scan3A_273 = arith.constant 8 : i32
    %add3A_274 = arith.constant 256 : i32
    %add3A_275 = arith.addi %mul3A_2, %add3A_274 : i32
    %dma_start3A_276 = arith.constant 256 : i32
    %dma_start3A_277 = tpu.memref_slice %arg19[%dma_start3A_276] : memref<512xf32, #tpu.memory_space<vmem>> -> memref<128xf32, #tpu.memory_space<vmem>>
    %dma_start3A_278 = tpu.memref_slice %arg8[%add3A_275] : memref<16384xf32, #tpu.memory_space<hbm>> -> memref<128xf32, #tpu.memory_space<hbm>>
    %dma_start3A_279 = tpu.memref_slice %arg8[%add3A_275] : memref<16384xf32, #tpu.memory_space<hbm>> -> memref<128xf32, #tpu.memory_space<hbm>>
    %dma_start3A_280 = arith.constant 256 : i32
    %dma_start3A_281 = tpu.memref_slice %arg19[%dma_start3A_280] : memref<512xf32, #tpu.memory_space<vmem>> -> memref<128xf32, #tpu.memory_space<vmem>>
    tpu.enqueue_dma source(%dma_start3A_281 : memref<128xf32, #tpu.memory_space<vmem>>) target(%dma_start3A_279 : memref<128xf32, #tpu.memory_space<hbm>>) target_semaphore(%arg25 : memref<!tpu.dma_semaphore, #tpu.memory_space<semaphore_mem>>)
    %dma_wait3A_282 = arith.constant 0 : i32
    %dma_wait3A_283 = arith.constant 0 : i32
    %dma_wait3A_284 = tpu.memref_slice %arg13[%dma_wait3A_282, %dma_wait3A_283] : memref<128x128xf32, #tpu.memory_space<vmem>> -> memref<128x128xf32, #tpu.memory_space<vmem>>
    %dma_wait3A_285 = arith.constant 384 : i32
    %dma_wait3A_286 = tpu.memref_slice %arg9[%dma_wait3A_285] : memref<512xi32, #tpu.memory_space<vmem>> -> memref<128xi32, #tpu.memory_space<vmem>>
    %dma_wait3A_287 = arith.constant 0 : i32
    %dma_wait3A_288 = arith.constant 0 : i32
    %dma_wait3A_289 = tpu.memref_slice %arg4[%dma_wait3A_287, %dma_wait3A_288] : memref<100000x128xf32, #tpu.memory_space<hbm>> -> memref<100000x128xf32, #tpu.memory_space<hbm>>
    tpu.wait_indirect_dma semaphore(%arg20 : memref<!tpu.dma_semaphore, #tpu.memory_space<semaphore_mem>>) src(%dma_wait3A_289 : memref<100000x128xf32, #tpu.memory_space<hbm>>) dst(%dma_wait3A_284 : memref<128x128xf32, #tpu.memory_space<vmem>>)
    %dma_wait3A_290 = arith.constant 0 : i32
    %dma_wait3A_291 = arith.constant 0 : i32
    %dma_wait3A_292 = tpu.memref_slice %arg14[%dma_wait3A_290, %dma_wait3A_291] : memref<128x128xf32, #tpu.memory_space<vmem>> -> memref<128x128xf32, #tpu.memory_space<vmem>>
    %dma_wait3A_293 = arith.constant 384 : i32
    %dma_wait3A_294 = tpu.memref_slice %arg10[%dma_wait3A_293] : memref<512xi32, #tpu.memory_space<vmem>> -> memref<128xi32, #tpu.memory_space<vmem>>
    %dma_wait3A_295 = arith.constant 0 : i32
    %dma_wait3A_296 = arith.constant 0 : i32
    %dma_wait3A_297 = tpu.memref_slice %arg5[%dma_wait3A_295, %dma_wait3A_296] : memref<100000x128xf32, #tpu.memory_space<hbm>> -> memref<100000x128xf32, #tpu.memory_space<hbm>>
    tpu.wait_indirect_dma semaphore(%arg20 : memref<!tpu.dma_semaphore, #tpu.memory_space<semaphore_mem>>) src(%dma_wait3A_297 : memref<100000x128xf32, #tpu.memory_space<hbm>>) dst(%dma_wait3A_292 : memref<128x128xf32, #tpu.memory_space<vmem>>)
    %dma_wait3A_298 = arith.constant 384 : i32
    %dma_wait3A_299 = tpu.memref_slice %arg11[%dma_wait3A_298] : memref<512xf32, #tpu.memory_space<vmem>> -> memref<128xf32, #tpu.memory_space<vmem>>
    %dma_wait3A_300 = arith.constant 384 : i32
    %dma_wait3A_301 = tpu.memref_slice %arg9[%dma_wait3A_300] : memref<512xi32, #tpu.memory_space<vmem>> -> memref<128xi32, #tpu.memory_space<vmem>>
    %dma_wait3A_302 = arith.constant 0 : i32
    %dma_wait3A_303 = tpu.memref_slice %arg6[%dma_wait3A_302] : memref<100000xf32, #tpu.memory_space<hbm>> -> memref<100000xf32, #tpu.memory_space<hbm>>
    tpu.wait_indirect_dma semaphore(%arg23 : memref<!tpu.dma_semaphore, #tpu.memory_space<semaphore_mem>>) src(%dma_wait3A_303 : memref<100000xf32, #tpu.memory_space<hbm>>) dst(%dma_wait3A_299 : memref<128xf32, #tpu.memory_space<vmem>>)
    %dma_wait3A_304 = arith.constant 384 : i32
    %dma_wait3A_305 = tpu.memref_slice %arg12[%dma_wait3A_304] : memref<512xf32, #tpu.memory_space<vmem>> -> memref<128xf32, #tpu.memory_space<vmem>>
    %dma_wait3A_306 = arith.constant 384 : i32
    %dma_wait3A_307 = tpu.memref_slice %arg10[%dma_wait3A_306] : memref<512xi32, #tpu.memory_space<vmem>> -> memref<128xi32, #tpu.memory_space<vmem>>
    %dma_wait3A_308 = arith.constant 0 : i32
    %dma_wait3A_309 = tpu.memref_slice %arg7[%dma_wait3A_308] : memref<100000xf32, #tpu.memory_space<hbm>> -> memref<100000xf32, #tpu.memory_space<hbm>>
    tpu.wait_indirect_dma semaphore(%arg24 : memref<!tpu.dma_semaphore, #tpu.memory_space<semaphore_mem>>) src(%dma_wait3A_309 : memref<100000xf32, #tpu.memory_space<hbm>>) dst(%dma_wait3A_305 : memref<128xf32, #tpu.memory_space<vmem>>)
    %scan3A_310 = arith.constant 0 : i32
    %scan3A_311 = arith.constant 0 : i32
    %scan3A_312 = arith.constant 8 : i32
    %scan3A_313 = arith.addi %scan3A_311, %scan3A_312 : i32
    %scan3A_314 = arith.constant 1 : i32
    %scan3A_315 = scf.for %scan3A_349 = %scan3A_311 to %scan3A_313 step %scan3A_314 iter_args(%scan3A_350 = %scan3A_310) -> (i32)  : i32 {
      %mul3A_351 = arith.constant 16 : i32
      %mul3A_352 = arith.muli %scan3A_349, %mul3A_351 : i32
      %broadcast_in_dim3A = arith.constant 0.000000e+00 : f32
      %broadcast_in_dim3A_353 = vector.broadcast %broadcast_in_dim3A : f32 to vector<16xf32>
      %scan3A_354 = arith.constant 0 : i32
      %scan3A_355 = arith.constant 8 : i32
      %scan3A_356 = arith.addi %scan3A_354, %scan3A_355 : i32
      %scan3A_357 = arith.constant 1 : i32
      %scan3A_358:16 = scf.for %scan3A_565 = %scan3A_354 to %scan3A_356 step %scan3A_357 iter_args(%scan3A_566 = %broadcast_in_dim3A_353, %scan3A_567 = %broadcast_in_dim3A_353, %scan3A_568 = %broadcast_in_dim3A_353, %scan3A_569 = %broadcast_in_dim3A_353, %scan3A_570 = %broadcast_in_dim3A_353, %scan3A_571 = %broadcast_in_dim3A_353, %scan3A_572 = %broadcast_in_dim3A_353, %scan3A_573 = %broadcast_in_dim3A_353, %scan3A_574 = %broadcast_in_dim3A_353, %scan3A_575 = %broadcast_in_dim3A_353, %scan3A_576 = %broadcast_in_dim3A_353, %scan3A_577 = %broadcast_in_dim3A_353, %scan3A_578 = %broadcast_in_dim3A_353, %scan3A_579 = %broadcast_in_dim3A_353, %scan3A_580 = %broadcast_in_dim3A_353, %scan3A_581 = %broadcast_in_dim3A_353) -> (vector<16xf32>, vector<16xf32>, vector<16xf32>, vector<16xf32>, vector<16xf32>, vector<16xf32>, vector<16xf32>, vector<16xf32>, vector<16xf32>, vector<16xf32>, vector<16xf32>, vector<16xf32>, vector<16xf32>, vector<16xf32>, vector<16xf32>, vector<16xf32>)  : i32 {
        %mul3A_582 = arith.constant 16 : i32
        %mul3A_583 = arith.muli %scan3A_565, %mul3A_582 : i32
        %add3A_584 = arith.constant 0 : i32
        %add3A_585 = arith.addi %mul3A_352, %add3A_584 : i32
        %get3A_586 = arith.index_cast %add3A_585 : i32 to index
        %get3A_587 = arith.index_cast %mul3A_583 : i32 to index
        %get3A_588 = tpu.vector_load %arg13[%get3A_586, %get3A_587] {strides = array<i32>} : memref<128x128xf32, #tpu.memory_space<vmem>>, vector<1x16xf32>,
        %get3A_589 = vector.shape_cast %get3A_588 : vector<1x16xf32> to vector<16xf32>
        %add3A_590 = arith.constant 0 : i32
        %add3A_591 = arith.addi %mul3A_352, %add3A_590 : i32
        %get3A_592 = arith.index_cast %add3A_591 : i32 to index
        %get3A_593 = arith.index_cast %mul3A_583 : i32 to index
        %get3A_594 = tpu.vector_load %arg14[%get3A_592, %get3A_593] {strides = array<i32>} : memref<128x128xf32, #tpu.memory_space<vmem>>, vector<1x16xf32>,
        %get3A_595 = vector.shape_cast %get3A_594 : vector<1x16xf32> to vector<16xf32>
        %mul3A_596 = arith.mulf %get3A_589, %get3A_595 : vector<16xf32>
        %add3A_597 = arith.addf %scan3A_566, %mul3A_596 : vector<16xf32>
        %add3A_598 = arith.constant 1 : i32
        %add3A_599 = arith.addi %mul3A_352, %add3A_598 : i32
        %get3A_600 = arith.index_cast %add3A_599 : i32 to index
        %get3A_601 = arith.index_cast %mul3A_583 : i32 to index
        %get3A_602 = tpu.vector_load %arg13[%get3A_600, %get3A_601] {strides = array<i32>} : memref<128x128xf32, #tpu.memory_space<vmem>>, vector<1x16xf32>,
        %get3A_603 = vector.shape_cast %get3A_602 : vector<1x16xf32> to vector<16xf32>
        %add3A_604 = arith.constant 1 : i32
        %add3A_605 = arith.addi %mul3A_352, %add3A_604 : i32
        %get3A_606 = arith.index_cast %add3A_605 : i32 to index
        %get3A_607 = arith.index_cast %mul3A_583 : i32 to index
        %get3A_608 = tpu.vector_load %arg14[%get3A_606, %get3A_607] {strides = array<i32>} : memref<128x128xf32, #tpu.memory_space<vmem>>, vector<1x16xf32>,
        %get3A_609 = vector.shape_cast %get3A_608 : vector<1x16xf32> to vector<16xf32>
        %mul3A_610 = arith.mulf %get3A_603, %get3A_609 : vector<16xf32>
        %add3A_611 = arith.addf %scan3A_567, %mul3A_610 : vector<16xf32>
        %add3A_612 = arith.constant 2 : i32
        %add3A_613 = arith.addi %mul3A_352, %add3A_612 : i32
        %get3A_614 = arith.index_cast %add3A_613 : i32 to index
        %get3A_615 = arith.index_cast %mul3A_583 : i32 to index
        %get3A_616 = tpu.vector_load %arg13[%get3A_614, %get3A_615] {strides = array<i32>} : memref<128x128xf32, #tpu.memory_space<vmem>>, vector<1x16xf32>,
        %get3A_617 = vector.shape_cast %get3A_616 : vector<1x16xf32> to vector<16xf32>
        %add3A_618 = arith.constant 2 : i32
        %add3A_619 = arith.addi %mul3A_352, %add3A_618 : i32
        %get3A_620 = arith.index_cast %add3A_619 : i32 to index
        %get3A_621 = arith.index_cast %mul3A_583 : i32 to index
        %get3A_622 = tpu.vector_load %arg14[%get3A_620, %get3A_621] {strides = array<i32>} : memref<128x128xf32, #tpu.memory_space<vmem>>, vector<1x16xf32>,
        %get3A_623 = vector.shape_cast %get3A_622 : vector<1x16xf32> to vector<16xf32>
        %mul3A_624 = arith.mulf %get3A_617, %get3A_623 : vector<16xf32>
        %add3A_625 = arith.addf %scan3A_568, %mul3A_624 : vector<16xf32>
        %add3A_626 = arith.constant 3 : i32
        %add3A_627 = arith.addi %mul3A_352, %add3A_626 : i32
        %get3A_628 = arith.index_cast %add3A_627 : i32 to index
        %get3A_629 = arith.index_cast %mul3A_583 : i32 to index
        %get3A_630 = tpu.vector_load %arg13[%get3A_628, %get3A_629] {strides = array<i32>} : memref<128x128xf32, #tpu.memory_space<vmem>>, vector<1x16xf32>,
        %get3A_631 = vector.shape_cast %get3A_630 : vector<1x16xf32> to vector<16xf32>
        %add3A_632 = arith.constant 3 : i32
        %add3A_633 = arith.addi %mul3A_352, %add3A_632 : i32
        %get3A_634 = arith.index_cast %add3A_633 : i32 to index
        %get3A_635 = arith.index_cast %mul3A_583 : i32 to index
        %get3A_636 = tpu.vector_load %arg14[%get3A_634, %get3A_635] {strides = array<i32>} : memref<128x128xf32, #tpu.memory_space<vmem>>, vector<1x16xf32>,
        %get3A_637 = vector.shape_cast %get3A_636 : vector<1x16xf32> to vector<16xf32>
        %mul3A_638 = arith.mulf %get3A_631, %get3A_637 : vector<16xf32>
        %add3A_639 = arith.addf %scan3A_569, %mul3A_638 : vector<16xf32>
        %add3A_640 = arith.constant 4 : i32
        %add3A_641 = arith.addi %mul3A_352, %add3A_640 : i32
        %get3A_642 = arith.index_cast %add3A_641 : i32 to index
        %get3A_643 = arith.index_cast %mul3A_583 : i32 to index
        %get3A_644 = tpu.vector_load %arg13[%get3A_642, %get3A_643] {strides = array<i32>} : memref<128x128xf32, #tpu.memory_space<vmem>>, vector<1x16xf32>,
        %get3A_645 = vector.shape_cast %get3A_644 : vector<1x16xf32> to vector<16xf32>
        %add3A_646 = arith.constant 4 : i32
        %add3A_647 = arith.addi %mul3A_352, %add3A_646 : i32
        %get3A_648 = arith.index_cast %add3A_647 : i32 to index
        %get3A_649 = arith.index_cast %mul3A_583 : i32 to index
        %get3A_650 = tpu.vector_load %arg14[%get3A_648, %get3A_649] {strides = array<i32>} : memref<128x128xf32, #tpu.memory_space<vmem>>, vector<1x16xf32>,
        %get3A_651 = vector.shape_cast %get3A_650 : vector<1x16xf32> to vector<16xf32>
        %mul3A_652 = arith.mulf %get3A_645, %get3A_651 : vector<16xf32>
        %add3A_653 = arith.addf %scan3A_570, %mul3A_652 : vector<16xf32>
        %add3A_654 = arith.constant 5 : i32
        %add3A_655 = arith.addi %mul3A_352, %add3A_654 : i32
        %get3A_656 = arith.index_cast %add3A_655 : i32 to index
        %get3A_657 = arith.index_cast %mul3A_583 : i32 to index
        %get3A_658 = tpu.vector_load %arg13[%get3A_656, %get3A_657] {strides = array<i32>} : memref<128x128xf32, #tpu.memory_space<vmem>>, vector<1x16xf32>,
        %get3A_659 = vector.shape_cast %get3A_658 : vector<1x16xf32> to vector<16xf32>
        %add3A_660 = arith.constant 5 : i32
        %add3A_661 = arith.addi %mul3A_352, %add3A_660 : i32
        %get3A_662 = arith.index_cast %add3A_661 : i32 to index
        %get3A_663 = arith.index_cast %mul3A_583 : i32 to index
        %get3A_664 = tpu.vector_load %arg14[%get3A_662, %get3A_663] {strides = array<i32>} : memref<128x128xf32, #tpu.memory_space<vmem>>, vector<1x16xf32>,
        %get3A_665 = vector.shape_cast %get3A_664 : vector<1x16xf32> to vector<16xf32>
        %mul3A_666 = arith.mulf %get3A_659, %get3A_665 : vector<16xf32>
        %add3A_667 = arith.addf %scan3A_571, %mul3A_666 : vector<16xf32>
        %add3A_668 = arith.constant 6 : i32
        %add3A_669 = arith.addi %mul3A_352, %add3A_668 : i32
        %get3A_670 = arith.index_cast %add3A_669 : i32 to index
        %get3A_671 = arith.index_cast %mul3A_583 : i32 to index
        %get3A_672 = tpu.vector_load %arg13[%get3A_670, %get3A_671] {strides = array<i32>} : memref<128x128xf32, #tpu.memory_space<vmem>>, vector<1x16xf32>,
        %get3A_673 = vector.shape_cast %get3A_672 : vector<1x16xf32> to vector<16xf32>
        %add3A_674 = arith.constant 6 : i32
        %add3A_675 = arith.addi %mul3A_352, %add3A_674 : i32
        %get3A_676 = arith.index_cast %add3A_675 : i32 to index
        %get3A_677 = arith.index_cast %mul3A_583 : i32 to index
        %get3A_678 = tpu.vector_load %arg14[%get3A_676, %get3A_677] {strides = array<i32>} : memref<128x128xf32, #tpu.memory_space<vmem>>, vector<1x16xf32>,
        %get3A_679 = vector.shape_cast %get3A_678 : vector<1x16xf32> to vector<16xf32>
        %mul3A_680 = arith.mulf %get3A_673, %get3A_679 : vector<16xf32>
        %add3A_681 = arith.addf %scan3A_572, %mul3A_680 : vector<16xf32>
        %add3A_682 = arith.constant 7 : i32
        %add3A_683 = arith.addi %mul3A_352, %add3A_682 : i32
        %get3A_684 = arith.index_cast %add3A_683 : i32 to index
        %get3A_685 = arith.index_cast %mul3A_583 : i32 to index
        %get3A_686 = tpu.vector_load %arg13[%get3A_684, %get3A_685] {strides = array<i32>} : memref<128x128xf32, #tpu.memory_space<vmem>>, vector<1x16xf32>,
        %get3A_687 = vector.shape_cast %get3A_686 : vector<1x16xf32> to vector<16xf32>
        %add3A_688 = arith.constant 7 : i32
        %add3A_689 = arith.addi %mul3A_352, %add3A_688 : i32
        %get3A_690 = arith.index_cast %add3A_689 : i32 to index
        %get3A_691 = arith.index_cast %mul3A_583 : i32 to index
        %get3A_692 = tpu.vector_load %arg14[%get3A_690, %get3A_691] {strides = array<i32>} : memref<128x128xf32, #tpu.memory_space<vmem>>, vector<1x16xf32>,
        %get3A_693 = vector.shape_cast %get3A_692 : vector<1x16xf32> to vector<16xf32>
        %mul3A_694 = arith.mulf %get3A_687, %get3A_693 : vector<16xf32>
        %add3A_695 = arith.addf %scan3A_573, %mul3A_694 : vector<16xf32>
        %add3A_696 = arith.constant 8 : i32
        %add3A_697 = arith.addi %mul3A_352, %add3A_696 : i32
        %get3A_698 = arith.index_cast %add3A_697 : i32 to index
        %get3A_699 = arith.index_cast %mul3A_583 : i32 to index
        %get3A_700 = tpu.vector_load %arg13[%get3A_698, %get3A_699] {strides = array<i32>} : memref<128x128xf32, #tpu.memory_space<vmem>>, vector<1x16xf32>,
        %get3A_701 = vector.shape_cast %get3A_700 : vector<1x16xf32> to vector<16xf32>
        %add3A_702 = arith.constant 8 : i32
        %add3A_703 = arith.addi %mul3A_352, %add3A_702 : i32
        %get3A_704 = arith.index_cast %add3A_703 : i32 to index
        %get3A_705 = arith.index_cast %mul3A_583 : i32 to index
        %get3A_706 = tpu.vector_load %arg14[%get3A_704, %get3A_705] {strides = array<i32>} : memref<128x128xf32, #tpu.memory_space<vmem>>, vector<1x16xf32>,
        %get3A_707 = vector.shape_cast %get3A_706 : vector<1x16xf32> to vector<16xf32>
        %mul3A_708 = arith.mulf %get3A_701, %get3A_707 : vector<16xf32>
        %add3A_709 = arith.addf %scan3A_574, %mul3A_708 : vector<16xf32>
        %add3A_710 = arith.constant 9 : i32
        %add3A_711 = arith.addi %mul3A_352, %add3A_710 : i32
        %get3A_712 = arith.index_cast %add3A_711 : i32 to index
        %get3A_713 = arith.index_cast %mul3A_583 : i32 to index
        %get3A_714 = tpu.vector_load %arg13[%get3A_712, %get3A_713] {strides = array<i32>} : memref<128x128xf32, #tpu.memory_space<vmem>>, vector<1x16xf32>,
        %get3A_715 = vector.shape_cast %get3A_714 : vector<1x16xf32> to vector<16xf32>
        %add3A_716 = arith.constant 9 : i32
        %add3A_717 = arith.addi %mul3A_352, %add3A_716 : i32
        %get3A_718 = arith.index_cast %add3A_717 : i32 to index
        %get3A_719 = arith.index_cast %mul3A_583 : i32 to index
        %get3A_720 = tpu.vector_load %arg14[%get3A_718, %get3A_719] {strides = array<i32>} : memref<128x128xf32, #tpu.memory_space<vmem>>, vector<1x16xf32>,
        %get3A_721 = vector.shape_cast %get3A_720 : vector<1x16xf32> to vector<16xf32>
        %mul3A_722 = arith.mulf %get3A_715, %get3A_721 : vector<16xf32>
        %add3A_723 = arith.addf %scan3A_575, %mul3A_722 : vector<16xf32>
        %add3A_724 = arith.constant 10 : i32
        %add3A_725 = arith.addi %mul3A_352, %add3A_724 : i32
        %get3A_726 = arith.index_cast %add3A_725 : i32 to index
        %get3A_727 = arith.index_cast %mul3A_583 : i32 to index
        %get3A_728 = tpu.vector_load %arg13[%get3A_726, %get3A_727] {strides = array<i32>} : memref<128x128xf32, #tpu.memory_space<vmem>>, vector<1x16xf32>,
        %get3A_729 = vector.shape_cast %get3A_728 : vector<1x16xf32> to vector<16xf32>
        %add3A_730 = arith.constant 10 : i32
        %add3A_731 = arith.addi %mul3A_352, %add3A_730 : i32
        %get3A_732 = arith.index_cast %add3A_731 : i32 to index
        %get3A_733 = arith.index_cast %mul3A_583 : i32 to index
        %get3A_734 = tpu.vector_load %arg14[%get3A_732, %get3A_733] {strides = array<i32>} : memref<128x128xf32, #tpu.memory_space<vmem>>, vector<1x16xf32>,
        %get3A_735 = vector.shape_cast %get3A_734 : vector<1x16xf32> to vector<16xf32>
        %mul3A_736 = arith.mulf %get3A_729, %get3A_735 : vector<16xf32>
        %add3A_737 = arith.addf %scan3A_576, %mul3A_736 : vector<16xf32>
        %add3A_738 = arith.constant 11 : i32
        %add3A_739 = arith.addi %mul3A_352, %add3A_738 : i32
        %get3A_740 = arith.index_cast %add3A_739 : i32 to index
        %get3A_741 = arith.index_cast %mul3A_583 : i32 to index
        %get3A_742 = tpu.vector_load %arg13[%get3A_740, %get3A_741] {strides = array<i32>} : memref<128x128xf32, #tpu.memory_space<vmem>>, vector<1x16xf32>,
        %get3A_743 = vector.shape_cast %get3A_742 : vector<1x16xf32> to vector<16xf32>
        %add3A_744 = arith.constant 11 : i32
        %add3A_745 = arith.addi %mul3A_352, %add3A_744 : i32
        %get3A_746 = arith.index_cast %add3A_745 : i32 to index
        %get3A_747 = arith.index_cast %mul3A_583 : i32 to index
        %get3A_748 = tpu.vector_load %arg14[%get3A_746, %get3A_747] {strides = array<i32>} : memref<128x128xf32, #tpu.memory_space<vmem>>, vector<1x16xf32>,
        %get3A_749 = vector.shape_cast %get3A_748 : vector<1x16xf32> to vector<16xf32>
        %mul3A_750 = arith.mulf %get3A_743, %get3A_749 : vector<16xf32>
        %add3A_751 = arith.addf %scan3A_577, %mul3A_750 : vector<16xf32>
        %add3A_752 = arith.constant 12 : i32
        %add3A_753 = arith.addi %mul3A_352, %add3A_752 : i32
        %get3A_754 = arith.index_cast %add3A_753 : i32 to index
        %get3A_755 = arith.index_cast %mul3A_583 : i32 to index
        %get3A_756 = tpu.vector_load %arg13[%get3A_754, %get3A_755] {strides = array<i32>} : memref<128x128xf32, #tpu.memory_space<vmem>>, vector<1x16xf32>,
        %get3A_757 = vector.shape_cast %get3A_756 : vector<1x16xf32> to vector<16xf32>
        %add3A_758 = arith.constant 12 : i32
        %add3A_759 = arith.addi %mul3A_352, %add3A_758 : i32
        %get3A_760 = arith.index_cast %add3A_759 : i32 to index
        %get3A_761 = arith.index_cast %mul3A_583 : i32 to index
        %get3A_762 = tpu.vector_load %arg14[%get3A_760, %get3A_761] {strides = array<i32>} : memref<128x128xf32, #tpu.memory_space<vmem>>, vector<1x16xf32>,
        %get3A_763 = vector.shape_cast %get3A_762 : vector<1x16xf32> to vector<16xf32>
        %mul3A_764 = arith.mulf %get3A_757, %get3A_763 : vector<16xf32>
        %add3A_765 = arith.addf %scan3A_578, %mul3A_764 : vector<16xf32>
        %add3A_766 = arith.constant 13 : i32
        %add3A_767 = arith.addi %mul3A_352, %add3A_766 : i32
        %get3A_768 = arith.index_cast %add3A_767 : i32 to index
        %get3A_769 = arith.index_cast %mul3A_583 : i32 to index
        %get3A_770 = tpu.vector_load %arg13[%get3A_768, %get3A_769] {strides = array<i32>} : memref<128x128xf32, #tpu.memory_space<vmem>>, vector<1x16xf32>,
        %get3A_771 = vector.shape_cast %get3A_770 : vector<1x16xf32> to vector<16xf32>
        %add3A_772 = arith.constant 13 : i32
        %add3A_773 = arith.addi %mul3A_352, %add3A_772 : i32
        %get3A_774 = arith.index_cast %add3A_773 : i32 to index
        %get3A_775 = arith.index_cast %mul3A_583 : i32 to index
        %get3A_776 = tpu.vector_load %arg14[%get3A_774, %get3A_775] {strides = array<i32>} : memref<128x128xf32, #tpu.memory_space<vmem>>, vector<1x16xf32>,
        %get3A_777 = vector.shape_cast %get3A_776 : vector<1x16xf32> to vector<16xf32>
        %mul3A_778 = arith.mulf %get3A_771, %get3A_777 : vector<16xf32>
        %add3A_779 = arith.addf %scan3A_579, %mul3A_778 : vector<16xf32>
        %add3A_780 = arith.constant 14 : i32
        %add3A_781 = arith.addi %mul3A_352, %add3A_780 : i32
        %get3A_782 = arith.index_cast %add3A_781 : i32 to index
        %get3A_783 = arith.index_cast %mul3A_583 : i32 to index
        %get3A_784 = tpu.vector_load %arg13[%get3A_782, %get3A_783] {strides = array<i32>} : memref<128x128xf32, #tpu.memory_space<vmem>>, vector<1x16xf32>,
        %get3A_785 = vector.shape_cast %get3A_784 : vector<1x16xf32> to vector<16xf32>
        %add3A_786 = arith.constant 14 : i32
        %add3A_787 = arith.addi %mul3A_352, %add3A_786 : i32
        %get3A_788 = arith.index_cast %add3A_787 : i32 to index
        %get3A_789 = arith.index_cast %mul3A_583 : i32 to index
        %get3A_790 = tpu.vector_load %arg14[%get3A_788, %get3A_789] {strides = array<i32>} : memref<128x128xf32, #tpu.memory_space<vmem>>, vector<1x16xf32>,
        %get3A_791 = vector.shape_cast %get3A_790 : vector<1x16xf32> to vector<16xf32>
        %mul3A_792 = arith.mulf %get3A_785, %get3A_791 : vector<16xf32>
        %add3A_793 = arith.addf %scan3A_580, %mul3A_792 : vector<16xf32>
        %add3A_794 = arith.constant 15 : i32
        %add3A_795 = arith.addi %mul3A_352, %add3A_794 : i32
        %get3A_796 = arith.index_cast %add3A_795 : i32 to index
        %get3A_797 = arith.index_cast %mul3A_583 : i32 to index
        %get3A_798 = tpu.vector_load %arg13[%get3A_796, %get3A_797] {strides = array<i32>} : memref<128x128xf32, #tpu.memory_space<vmem>>, vector<1x16xf32>,
        %get3A_799 = vector.shape_cast %get3A_798 : vector<1x16xf32> to vector<16xf32>
        %add3A_800 = arith.constant 15 : i32
        %add3A_801 = arith.addi %mul3A_352, %add3A_800 : i32
        %get3A_802 = arith.index_cast %add3A_801 : i32 to index
        %get3A_803 = arith.index_cast %mul3A_583 : i32 to index
        %get3A_804 = tpu.vector_load %arg14[%get3A_802, %get3A_803] {strides = array<i32>} : memref<128x128xf32, #tpu.memory_space<vmem>>, vector<1x16xf32>,
        %get3A_805 = vector.shape_cast %get3A_804 : vector<1x16xf32> to vector<16xf32>
        %mul3A_806 = arith.mulf %get3A_799, %get3A_805 : vector<16xf32>
        %add3A_807 = arith.addf %scan3A_581, %mul3A_806 : vector<16xf32>
        scf.yield %add3A_597, %add3A_611, %add3A_625, %add3A_639, %add3A_653, %add3A_667, %add3A_681, %add3A_695, %add3A_709, %add3A_723, %add3A_737, %add3A_751, %add3A_765, %add3A_779, %add3A_793, %add3A_807 : vector<16xf32>, vector<16xf32>, vector<16xf32>, vector<16xf32>, vector<16xf32>, vector<16xf32>, vector<16xf32>, vector<16xf32>, vector<16xf32>, vector<16xf32>, vector<16xf32>, vector<16xf32>, vector<16xf32>, vector<16xf32>, vector<16xf32>, vector<16xf32>
      }
      %scan3A_359 = arith.constant 8 : i32
      %select_n3A = arith.select %eq3A_79, %scan3A_358#0, %scan3A_358#8 : vector<16xi1>, vector<16xf32>
      %select_n3A_360 = arith.select %eq3A_79, %scan3A_358#8, %scan3A_358#0 : vector<16xi1>, vector<16xf32>
      %lt3A = arith.constant 0 : i32
      %lt3A_361 = vector.broadcast %lt3A : i32 to vector<16xi32>
      %lt3A_362 = arith.cmpi slt, %xor3A_66, %lt3A_361 : vector<16xi32>
      %add3A_363 = arith.constant 16 : i32
      %add3A_364 = vector.broadcast %add3A_363 : i32 to vector<16xi32>
      %add3A_365 = arith.addi %xor3A_66, %add3A_364 : vector<16xi32>
      %select_n3A_366 = arith.select %lt3A_362, %add3A_365, %xor3A_66 : vector<16xi1>, vector<16xi32>
      %broadcast_in_dim3A_367 = vector.shape_cast %select_n3A_366 : vector<16xi32> to vector<16x1xi32>
      %gather3A = vector.shape_cast %broadcast_in_dim3A_367 : vector<16x1xi32> to vector<16xi32>
      %gather3A_368 = tpu.dynamic_gather %select_n3A_360[%gather3A] in [0] : vector<16xf32>, vector<16xi32> -> vector<16xf32>
      %add3A_369 = arith.addf %select_n3A, %gather3A_368 : vector<16xf32>
      %select_n3A_370 = arith.select %eq3A_79, %scan3A_358#4, %scan3A_358#12 : vector<16xi1>, vector<16xf32>
      %select_n3A_371 = arith.select %eq3A_79, %scan3A_358#12, %scan3A_358#4 : vector<16xi1>, vector<16xf32>
      %lt3A_372 = arith.constant 0 : i32
      %lt3A_373 = vector.broadcast %lt3A_372 : i32 to vector<16xi32>
      %lt3A_374 = arith.cmpi slt, %xor3A_66, %lt3A_373 : vector<16xi32>
      %add3A_375 = arith.constant 16 : i32
      %add3A_376 = vector.broadcast %add3A_375 : i32 to vector<16xi32>
      %add3A_377 = arith.addi %xor3A_66, %add3A_376 : vector<16xi32>
      %select_n3A_378 = arith.select %lt3A_374, %add3A_377, %xor3A_66 : vector<16xi1>, vector<16xi32>
      %broadcast_in_dim3A_379 = vector.shape_cast %select_n3A_378 : vector<16xi32> to vector<16x1xi32>
      %gather3A_380 = vector.shape_cast %broadcast_in_dim3A_379 : vector<16x1xi32> to vector<16xi32>
      %gather3A_381 = tpu.dynamic_gather %select_n3A_371[%gather3A_380] in [0] : vector<16xf32>, vector<16xi32> -> vector<16xf32>
      %add3A_382 = arith.addf %select_n3A_370, %gather3A_381 : vector<16xf32>
      %select_n3A_383 = arith.select %eq3A_85, %add3A_369, %add3A_382 : vector<16xi1>, vector<16xf32>
      %select_n3A_384 = arith.select %eq3A_85, %add3A_382, %add3A_369 : vector<16xi1>, vector<16xf32>
      %lt3A_385 = arith.constant 0 : i32
      %lt3A_386 = vector.broadcast %lt3A_385 : i32 to vector<16xi32>
      %lt3A_387 = arith.cmpi slt, %xor3A_69, %lt3A_386 : vector<16xi32>
      %add3A_388 = arith.constant 16 : i32
      %add3A_389 = vector.broadcast %add3A_388 : i32 to vector<16xi32>
      %add3A_390 = arith.addi %xor3A_69, %add3A_389 : vector<16xi32>
      %select_n3A_391 = arith.select %lt3A_387, %add3A_390, %xor3A_69 : vector<16xi1>, vector<16xi32>
      %broadcast_in_dim3A_392 = vector.shape_cast %select_n3A_391 : vector<16xi32> to vector<16x1xi32>
      %gather3A_393 = vector.shape_cast %broadcast_in_dim3A_392 : vector<16x1xi32> to vector<16xi32>
      %gather3A_394 = tpu.dynamic_gather %select_n3A_384[%gather3A_393] in [0] : vector<16xf32>, vector<16xi32> -> vector<16xf32>
      %add3A_395 = arith.addf %select_n3A_383, %gather3A_394 : vector<16xf32>
      %select_n3A_396 = arith.select %eq3A_79, %scan3A_358#2, %scan3A_358#10 : vector<16xi1>, vector<16xf32>
      %select_n3A_397 = arith.select %eq3A_79, %scan3A_358#10, %scan3A_358#2 : vector<16xi1>, vector<16xf32>
      %lt3A_398 = arith.constant 0 : i32
      %lt3A_399 = vector.broadcast %lt3A_398 : i32 to vector<16xi32>
      %lt3A_400 = arith.cmpi slt, %xor3A_66, %lt3A_399 : vector<16xi32>
      %add3A_401 = arith.constant 16 : i32
      %add3A_402 = vector.broadcast %add3A_401 : i32 to vector<16xi32>
      %add3A_403 = arith.addi %xor3A_66, %add3A_402 : vector<16xi32>
      %select_n3A_404 = arith.select %lt3A_400, %add3A_403, %xor3A_66 : vector<16xi1>, vector<16xi32>
      %broadcast_in_dim3A_405 = vector.shape_cast %select_n3A_404 : vector<16xi32> to vector<16x1xi32>
      %gather3A_406 = vector.shape_cast %broadcast_in_dim3A_405 : vector<16x1xi32> to vector<16xi32>
      %gather3A_407 = tpu.dynamic_gather %select_n3A_397[%gather3A_406] in [0] : vector<16xf32>, vector<16xi32> -> vector<16xf32>
      %add3A_408 = arith.addf %select_n3A_396, %gather3A_407 : vector<16xf32>
      %select_n3A_409 = arith.select %eq3A_79, %scan3A_358#6, %scan3A_358#14 : vector<16xi1>, vector<16xf32>
      %select_n3A_410 = arith.select %eq3A_79, %scan3A_358#14, %scan3A_358#6 : vector<16xi1>, vector<16xf32>
      %lt3A_411 = arith.constant 0 : i32
      %lt3A_412 = vector.broadcast %lt3A_411 : i32 to vector<16xi32>
      %lt3A_413 = arith.cmpi slt, %xor3A_66, %lt3A_412 : vector<16xi32>
      %add3A_414 = arith.constant 16 : i32
      %add3A_415 = vector.broadcast %add3A_414 : i32 to vector<16xi32>
      %add3A_416 = arith.addi %xor3A_66, %add3A_415 : vector<16xi32>
      %select_n3A_417 = arith.select %lt3A_413, %add3A_416, %xor3A_66 : vector<16xi1>, vector<16xi32>
      %broadcast_in_dim3A_418 = vector.shape_cast %select_n3A_417 : vector<16xi32> to vector<16x1xi32>
      %gather3A_419 = vector.shape_cast %broadcast_in_dim3A_418 : vector<16x1xi32> to vector<16xi32>
      %gather3A_420 = tpu.dynamic_gather %select_n3A_410[%gather3A_419] in [0] : vector<16xf32>, vector<16xi32> -> vector<16xf32>
      %add3A_421 = arith.addf %select_n3A_409, %gather3A_420 : vector<16xf32>
      %select_n3A_422 = arith.select %eq3A_85, %add3A_408, %add3A_421 : vector<16xi1>, vector<16xf32>
      %select_n3A_423 = arith.select %eq3A_85, %add3A_421, %add3A_408 : vector<16xi1>, vector<16xf32>
      %lt3A_424 = arith.constant 0 : i32
      %lt3A_425 = vector.broadcast %lt3A_424 : i32 to vector<16xi32>
      %lt3A_426 = arith.cmpi slt, %xor3A_69, %lt3A_425 : vector<16xi32>
      %add3A_427 = arith.constant 16 : i32
      %add3A_428 = vector.broadcast %add3A_427 : i32 to vector<16xi32>
      %add3A_429 = arith.addi %xor3A_69, %add3A_428 : vector<16xi32>
      %select_n3A_430 = arith.select %lt3A_426, %add3A_429, %xor3A_69 : vector<16xi1>, vector<16xi32>
      %broadcast_in_dim3A_431 = vector.shape_cast %select_n3A_430 : vector<16xi32> to vector<16x1xi32>
      %gather3A_432 = vector.shape_cast %broadcast_in_dim3A_431 : vector<16x1xi32> to vector<16xi32>
      %gather3A_433 = tpu.dynamic_gather %select_n3A_423[%gather3A_432] in [0] : vector<16xf32>, vector<16xi32> -> vector<16xf32>
      %add3A_434 = arith.addf %select_n3A_422, %gather3A_433 : vector<16xf32>
      %select_n3A_435 = arith.select %eq3A_91, %add3A_395, %add3A_434 : vector<16xi1>, vector<16xf32>
      %select_n3A_436 = arith.select %eq3A_91, %add3A_434, %add3A_395 : vector<16xi1>, vector<16xf32>
      %lt3A_437 = arith.constant 0 : i32
      %lt3A_438 = vector.broadcast %lt3A_437 : i32 to vector<16xi32>
      %lt3A_439 = arith.cmpi slt, %xor3A_72, %lt3A_438 : vector<16xi32>
      %add3A_440 = arith.constant 16 : i32
      %add3A_441 = vector.broadcast %add3A_440 : i32 to vector<16xi32>
      %add3A_442 = arith.addi %xor3A_72, %add3A_441 : vector<16xi32>
      %select_n3A_443 = arith.select %lt3A_439, %add3A_442, %xor3A_72 : vector<16xi1>, vector<16xi32>
      %broadcast_in_dim3A_444 = vector.shape_cast %select_n3A_443 : vector<16xi32> to vector<16x1xi32>
      %gather3A_445 = vector.shape_cast %broadcast_in_dim3A_444 : vector<16x1xi32> to vector<16xi32>
      %gather3A_446 = tpu.dynamic_gather %select_n3A_436[%gather3A_445] in [0] : vector<16xf32>, vector<16xi32> -> vector<16xf32>
      %add3A_447 = arith.addf %select_n3A_435, %gather3A_446 : vector<16xf32>
      %select_n3A_448 = arith.select %eq3A_79, %scan3A_358#1, %scan3A_358#9 : vector<16xi1>, vector<16xf32>
      %select_n3A_449 = arith.select %eq3A_79, %scan3A_358#9, %scan3A_358#1 : vector<16xi1>, vector<16xf32>
      %lt3A_450 = arith.constant 0 : i32
      %lt3A_451 = vector.broadcast %lt3A_450 : i32 to vector<16xi32>
      %lt3A_452 = arith.cmpi slt, %xor3A_66, %lt3A_451 : vector<16xi32>
      %add3A_453 = arith.constant 16 : i32
      %add3A_454 = vector.broadcast %add3A_453 : i32 to vector<16xi32>
      %add3A_455 = arith.addi %xor3A_66, %add3A_454 : vector<16xi32>
      %select_n3A_456 = arith.select %lt3A_452, %add3A_455, %xor3A_66 : vector<16xi1>, vector<16xi32>
      %broadcast_in_dim3A_457 = vector.shape_cast %select_n3A_456 : vector<16xi32> to vector<16x1xi32>
      %gather3A_458 = vector.shape_cast %broadcast_in_dim3A_457 : vector<16x1xi32> to vector<16xi32>
      %gather3A_459 = tpu.dynamic_gather %select_n3A_449[%gather3A_458] in [0] : vector<16xf32>, vector<16xi32> -> vector<16xf32>
      %add3A_460 = arith.addf %select_n3A_448, %gather3A_459 : vector<16xf32>
      %select_n3A_461 = arith.select %eq3A_79, %scan3A_358#5, %scan3A_358#13 : vector<16xi1>, vector<16xf32>
      %select_n3A_462 = arith.select %eq3A_79, %scan3A_358#13, %scan3A_358#5 : vector<16xi1>, vector<16xf32>
      %lt3A_463 = arith.constant 0 : i32
      %lt3A_464 = vector.broadcast %lt3A_463 : i32 to vector<16xi32>
      %lt3A_465 = arith.cmpi slt, %xor3A_66, %lt3A_464 : vector<16xi32>
      %add3A_466 = arith.constant 16 : i32
      %add3A_467 = vector.broadcast %add3A_466 : i32 to vector<16xi32>
      %add3A_468 = arith.addi %xor3A_66, %add3A_467 : vector<16xi32>
      %select_n3A_469 = arith.select %lt3A_465, %add3A_468, %xor3A_66 : vector<16xi1>, vector<16xi32>
      %broadcast_in_dim3A_470 = vector.shape_cast %select_n3A_469 : vector<16xi32> to vector<16x1xi32>
      %gather3A_471 = vector.shape_cast %broadcast_in_dim3A_470 : vector<16x1xi32> to vector<16xi32>
      %gather3A_472 = tpu.dynamic_gather %select_n3A_462[%gather3A_471] in [0] : vector<16xf32>, vector<16xi32> -> vector<16xf32>
      %add3A_473 = arith.addf %select_n3A_461, %gather3A_472 : vector<16xf32>
      %select_n3A_474 = arith.select %eq3A_85, %add3A_460, %add3A_473 : vector<16xi1>, vector<16xf32>
      %select_n3A_475 = arith.select %eq3A_85, %add3A_473, %add3A_460 : vector<16xi1>, vector<16xf32>
      %lt3A_476 = arith.constant 0 : i32
      %lt3A_477 = vector.broadcast %lt3A_476 : i32 to vector<16xi32>
      %lt3A_478 = arith.cmpi slt, %xor3A_69, %lt3A_477 : vector<16xi32>
      %add3A_479 = arith.constant 16 : i32
      %add3A_480 = vector.broadcast %add3A_479 : i32 to vector<16xi32>
      %add3A_481 = arith.addi %xor3A_69, %add3A_480 : vector<16xi32>
      %select_n3A_482 = arith.select %lt3A_478, %add3A_481, %xor3A_69 : vector<16xi1>, vector<16xi32>
      %broadcast_in_dim3A_483 = vector.shape_cast %select_n3A_482 : vector<16xi32> to vector<16x1xi32>
      %gather3A_484 = vector.shape_cast %broadcast_in_dim3A_483 : vector<16x1xi32> to vector<16xi32>
      %gather3A_485 = tpu.dynamic_gather %select_n3A_475[%gather3A_484] in [0] : vector<16xf32>, vector<16xi32> -> vector<16xf32>
      %add3A_486 = arith.addf %select_n3A_474, %gather3A_485 : vector<16xf32>
      %select_n3A_487 = arith.select %eq3A_79, %scan3A_358#3, %scan3A_358#11 : vector<16xi1>, vector<16xf32>
      %select_n3A_488 = arith.select %eq3A_79, %scan3A_358#11, %scan3A_358#3 : vector<16xi1>, vector<16xf32>
      %lt3A_489 = arith.constant 0 : i32
      %lt3A_490 = vector.broadcast %lt3A_489 : i32 to vector<16xi32>
      %lt3A_491 = arith.cmpi slt, %xor3A_66, %lt3A_490 : vector<16xi32>
      %add3A_492 = arith.constant 16 : i32
      %add3A_493 = vector.broadcast %add3A_492 : i32 to vector<16xi32>
      %add3A_494 = arith.addi %xor3A_66, %add3A_493 : vector<16xi32>
      %select_n3A_495 = arith.select %lt3A_491, %add3A_494, %xor3A_66 : vector<16xi1>, vector<16xi32>
      %broadcast_in_dim3A_496 = vector.shape_cast %select_n3A_495 : vector<16xi32> to vector<16x1xi32>
      %gather3A_497 = vector.shape_cast %broadcast_in_dim3A_496 : vector<16x1xi32> to vector<16xi32>
      %gather3A_498 = tpu.dynamic_gather %select_n3A_488[%gather3A_497] in [0] : vector<16xf32>, vector<16xi32> -> vector<16xf32>
      %add3A_499 = arith.addf %select_n3A_487, %gather3A_498 : vector<16xf32>
      %select_n3A_500 = arith.select %eq3A_79, %scan3A_358#7, %scan3A_358#15 : vector<16xi1>, vector<16xf32>
      %select_n3A_501 = arith.select %eq3A_79, %scan3A_358#15, %scan3A_358#7 : vector<16xi1>, vector<16xf32>
      %lt3A_502 = arith.constant 0 : i32
      %lt3A_503 = vector.broadcast %lt3A_502 : i32 to vector<16xi32>
      %lt3A_504 = arith.cmpi slt, %xor3A_66, %lt3A_503 : vector<16xi32>
      %add3A_505 = arith.constant 16 : i32
      %add3A_506 = vector.broadcast %add3A_505 : i32 to vector<16xi32>
      %add3A_507 = arith.addi %xor3A_66, %add3A_506 : vector<16xi32>
      %select_n3A_508 = arith.select %lt3A_504, %add3A_507, %xor3A_66 : vector<16xi1>, vector<16xi32>
      %broadcast_in_dim3A_509 = vector.shape_cast %select_n3A_508 : vector<16xi32> to vector<16x1xi32>
      %gather3A_510 = vector.shape_cast %broadcast_in_dim3A_509 : vector<16x1xi32> to vector<16xi32>
      %gather3A_511 = tpu.dynamic_gather %select_n3A_501[%gather3A_510] in [0] : vector<16xf32>, vector<16xi32> -> vector<16xf32>
      %add3A_512 = arith.addf %select_n3A_500, %gather3A_511 : vector<16xf32>
      %select_n3A_513 = arith.select %eq3A_85, %add3A_499, %add3A_512 : vector<16xi1>, vector<16xf32>
      %select_n3A_514 = arith.select %eq3A_85, %add3A_512, %add3A_499 : vector<16xi1>, vector<16xf32>
      %lt3A_515 = arith.constant 0 : i32
      %lt3A_516 = vector.broadcast %lt3A_515 : i32 to vector<16xi32>
      %lt3A_517 = arith.cmpi slt, %xor3A_69, %lt3A_516 : vector<16xi32>
      %add3A_518 = arith.constant 16 : i32
      %add3A_519 = vector.broadcast %add3A_518 : i32 to vector<16xi32>
      %add3A_520 = arith.addi %xor3A_69, %add3A_519 : vector<16xi32>
      %select_n3A_521 = arith.select %lt3A_517, %add3A_520, %xor3A_69 : vector<16xi1>, vector<16xi32>
      %broadcast_in_dim3A_522 = vector.shape_cast %select_n3A_521 : vector<16xi32> to vector<16x1xi32>
      %gather3A_523 = vector.shape_cast %broadcast_in_dim3A_522 : vector<16x1xi32> to vector<16xi32>
      %gather3A_524 = tpu.dynamic_gather %select_n3A_514[%gather3A_523] in [0] : vector<16xf32>, vector<16xi32> -> vector<16xf32>
      %add3A_525 = arith.addf %select_n3A_513, %gather3A_524 : vector<16xf32>
      %select_n3A_526 = arith.select %eq3A_91, %add3A_486, %add3A_525 : vector<16xi1>, vector<16xf32>
      %select_n3A_527 = arith.select %eq3A_91, %add3A_525, %add3A_486 : vector<16xi1>, vector<16xf32>
      %lt3A_528 = arith.constant 0 : i32
      %lt3A_529 = vector.broadcast %lt3A_528 : i32 to vector<16xi32>
      %lt3A_530 = arith.cmpi slt, %xor3A_72, %lt3A_529 : vector<16xi32>
      %add3A_531 = arith.constant 16 : i32
      %add3A_532 = vector.broadcast %add3A_531 : i32 to vector<16xi32>
      %add3A_533 = arith.addi %xor3A_72, %add3A_532 : vector<16xi32>
      %select_n3A_534 = arith.select %lt3A_530, %add3A_533, %xor3A_72 : vector<16xi1>, vector<16xi32>
      %broadcast_in_dim3A_535 = vector.shape_cast %select_n3A_534 : vector<16xi32> to vector<16x1xi32>
      %gather3A_536 = vector.shape_cast %broadcast_in_dim3A_535 : vector<16x1xi32> to vector<16xi32>
      %gather3A_537 = tpu.dynamic_gather %select_n3A_527[%gather3A_536] in [0] : vector<16xf32>, vector<16xi32> -> vector<16xf32>
      %add3A_538 = arith.addf %select_n3A_526, %gather3A_537 : vector<16xf32>
      %select_n3A_539 = arith.select %eq3A_97, %add3A_447, %add3A_538 : vector<16xi1>, vector<16xf32>
      %select_n3A_540 = arith.select %eq3A_97, %add3A_538, %add3A_447 : vector<16xi1>, vector<16xf32>
      %lt3A_541 = arith.constant 0 : i32
      %lt3A_542 = vector.broadcast %lt3A_541 : i32 to vector<16xi32>
      %lt3A_543 = arith.cmpi slt, %xor3A_75, %lt3A_542 : vector<16xi32>
      %add3A_544 = arith.constant 16 : i32
      %add3A_545 = vector.broadcast %add3A_544 : i32 to vector<16xi32>
      %add3A_546 = arith.addi %xor3A_75, %add3A_545 : vector<16xi32>
      %select_n3A_547 = arith.select %lt3A_543, %add3A_546, %xor3A_75 : vector<16xi1>, vector<16xi32>
      %broadcast_in_dim3A_548 = vector.shape_cast %select_n3A_547 : vector<16xi32> to vector<16x1xi32>
      %gather3A_549 = vector.shape_cast %broadcast_in_dim3A_548 : vector<16x1xi32> to vector<16xi32>
      %gather3A_550 = tpu.dynamic_gather %select_n3A_540[%gather3A_549] in [0] : vector<16xf32>, vector<16xi32> -> vector<16xf32>
      %add3A_551 = arith.addf %select_n3A_539, %gather3A_550 : vector<16xf32>
      %add3A_552 = arith.constant 384 : i32
      %add3A_553 = arith.addi %add3A_552, %mul3A_352 : i32
      %get3A = arith.index_cast %add3A_553 : i32 to index
      %get3A_554 = tpu.vector_load %arg11[%get3A] {strides = array<i32>} : memref<512xf32, #tpu.memory_space<vmem>>, vector<16xf32>,
      %get3A_555 = vector.shape_cast %get3A_554 : vector<16xf32> to vector<16xf32>
      %add3A_556 = arith.addf %add3A_551, %get3A_555 : vector<16xf32>
      %get3A_557 = arith.index_cast %add3A_553 : i32 to index
      %get3A_558 = tpu.vector_load %arg12[%get3A_557] {strides = array<i32>} : memref<512xf32, #tpu.memory_space<vmem>>, vector<16xf32>,
      %get3A_559 = vector.shape_cast %get3A_558 : vector<16xf32> to vector<16xf32>
      %add3A_560 = arith.addf %add3A_556, %get3A_559 : vector<16xf32>
      %swap3A = arith.index_cast %add3A_553 : i32 to index
      %swap3A_561 = tpu.vector_load %arg19[%swap3A] {strides = array<i32>} : memref<512xf32, #tpu.memory_space<vmem>>, vector<16xf32>,
      %swap3A_562 = vector.shape_cast %swap3A_561 : vector<16xf32> to vector<16xf32>
      %swap3A_563 = vector.shape_cast %add3A_560 : vector<16xf32> to vector<16xf32>
      tpu.vector_store %arg19[%swap3A], %swap3A_563 {strides = array<i32>} : memref<512xf32, #tpu.memory_space<vmem>>, vector<16xf32>,
      %scan3A_564 = arith.constant 0 : i32
      scf.yield %scan3A_564 : i32
    }
    %scan3A_316 = arith.constant 8 : i32
    %add3A_317 = arith.constant 384 : i32
    %add3A_318 = arith.addi %mul3A_2, %add3A_317 : i32
    %dma_start3A_319 = arith.constant 384 : i32
    %dma_start3A_320 = tpu.memref_slice %arg19[%dma_start3A_319] : memref<512xf32, #tpu.memory_space<vmem>> -> memref<128xf32, #tpu.memory_space<vmem>>
    %dma_start3A_321 = tpu.memref_slice %arg8[%add3A_318] : memref<16384xf32, #tpu.memory_space<hbm>> -> memref<128xf32, #tpu.memory_space<hbm>>
    %dma_start3A_322 = tpu.memref_slice %arg8[%add3A_318] : memref<16384xf32, #tpu.memory_space<hbm>> -> memref<128xf32, #tpu.memory_space<hbm>>
    %dma_start3A_323 = arith.constant 384 : i32
    %dma_start3A_324 = tpu.memref_slice %arg19[%dma_start3A_323] : memref<512xf32, #tpu.memory_space<vmem>> -> memref<128xf32, #tpu.memory_space<vmem>>
    tpu.enqueue_dma source(%dma_start3A_324 : memref<128xf32, #tpu.memory_space<vmem>>) target(%dma_start3A_322 : memref<128xf32, #tpu.memory_space<hbm>>) target_semaphore(%arg25 : memref<!tpu.dma_semaphore, #tpu.memory_space<semaphore_mem>>)
    %dma_wait3A_325 = arith.constant 0 : i32
    %dma_wait3A_326 = tpu.memref_slice %arg19[%dma_wait3A_325] : memref<512xf32, #tpu.memory_space<vmem>> -> memref<128xf32, #tpu.memory_space<vmem>>
    %dma_wait3A_327 = tpu.memref_slice %arg8[%add3A_161] : memref<16384xf32, #tpu.memory_space<hbm>> -> memref<128xf32, #tpu.memory_space<hbm>>
    %dma_wait3A_328 = tpu.memref_slice %arg8[%add3A_161] : memref<16384xf32, #tpu.memory_space<hbm>> -> memref<128xf32, #tpu.memory_space<hbm>>
    %dma_wait3A_329 = arith.constant 0 : i32
    %dma_wait3A_330 = tpu.memref_slice %arg19[%dma_wait3A_329] : memref<512xf32, #tpu.memory_space<vmem>> -> memref<128xf32, #tpu.memory_space<vmem>>
    tpu.wait_dma2 semaphore(%arg25 : memref<!tpu.dma_semaphore, #tpu.memory_space<semaphore_mem>>) src(%dma_wait3A_330 : memref<128xf32, #tpu.memory_space<vmem>>) dst(%dma_wait3A_328 : memref<128xf32, #tpu.memory_space<hbm>>)
    %dma_wait3A_331 = arith.constant 128 : i32
    %dma_wait3A_332 = tpu.memref_slice %arg19[%dma_wait3A_331] : memref<512xf32, #tpu.memory_space<vmem>> -> memref<128xf32, #tpu.memory_space<vmem>>
    %dma_wait3A_333 = tpu.memref_slice %arg8[%add3A_232] : memref<16384xf32, #tpu.memory_space<hbm>> -> memref<128xf32, #tpu.memory_space<hbm>>
    %dma_wait3A_334 = tpu.memref_slice %arg8[%add3A_232] : memref<16384xf32, #tpu.memory_space<hbm>> -> memref<128xf32, #tpu.memory_space<hbm>>
    %dma_wait3A_335 = arith.constant 128 : i32
    %dma_wait3A_336 = tpu.memref_slice %arg19[%dma_wait3A_335] : memref<512xf32, #tpu.memory_space<vmem>> -> memref<128xf32, #tpu.memory_space<vmem>>
    tpu.wait_dma2 semaphore(%arg25 : memref<!tpu.dma_semaphore, #tpu.memory_space<semaphore_mem>>) src(%dma_wait3A_336 : memref<128xf32, #tpu.memory_space<vmem>>) dst(%dma_wait3A_334 : memref<128xf32, #tpu.memory_space<hbm>>)
    %dma_wait3A_337 = arith.constant 256 : i32
    %dma_wait3A_338 = tpu.memref_slice %arg19[%dma_wait3A_337] : memref<512xf32, #tpu.memory_space<vmem>> -> memref<128xf32, #tpu.memory_space<vmem>>
    %dma_wait3A_339 = tpu.memref_slice %arg8[%add3A_275] : memref<16384xf32, #tpu.memory_space<hbm>> -> memref<128xf32, #tpu.memory_space<hbm>>
    %dma_wait3A_340 = tpu.memref_slice %arg8[%add3A_275] : memref<16384xf32, #tpu.memory_space<hbm>> -> memref<128xf32, #tpu.memory_space<hbm>>
    %dma_wait3A_341 = arith.constant 256 : i32
    %dma_wait3A_342 = tpu.memref_slice %arg19[%dma_wait3A_341] : memref<512xf32, #tpu.memory_space<vmem>> -> memref<128xf32, #tpu.memory_space<vmem>>
    tpu.wait_dma2 semaphore(%arg25 : memref<!tpu.dma_semaphore, #tpu.memory_space<semaphore_mem>>) src(%dma_wait3A_342 : memref<128xf32, #tpu.memory_space<vmem>>) dst(%dma_wait3A_340 : memref<128xf32, #tpu.memory_space<hbm>>)
    %dma_wait3A_343 = arith.constant 384 : i32
    %dma_wait3A_344 = tpu.memref_slice %arg19[%dma_wait3A_343] : memref<512xf32, #tpu.memory_space<vmem>> -> memref<128xf32, #tpu.memory_space<vmem>>
    %dma_wait3A_345 = tpu.memref_slice %arg8[%add3A_318] : memref<16384xf32, #tpu.memory_space<hbm>> -> memref<128xf32, #tpu.memory_space<hbm>>
    %dma_wait3A_346 = tpu.memref_slice %arg8[%add3A_318] : memref<16384xf32, #tpu.memory_space<hbm>> -> memref<128xf32, #tpu.memory_space<hbm>>
    %dma_wait3A_347 = arith.constant 384 : i32
    %dma_wait3A_348 = tpu.memref_slice %arg19[%dma_wait3A_347] : memref<512xf32, #tpu.memory_space<vmem>> -> memref<128xf32, #tpu.memory_space<vmem>>
    tpu.wait_dma2 semaphore(%arg25 : memref<!tpu.dma_semaphore, #tpu.memory_space<semaphore_mem>>) src(%dma_wait3A_348 : memref<128xf32, #tpu.memory_space<vmem>>) dst(%dma_wait3A_346 : memref<128xf32, #tpu.memory_space<hbm>>)
    return
  }
}

</mosaic_0001>

<sc_bundles>
// kernel: kernel.3.cloned.1.call-start
scs
__scs_entry_jumppad:
0x0: {  	(pc) =	sbr.rel $0x88, $3  }
0x1: {  	(tag) =	ssettag $0x0;
	lr =	simm.s32 $0x1  }
0x2: {  	[smem:$0x3F9B] =	sst lr;
	_ =	strace $0xD0000000  }
0x3: {  	_ = 	snop  }
0x4: {  	_ = 	snop  }
0x5: {  	_ = 	snop  }
0x6: {  	_ = 	snop  }
0x7: {  	_ = 	snop  }
__scs_overlays_trampoline_lowered:
0x8: {  	[smem:$0x3FAA] =	sst s0  }
0x9: {  	[smem:$0x3FAB] =	sst s1  }
0xa: {  	[smem:$0x3FAC] =	sst s2  }
0xb: {  	[smem:$0x3FAD] =	sst s3  }
0xc: {  	[smem:$0x3FAE] =	sst s4  }
0xd: {  	[smem:$0x3FAF] =	sst s5  }
0xe: {  	[smem:$0x3FB0] =	sst s6  }
0xf: {  	[smem:$0x3FB1] =	sst s7  }
0x10: {  	[smem:$0x3FB2] =	sst s8  }
0x11: {  	[smem:$0x3FB3] =	sst s9;
	s0 =	simm.s32 @!p0 $0x0  }
0x12: {  	s1 =	sld [smem:$0x3F99];
	s0 =	simm.s32 @p0 $0x1  }
0x13: {  	[smem:$0x3FB4] =	sst s0;
	s0 =	simm.s32 @!p1 $0x0  }
0x14: {  	s2 =	sld [smem:$0x3F98];
	s0 =	simm.s32 @p1 $0x1  }
0x15: {  	[smem:$0x3FB5] =	sst s0;
	s0 =	simm.s32 @!p2 $0x0  }
0x16: {  	s3 =	sld [smem:$0x3FDB];
	s0 =	simm.s32 @p2 $0x1  }
0x17: {  	s4 =	simm.s32 $0x1BF5;
	[smem:$0x3FB7] =	sst s0  }
0x18: {  	s0 =	sld [smem:$0x3F9A];
	_ =	swait.ge [sflag:s4], $0x0  }
0x19: {  	s7 =	sld [smem:$0x3F9B]  }
0x1a: {  	s8 =	sadd.s32 $0xFFFFE003, lr  }
0x1b: {  	s9 =	sadd.s32 $0xFFFFFEF7, lr;
	s5 =	simm.s32 $0xFFFFFFFF;
	p2 =	slt.u32 s8, $0xFFFFF086  }
0x1c: {  	p1 =	slt.u32 s9, $0xF7A;
	s5 =	simm.s32 @!p2 $0x0  }
0x1d: {  	s5 =	simm.s32 @p1 $0x1;
	p0 =	seq.s32 s7, s2  }
0x1e: {  	s7 =	smul.u32 @!p0 $0xF7A, s2;
	p2 =	seq.s32 @!p0 s5, $0x0  }
0x1f: {  	s9 =	smul.u32 $0xF7A, s1;
	s8 =	simm.s32 @!p0 $0x1BF5;
	p2 =	por !p2, p0  }
0x20: {  	[sflag:s8] =	ssyncset.s32 @!p0 $0xFFFFF086;
	s6 =	sadd.s32 @!p0 s3, s7;
	s7 =	simm.s32 @!p0 $0x108  }
0x21: {  	s3 =	sadd.s32 s3, s9;
	s6 =	sadd.s32 @!p0 $0x88, s6;
	s7 =	simm.s32 @p2 $0x1082  }
0x22: {  	[simem:s7], [sflag:s8] =	dma.local @!p0 [hbm:s6], $0xF7A  }
0x23: {  	s9 =	sor.u32 $0xD0000000, s2;
	s6 =	simm.s32 $0x108;
	_ =	swait.ge @!p0 [sflag:s8], $0x0  }
0x24: {  	s3 =	sadd.s32 $0x88, s3;
	s6 =	simm.s32 @!p1 $0x1082;
	[sflag:s4] =	ssyncset.s32 $0xFFFFF086  }
0x25: {  	[simem:s6], [sflag:s4] =	dma.local [hbm:s3], $0xF7A  }
0x26: {  	[smem:$0x3F9B] =	sst s1;
	(tag) =	ssettag s2;
	_ =	strace s9  }
0x27: {  	s1 =	sld [smem:$0x3FAB]  }
0x28: {  	s2 =	sld [smem:$0x3FAC]  }
0x29: {  	s4 =	sld [smem:$0x3FAE]  }
0x2a: {  	p0 =	seq.s32 s5, $0x0;
	s5 =	sld [smem:$0x3FAF]  }
0x2b: {  	s6 =	sld [smem:$0x3FB0]  }
0x2c: {  	s7 =	sld [smem:$0x3FB1]  }
0x2d: {  	s3 =	simm.s32 $0x108;
	s8 =	sld [smem:$0x3FB2]  }
0x2e: {  	s3 =	simm.s32 @!p0 $0x1082;
	s9 =	sld [smem:$0x3FB3]  }
0x2f: {  	lr =	sadd.s32 s0, s3;
	s0 =	sld [smem:$0x3FAA]  }
0x30: {  	s3 =	sld [smem:$0x3FAD]  }
0x31: {  	[smem:$0x3FB6] =	sst s10  }
0x32: {  	s10 =	sld [smem:$0x3FB4];
	_ =	sdelay $0x3  }
0x33: {  	p0 =	seq.s32 s10, $0x1;
	s10 =	sld [smem:$0x3FB6];
	_ =	sdelay $0x3  }
0x34: {  	[smem:$0x3FB6] =	sst s10  }
0x35: {  	s10 =	sld [smem:$0x3FB5];
	_ =	sdelay $0x3  }
0x36: {  	p1 =	seq.s32 s10, $0x1;
	s10 =	sld [smem:$0x3FB6];
	_ =	sdelay $0x3  }
0x37: {  	[smem:$0x3FB6] =	sst s10  }
0x38: {  	s10 =	sld [smem:$0x3FB7]  }
0x39: {  	_ = 	snop;
	(pc) =	sbr.ind lr, $3  }
0x3a: {  	_ = 	snop  }
0x3b: {  	_ = 	snop  }
0x3c: {  	p2 =	seq.s32 s10, $0x1;
	s10 =	sld [smem:$0x3FB6]  }
0x3d: {  	_ =	shalt  }
0x3e: {  	_ =	shalt  }
0x3f: {  	_ =	shalt  }
0x40: {  	_ =	shalt  }
0x41: {  	_ =	shalt  }
0x42: {  	_ =	shalt  }
0x43: {  	_ =	shalt  }
0x44: {  	_ =	shalt  }
0x45: {  	_ =	shalt  }
0x46: {  	_ =	shalt  }
0x47: {  	_ =	shalt  }
0x48: {  	_ =	shalt  }
0x49: {  	_ =	shalt  }
0x4a: {  	_ =	shalt  }
0x4b: {  	_ =	shalt  }
0x4c: {  	_ =	shalt  }
0x4d: {  	_ =	shalt  }
0x4e: {  	_ =	shalt  }
0x4f: {  	_ =	shalt  }
0x50: {  	_ =	shalt  }
0x51: {  	_ =	shalt  }
0x52: {  	_ =	shalt  }
0x53: {  	_ =	shalt  }
0x54: {  	_ =	shalt  }
0x55: {  	_ =	shalt  }
0x56: {  	_ =	shalt  }
0x57: {  	_ =	shalt  }
0x58: {  	_ =	shalt  }
0x59: {  	_ =	shalt  }
0x5a: {  	_ =	shalt  }
0x5b: {  	_ =	shalt  }
0x5c: {  	_ =	shalt  }
0x5d: {  	_ =	shalt  }
0x5e: {  	_ =	shalt  }
0x5f: {  	_ =	shalt  }
0x60: {  	_ =	shalt  }
0x61: {  	_ =	shalt  }
0x62: {  	_ =	shalt  }
0x63: {  	_ =	shalt  }
0x64: {  	_ =	shalt  }
0x65: {  	_ =	shalt  }
0x66: {  	_ =	shalt  }
0x67: {  	_ =	shalt  }
0x68: {  	_ =	shalt  }
0x69: {  	_ =	shalt  }
0x6a: {  	_ =	shalt  }
0x6b: {  	_ =	shalt  }
0x6c: {  	_ =	shalt  }
0x6d: {  	_ =	shalt  }
0x6e: {  	_ =	shalt  }
0x6f: {  	_ =	shalt  }
0x70: {  	_ =	shalt  }
0x71: {  	_ =	shalt  }
0x72: {  	_ =	shalt  }
0x73: {  	_ =	shalt  }
0x74: {  	_ =	shalt  }
0x75: {  	_ =	shalt  }
0x76: {  	_ =	shalt  }
0x77: {  	_ =	shalt  }
0x78: {  	_ =	shalt  }
0x79: {  	_ =	shalt  }
0x7a: {  	_ =	shalt  }
0x7b: {  	_ =	shalt  }
0x7c: {  	_ =	shalt  }
0x7d: {  	_ =	shalt  }
0x7e: {  	_ =	shalt  }
0x7f: {  	_ =	shalt  }
0x80: {  	_ =	shalt  }
0x81: {  	_ =	shalt  }
0x82: {  	_ =	shalt  }
0x83: {  	_ =	shalt  }
0x84: {  	_ =	shalt  }
0x85: {  	_ =	shalt  }
0x86: {  	_ =	shalt  }
0x87: {  	_ =	shalt  }
.Lfunc_end0:
.L_simem_size_0:
called_computation_lowered:
.L_overlay_start_0:
0x88: {  	s2 =	sld [smem:$0x3FD9]  }
0x89: {  	s3 =	sld [smem:$0x3FFE];
	_ =	sdelay $0x1  }
0x8a: {  	s1 =	srdreg.scid  }
0x8b: {  	s0 =	sand.u32 $0x1, s1  }
0x8c: {  	s18 =	sshll.u32 s0, $0xA;
	s2 =	sadd.s32 s3, s2  }
0x8d: {  	s2 =	sadd.s32 s2, s18  }
0x8e: {  	[smem:$0x3FC2] =	sst s2  }
0x8f: {  	_ = 	snop  }
0x90: {  	s2 =	sld [smem:$0x3FC9]  }
0x91: {  	s19 =	sld [smem:$0x3FC8]  }
0x92: {  	s4 =	sld [smem:$0x3FC7]  }
0x93: {  	s5 =	sld [smem:$0x3FC6]  }
0x94: {  	s6 =	sld [smem:$0x3FC5]  }
0x95: {  	s7 =	sld [smem:$0x3FC4]  }
0x96: {  	s8 =	sld [smem:$0x3FD0];
	(tm) =	ssettm $0x1  }
0x97: {  	s9 =	sld [smem:$0x3FFB];
	_ =	sdelay $0x3  }
0x98: {  	_ =	strace s9  }
0x99: {  	s9 =	sld [smem:$0x3FFC];
	_ =	sdelay $0x3  }
0x9a: {  	_ =	strace s9  }
0x9b: {  	s9 =	sld [smem:$0x3FFD];
	_ =	sdelay $0x3  }
0x9c: {  	_ =	strace s9  }
0x9d: {  	_ =	strace $0x8FFFFFFF  }
0x9e: {  	s20 =	sld [smem:$0x3FDB];
	_ =	sdelay $0x1  }
0x9f: {  	s10 =	simm.s32 $_scs_section_size  }
0xa0: {  	s11 =	simm.s32 $_size__tile_overlayer_lowered;
	s12 =	simm.s32 $_tile_overlayer_lowered  }
0xa1: {  	s23 =	simm.s32 $0x1BFF;
	s22 =	sshll.u32 s12, $0x1;
	s9 =	sadd.s32 s10, s20  }
0xa2: {  	s13 =	simm.s32 $0x0;
	s21 =	sshll.u32 s11, $0x1;
	s11 =	sadd.s32 s22, s9  }
0xa3: {  	[timem:s13], [sflag:s23] =	dma.local [hbm:s11], s21  }
0xa4: {  	_ =	swait.ge [sflag:s23], s21  }
0xa5: {  	s10 =	ssub.s32 $0x0, s21;
	[sflag:s23] =	ssyncset.done $0x0  }
0xa6: {  	[sflag:s23] =	ssyncadd.s32 s10;
	_ =	sdelay $0x1  }
0xa7: {  	s24 =	simm.s32 $0x1B8B  }
0xa8: {  	_ =	swait.ge [sflag:s24], $0x1  }
0xa9: {  	[sflag:s24] =	ssyncset.done $0x0  }
0xaa: {  	s25 =	simm.s32 $0x1B8E;
	[sflag:s24] =	ssyncadd.s32 $0xFFFFFFFF  }
0xab: {  	s26 =	simm.s32 $execute0_lowered;
	[smem:$0x3FD2] =	sst s25  }
0xac: {  	s10 =	sshll.u32 s26, $0x1;
	_ =	strace $0x80000046;
	[dreg:$0x1] =	wrdreg $0xFFFFFFFF  }
0xad: {  	s28 =	simm.s32 $_size_execute0_lowered;
	s9 =	sadd.s32 s9, s10;
	[dreg:$0x0] =	wrdreg $0x0  }
0xae: {  	s10 =	sshll.u32 s28, $0x1;
	[dreg:$0x2] =	wrdreg s9  }
0xaf: {  	[dreg:$0x3] =	wrdreg s10  }
0xb0: {  	[dreg:$0x4] =	wrdreg $0xC0  }
0xb1: {  	_ =	task [dreg:s13], $0x5FFFF  }
0xb2: {  	[dreg:$0x1] =	wrdreg $0xFFFFFFFF  }
0xb3: {  	[dreg:$0x0] =	wrdreg $0x60  }
0xb4: {  	[dreg:$0x2] =	wrdreg s2  }
0xb5: {  	[dreg:$0x3] =	wrdreg s19  }
0xb6: {  	[dreg:$0x4] =	wrdreg s4  }
0xb7: {  	[dreg:$0x5] =	wrdreg s5  }
0xb8: {  	[dreg:$0x6] =	wrdreg s6  }
0xb9: {  	[dreg:$0x7] =	wrdreg s7  }
0xba: {  	[dreg:$0x8] =	wrdreg s8  }
0xbb: {  	[dreg:$0x9] =	wrdreg $0x9  }
0xbc: {  	_ =	task.clear_ibuf [dreg:s13], $0xAFFFF;
	_ =	strace $0x90000046  }
0xbd: {  	s29 =	simm.s32 $0x9;
	_ =	strace $0x80000048  }
0xbe: {  	_ =	swait.ge [sflag:s29], $0x1  }
0xbf: {  	[sflag:s29] =	ssyncadd.s32 $0xFFFFFFFF  }
0xc0: {  	_ =	strace $0x90000048  }
0xc1: {  	_ =	sfence  }
0xc2: {  	s30 =	sld [smem:$0x0];
	_ =	sdelay $0x2  }
0xc3: {  	s31 =	sshll.u32 s1, $0xD;
	s1 =	sshrl.u32 s1, $0x2  }
0xc4: {  	s3 =	sand.u32 $0x4000, s31;
	s1 =	sadd.s32 s1, s30  }
0xc5: {  	s0 =	sor.u32 s3, s0;
	s1 =	sshll.u32 s1, $0x11  }
0xc6: {  	s0 =	sor.u32 s1, s0  }
0xc7: {  	s0 =	sadd.s32 $0x8F2B, s0  }
0xc8: {  	[sflag:s0] =	ssyncadd.remote.s32 $0x1  }
0xc9: {  	_ =	sfence.sel $0xFFFF  }
0xca: {  	[dreg:$0x0] =	wrdreg $0xFFFFFFFF;
	(pc) =	sbr.abs _section_cstart, $3  }
0xcb: {  	[dreg:$0x1] =	wrdreg $0xFFFFFFFF  }
0xcc: {  	_ =	task.clear_ibuf [dreg:s13], $0x2FFFF;
	_ =	strace $0x9FFFFFFF  }
0xcd: {  	(tm) =	ssettm $0x7FFFFFFF  }
tec
execute0_lowered:
.L_overlay_start_1:
0x0: {  	(tag) =	ssettag $0x1  }
0x1: {  	v0 =	vimm.s32 $0x76543210;
	v1 =	vimm.s32 $0xFEDCBA98;
	v2 =	vimm.s32 $0xBA98FEDC  }
0x2: {  	s4 =	rddreg [dreg:$0x0];
	v3 =	vimm.s32 $0x32107654;
	vm0 =	vcmask $0x2F20;
	vm1 =	vcmask $0xF00  }
0x3: {  	s5 =	rddreg [dreg:$0x1];
	vm2 =	vcmask $0x700;
	vm3 =	vcmask $0xB08;
	v1 =	vunpack.c.l.s4.s8 v1  }
0x4: {  	s0 =	rddreg [dreg:$0x2];
	vm4 =	vcmask $0x300;
	v4 =	vimm.s32 $0xEFCDAB89;
	v0 =	vunpack.c.l.s4.s8 v0  }
0x5: {  	s1 =	rddreg [dreg:$0x3];
	v2 =	vunpack.c.l.s4.s8 v2;
	v3 =	vunpack.c.l.s4.s8 v3;
	v1 =	vunpack.c.0.s8.s32 v1  }
0x6: {  	s2 =	rddreg [dreg:$0x4];
	vm0 =	vmor vm1, vm0;
	vm1 =	vcmask $0x1710;
	v0 =	vunpack.c.0.s8.s32 v0  }
0x7: {  	s3 =	rddreg [dreg:$0x5];
	v2 =	vunpack.c.0.s8.s32 v2;
	v3 =	vunpack.c.0.s8.s32 v3;
	v1 =	vand.u32 $0xF, v1  }
0x8: {  	s7 =	rddreg [dreg:$0x6];
	s8 =	srdreg.scid;
	s6 =	simm.s32 $0x0;
	vm3 =	vmor vm4, vm3;
	vm4 =	vcmask $0x1310;
	v0 =	vcombine.low v1, v0  }
0x9: {  	s11 =	stileid.u32;
	s14 =	simm.s32 $0x200;
	s15 =	simm.s32 $0x1;
	v1 =	vcombine.low v3, v2;
	v2 =	vimm.s32 $0xDCFE98BA;
	v3 =	vimm.s32 $0x54761032  }
0xa: {  	s16 =	simm.s32 $0x2;
	s17 =	simm.s32 $0x80;
	s22 =	simm.s32 $0x280;
	v4 =	vunpack.c.l.s4.s8 v4;
	v2 =	vunpack.c.l.s4.s8 v2;
	v3 =	vunpack.c.l.s4.s8 v3  }
0xb: {  	s26 =	simm.s32 $0x100;
	s29 =	simm.s32 $0x300;
	s19 =	simm.s32 $0x5;
	vm1 =	vmor vm2, vm1;
	vm2 =	vcmask $0x2720;
	vm3 =	vmor vm3, vm4  }
0xc: {  	s21 =	simm.s32 $0x180;
	s23 =	simm.s32 $0x800;
	s24 =	simm.s32 $0x380;
	vm4 =	vcmask $0x1B18;
	v2 =	vunpack.c.0.s8.s32 v2;
	v3 =	vunpack.c.0.s8.s32 v3  }
0xd: {  	s31 =	simm.s32 $0x3;
	s25 =	simm.s32 $0x6;
	s8 =	sand.u32 $0x1, s8;
	vm3 =	vmor vm3, vm4;
	vm4 =	vcmask $0x2320;
	vm1 =	vmor vm1, vm2  }
0xe: {  	s28 =	simm.s32 $0x0;
	[smem:$0x7FF] =	sst s6;
	s9 =	ssub.s32 $0x2, s8;
	vm2 =	vcmask $0x3730;
	v2 =	vcombine.low v3, v2;
	v3 =	vimm.s32 $0x67452301  }
0xf: {  	s11 =	sshll.u32 s11, $0x7;
	s8 =	sshll.u32 s8, $0x6;
	s10 =	sshrl.u32 s9, $0x1;
	vm3 =	vmor vm3, vm4;
	vm4 =	vcmask $0x2B28;
	v3 =	vunpack.c.l.s4.s8 v3  }
0x10: {  	_ =	strace $0x80000047;
	s30 =	sor.u32 s8, s11;
	v4 =	vunpack.c.0.s8.s32 v4;
	s13 =	ssub.s32 s9, s10;
	vm3 =	vmor vm3, vm4;
	vm4 =	vcmask $0x3330  }
0x11: {  	s4 =	sadd.s32 s4, s30;
	s8 =	sadd.s32 s5, s30;
	s9 =	sadd.s32 s7, s30;
	vm3 =	vmor vm3, vm4;
	vm4 =	vcmask $0x3B38;
	v3 =	vunpack.c.0.s8.s32 v3  }
0x12: {  	s5 =	simm.s32 $0x4;
	vm1 =	vmor vm1, vm2;
	[dreg:$0x8] =	wrdreg s4;
	s10 =	sadd.s32 $0x10, s9;
	vm2 =	vmor vm3, vm4;
	vm3 =	vmmov $0xff  }
0x13: {  	s11 =	sadd.s32 $0x20, s9;
	s12 =	sadd.s32 $0x30, s9;
	s13 =	smax.u32 s13, $0x1;
	v1 =	vand.u32 $0xF, v1;
	v2 =	vand.u32 $0xF, v2;
	v3 =	vcombine.low v3, v4  }
.LBB2_1:
0x14: {  	s4 =	rddreg [dreg:$0x8]  }
0x15: {  	[tilespmem:s6], [sflag:$0x1] =	stream.linear.gather [hbm4b:s4+s6], $0x200, $0x38;
	[tilespmem:$0x18A00] =	vst v63  }
0x16: {  	_ = 	snop  }
0x17: {  	[tilespmem:s14], [sflag:$0x2] =	stream.linear.gather [hbm4b:s8+s6], $0x200, $0x38;
	[tilespmem:$0x18A00] =	vst v63  }
0x18: {  	_ =	swait.ge [sflag:s15], $0x200  }
0x19: {  	[sflag:s15] =	ssyncset.done $0x0  }
0x1a: {  	[sflag:s15] =	ssyncadd.s32 $0xFFFFFE00  }
0x1b: {  	_ =	swait.ge [sflag:s16], $0x200  }
0x1c: {  	[sflag:s16] =	ssyncset.done $0x0  }
0x1d: {  	[sflag:s16] =	ssyncadd.s32 $0xFFFFFE00  }
0x1e: {  	[tilespmem:s23], [sflag:$0x1] =	stream.indirect.gather [hbm4b:s0+s17], $0x80, s6, s17, $0xb8;
	[tilespmem:$0x18A00] =	vst v63  }
0x1f: {  	s18 =	simm.s32 $0x4800  }
0x20: {  	[tilespmem:s18], [sflag:$0x1] =	stream.indirect.gather [hbm4b:s1+s17], $0x80, s14, s17, $0xb8;
	[tilespmem:$0x18A00] =	vst v63  }
0x21: {  	s20 =	simm.s32 $0x400  }
0x22: {  	[tilespmem:s20], [sflag:$0x4] =	stream.indirect.gather [hbm4b:s2+s17], $0x1, s6, s17, $0xb8;
	[tilespmem:$0x18A00] =	vst v63  }
0x23: {  	s7 =	simm.s32 $0x600  }
0x24: {  	[tilespmem:s7], [sflag:$0x5] =	stream.indirect.gather [hbm4b:s3+s17], $0x1, s14, s17, $0xb8;
	[tilespmem:$0x18A00] =	vst v63  }
0x25: {  	s18 =	simm.s32 $0x8800  }
0x26: {  	[tilespmem:s18], [sflag:$0x2] =	stream.indirect.gather [hbm4b:s0+s17], $0x80, s17, s17, $0xb8;
	[tilespmem:$0x18A00] =	vst v63  }
0x27: {  	s20 =	simm.s32 $0xC800  }
0x28: {  	[tilespmem:s20], [sflag:$0x2] =	stream.indirect.gather [hbm4b:s1+s17], $0x80, s22, s17, $0xb8;
	[tilespmem:$0x18A00] =	vst v63  }
0x29: {  	s7 =	simm.s32 $0x480  }
0x2a: {  	[tilespmem:s7], [sflag:$0x4] =	stream.indirect.gather [hbm4b:s2+s17], $0x1, s17, s17, $0xb8;
	[tilespmem:$0x18A00] =	vst v63  }
0x2b: {  	s18 =	simm.s32 $0x680  }
0x2c: {  	[tilespmem:s18], [sflag:$0x5] =	stream.indirect.gather [hbm4b:s3+s17], $0x1, s22, s17, $0xb8;
	[tilespmem:$0x18A00] =	vst v63  }
0x2d: {  	_ =	swait.ge [sflag:s15], $0x4000  }
0x2e: {  	[sflag:s15] =	ssyncset.done $0x0  }
0x2f: {  	[sflag:s15] =	ssyncadd.s32 $0xFFFFC000  }
0x30: {  	_ =	swait.ge [sflag:s15], $0x4000  }
0x31: {  	[sflag:s15] =	ssyncset.done $0x0  }
0x32: {  	s20 =	simm.s32 $0x10800;
	[sflag:s15] =	ssyncadd.s32 $0xFFFFC000  }
0x33: {  	[tilespmem:s20], [sflag:$0x3] =	stream.indirect.gather [hbm4b:s0+s17], $0x80, s26, s17, $0xb8;
	[tilespmem:$0x18A00] =	vst v63  }
0x34: {  	s7 =	simm.s32 $0x14800  }
0x35: {  	[tilespmem:s7], [sflag:$0x3] =	stream.indirect.gather [hbm4b:s1+s17], $0x80, s29, s17, $0xb8;
	[tilespmem:$0x18A00] =	vst v63  }
0x36: {  	s18 =	simm.s32 $0x500  }
0x37: {  	[tilespmem:s18], [sflag:$0x4] =	stream.indirect.gather [hbm4b:s2+s17], $0x1, s26, s17, $0xb8;
	[tilespmem:$0x18A00] =	vst v63  }
0x38: {  	s20 =	simm.s32 $0x700  }
0x39: {  	[tilespmem:s20], [sflag:$0x5] =	stream.indirect.gather [hbm4b:s3+s17], $0x1, s29, s17, $0xb8;
	[tilespmem:$0x18A00] =	vst v63  }
0x3a: {  	_ =	swait.ge [sflag:s5], $0x80  }
0x3b: {  	[sflag:s5] =	ssyncset.done $0x0  }
0x3c: {  	[sflag:s5] =	ssyncadd.s32 $0xFFFFFF80  }
0x3d: {  	_ =	swait.ge [sflag:s19], $0x80  }
0x3e: {  	s30 =	simm.s32 $0x4C00;
	[sflag:s19] =	ssyncset.done $0x0  }
0x3f: {  	s4 =	simm.s32 $0x800;
	s20 =	simm.s32 $0x0;
	[sflag:s19] =	ssyncadd.s32 $0xFFFFFF80  }
.LBB2_2:
0x40: {  	v5 =	vmov s4  }
0x41: {  	v4 =	vmov s30;
	_ =	sdelay $0x2  }
0x42: {  	s7 =	simm.s32 $0x0  }
0x43: {  	v6 =	vld.idx.msk [tilespmem:v5+s7+$0x780 ss:$0x1], $0xffff  }
0x44: {  	v7 =	vld.idx.msk [tilespmem:v4+s7+$0x380 ss:$0x1], $0xffff  }
0x45: {  	v8 =	vld.idx.msk [tilespmem:v5+s7+$0x0 ss:$0x1], $0xffff  }
0x46: {  	v9 =	vld.idx.msk [tilespmem:v4+s7+$0xFFFFFC00 ss:$0x1], $0xffff  }
0x47: {  	v10 =	vld.idx.msk [tilespmem:v5+s7+$0x80 ss:$0x1], $0xffff  }
0x48: {  	v12 =	vld.idx.msk [tilespmem:v4+s7+$0xFFFFFC80 ss:$0x1], $0xffff  }
0x49: {  	v13 =	vld.idx.msk [tilespmem:v5+s7+$0x100 ss:$0x1], $0xffff  }
0x4a: {  	v14 =	vld.idx.msk [tilespmem:v4+s7+$0xFFFFFD00 ss:$0x1], $0xffff  }
0x4b: {  	v15 =	vld.idx.msk [tilespmem:v5+s7+$0x180 ss:$0x1], $0xffff  }
0x4c: {  	v16 =	vld.idx.msk [tilespmem:v4+s7+$0xFFFFFD80 ss:$0x1], $0xffff  }
0x4d: {  	v17 =	vld.idx.msk [tilespmem:v5+s7+$0x200 ss:$0x1], $0xffff  }
0x4e: {  	v19 =	vld.idx.msk [tilespmem:v4+s7+$0xFFFFFE00 ss:$0x1], $0xffff  }
0x4f: {  	v20 =	vld.idx.msk [tilespmem:v5+s7+$0x280 ss:$0x1], $0xffff  }
0x50: {  	v21 =	vld.idx.msk [tilespmem:v4+s7+$0xFFFFFE80 ss:$0x1], $0xffff  }
0x51: {  	v23 =	vld.idx.msk [tilespmem:v5+s7+$0x300 ss:$0x1], $0xffff  }
0x52: {  	v24 =	vld.idx.msk [tilespmem:v4+s7+$0xFFFFFF00 ss:$0x1], $0xffff  }
0x53: {  	v25 =	vld.idx.msk [tilespmem:v5+s7+$0x380 ss:$0x1], $0xffff  }
0x54: {  	v26 =	vld.idx.msk [tilespmem:v4+s7+$0xFFFFFF80 ss:$0x1], $0xffff  }
0x55: {  	v27 =	vld.idx.msk [tilespmem:v5+s7+$0x400 ss:$0x1], $0xffff  }
0x56: {  	v28 =	vld.idx.msk [tilespmem:v4+s7+$0x0 ss:$0x1], $0xffff  }
0x57: {  	v29 =	vld.idx.msk [tilespmem:v5+s7+$0x480 ss:$0x1], $0xffff  }
0x58: {  	v30 =	vld.idx.msk [tilespmem:v4+s7+$0x80 ss:$0x1], $0xffff  }
0x59: {  	v31 =	vld.idx.msk [tilespmem:v4+s7+$0x100 ss:$0x1], $0xffff;
	v6 =	vmul.f32 v7, v6  }
0x5a: {  	v18 =	vimm.f32 $0.0e+00;
	v32 =	vld.idx.msk [tilespmem:v5+s7+$0x580 ss:$0x1], $0xffff;
	v8 =	vmul.f32 v9, v8  }
0x5b: {  	v7 =	vld.idx.msk [tilespmem:v5+s7+$0x500 ss:$0x1], $0xffff;
	v9 =	vmul.f32 v14, v13;
	v11 =	vadd.f32 v6, v18  }
0x5c: {  	v22 =	vld.idx.msk [tilespmem:v5+s7+$0x600 ss:$0x1], $0xffff;
	v6 =	vmul.f32 v12, v10;
	v13 =	vadd.f32 v8, v18;
	v8 =	vmul.f32 v16, v15  }
0x5d: {  	v10 =	vmul.f32 v19, v17;
	v19 =	vld.idx.msk [tilespmem:v4+s7+$0x180 ss:$0x1], $0xffff;
	v15 =	vadd.f32 v9, v18;
	v17 =	vmul.f32 v28, v27  }
0x5e: {  	v28 =	vld.idx.msk [tilespmem:v4+s7+$0x300 ss:$0x1], $0xffff;
	v16 =	vadd.f32 v6, v18;
	v6 =	vmul.f32 v21, v20;
	v14 =	vadd.f32 v8, v18  }
0x5f: {  	v9 =	vadd.f32 v10, v18;
	v8 =	vmul.f32 v24, v23;
	v24 =	vld.idx.msk [tilespmem:v4+s7+$0x200 ss:$0x1], $0xffff;
	v20 =	vmul.f32 v30, v29  }
0x60: {  	v23 =	vld.idx.msk [tilespmem:v5+s7+$0x680 ss:$0x1], $0xffff;
	v17 =	vadd.f32 v17, v18;
	v21 =	vimm.f32 $0.0e+00;
	v7 =	vmul.f32 v31, v7  }
0x61: {  	s18 =	simm.s32 $0x10;
	v12 =	vadd.f32 v6, v18;
	v6 =	vmul.f32 v26, v25;
	v10 =	vadd.f32 v8, v18;
	v26 =	vld.idx.msk [tilespmem:v4+s7+$0x280 ss:$0x1], $0xffff  }
0x62: {  	v27 =	vld.idx.msk [tilespmem:v5+s18+$0x780 ss:$0x1], $0xffff;
	v7 =	vadd.f32 v7, v18;
	v29 =	vmul.f32 v19, v32;
	v19 =	vimm.f32 $0.0e+00  }
0x63: {  	v25 =	vld.idx.msk [tilespmem:v5+s7+$0x700 ss:$0x1], $0xffff;
	s7 =	simm.s32 $0x80;
	v8 =	vadd.f32 v6, v18;
	v6 =	vadd.f32 v20, v18;
	v20 =	vimm.f32 $0.0e+00  }
.LBB2_3:
0x64: {  	p0 =	sne.s32 s7, $0x1C0;
	v30 =	vld.idx.msk [tilespmem:v4+s18+$0x380 ss:$0x1], $0xffff;
	v18 =	vadd.f32 v29, v18;
	v22 =	vmul.f32 v24, v22  }
0x65: {  	v24 =	vld.idx.msk [tilespmem:v5+s18+$0x0 ss:$0x1], $0xffff  }
0x66: {  	v29 =	vld.idx.msk [tilespmem:v4+s18+$0xFFFFFC00 ss:$0x1], $0xffff;
	v21 =	vadd.f32 v22, v21;
	v22 =	vmul.f32 v26, v23  }
0x67: {  	v23 =	vld.idx.msk [tilespmem:v5+s18+$0x80 ss:$0x1], $0xffff  }
0x68: {  	v26 =	vld.idx.msk [tilespmem:v4+s18+$0xFFFFFC80 ss:$0x1], $0xffff;
	v20 =	vadd.f32 v22, v20;
	v22 =	vmul.f32 v28, v25  }
0x69: {  	v25 =	vld.idx.msk [tilespmem:v5+s18+$0x100 ss:$0x1], $0xffff  }
0x6a: {  	v27 =	vmul.f32 v30, v27;
	v28 =	vld.idx.msk [tilespmem:v4+s18+$0xFFFFFD00 ss:$0x1], $0xffff;
	v19 =	vadd.f32 v22, v19  }
0x6b: {  	v22 =	vld.idx.msk [tilespmem:v5+s18+$0x180 ss:$0x1], $0xffff  }
0x6c: {  	v24 =	vmul.f32 v29, v24;
	v11 =	vadd.f32 v27, v11;
	v29 =	vld.idx.msk [tilespmem:v4+s18+$0xFFFFFD80 ss:$0x1], $0xffff  }
0x6d: {  	v27 =	vld.idx.msk [tilespmem:v5+s18+$0x200 ss:$0x1], $0xffff  }
0x6e: {  	v13 =	vadd.f32 v24, v13;
	v23 =	vmul.f32 v26, v23;
	v24 =	vld.idx.msk [tilespmem:v4+s18+$0xFFFFFE00 ss:$0x1], $0xffff  }
0x6f: {  	v26 =	vld.idx.msk [tilespmem:v5+s18+$0x280 ss:$0x1], $0xffff  }
0x70: {  	v16 =	vadd.f32 v23, v16;
	v23 =	vmul.f32 v28, v25;
	v25 =	vld.idx.msk [tilespmem:v4+s18+$0xFFFFFE80 ss:$0x1], $0xffff  }
0x71: {  	v28 =	vld.idx.msk [tilespmem:v5+s18+$0x300 ss:$0x1], $0xffff  }
0x72: {  	v15 =	vadd.f32 v23, v15;
	v22 =	vmul.f32 v29, v22;
	v23 =	vld.idx.msk [tilespmem:v4+s18+$0xFFFFFF00 ss:$0x1], $0xffff  }
0x73: {  	v29 =	vld.idx.msk [tilespmem:v5+s18+$0x380 ss:$0x1], $0xffff  }
0x74: {  	v14 =	vadd.f32 v22, v14;
	v22 =	vmul.f32 v24, v27;
	v24 =	vld.idx.msk [tilespmem:v4+s18+$0xFFFFFF80 ss:$0x1], $0xffff  }
0x75: {  	v27 =	vld.idx.msk [tilespmem:v5+s18+$0x400 ss:$0x1], $0xffff  }
0x76: {  	v9 =	vadd.f32 v22, v9;
	v22 =	vmul.f32 v25, v26;
	v25 =	vld.idx.msk [tilespmem:v4+s18+$0x0 ss:$0x1], $0xffff  }
0x77: {  	v26 =	vld.idx.msk [tilespmem:v5+s18+$0x480 ss:$0x1], $0xffff  }
0x78: {  	v12 =	vadd.f32 v22, v12;
	v22 =	vmul.f32 v23, v28;
	v23 =	vld.idx.msk [tilespmem:v4+s18+$0x80 ss:$0x1], $0xffff  }
0x79: {  	v28 =	vld.idx.msk [tilespmem:v5+s18+$0x500 ss:$0x1], $0xffff  }
0x7a: {  	v10 =	vadd.f32 v22, v10;
	v22 =	vmul.f32 v24, v29;
	v29 =	vld.idx.msk [tilespmem:v4+s18+$0x100 ss:$0x1], $0xffff  }
0x7b: {  	v30 =	vld.idx.msk [tilespmem:v5+s18+$0x580 ss:$0x1], $0xffff  }
0x7c: {  	v8 =	vadd.f32 v22, v8;
	v24 =	vmul.f32 v25, v27;
	v27 =	vld.idx.msk [tilespmem:v4+s18+$0x180 ss:$0x1], $0xffff  }
0x7d: {  	v22 =	vld.idx.msk [tilespmem:v5+s18+$0x600 ss:$0x1], $0xffff  }
0x7e: {  	v17 =	vadd.f32 v24, v17;
	v25 =	vmul.f32 v23, v26;
	v24 =	vld.idx.msk [tilespmem:v4+s18+$0x200 ss:$0x1], $0xffff  }
.Ltmp0:
0x7f: {  	v23 =	vld.idx.msk [tilespmem:v5+s18+$0x680 ss:$0x1], $0xffff;
	(pc) =	sbr.rel @p0 .LBB2_3-.Ltmp0, $4  }
0x80: {  	v6 =	vadd.f32 v25, v6;
	v28 =	vmul.f32 v29, v28;
	v26 =	vld.idx.msk [tilespmem:v4+s18+$0x280 ss:$0x1], $0xffff  }
0x81: {  	v25 =	vld.idx.msk [tilespmem:v5+s18+$0x700 ss:$0x1], $0xffff  }
0x82: {  	v7 =	vadd.f32 v28, v7;
	v29 =	vmul.f32 v27, v30;
	v28 =	vld.idx.msk [tilespmem:v4+s18+$0x300 ss:$0x1], $0xffff;
	s18 =	sshra.s32 s7, $0x2  }
0x83: {  	s7 =	sadd.s32 $0x40, s7;
	v27 =	vld.idx.msk [tilespmem:v5+s18+$0x780 ss:$0x1], $0xffff  }
0x84: {  	_ =	sdelay $0x3  }
0x85: {  	v30 =	vld.idx.msk [tilespmem:v4+s18+$0x380 ss:$0x1], $0xffff  }
0x86: {  	v31 =	vld.idx.msk [tilespmem:v5+s18+$0x0 ss:$0x1], $0xffff  }
0x87: {  	v32 =	vld.idx.msk [tilespmem:v4+s18+$0xFFFFFC00 ss:$0x1], $0xffff  }
0x88: {  	v33 =	vld.idx.msk [tilespmem:v5+s18+$0x80 ss:$0x1], $0xffff  }
0x89: {  	v34 =	vld.idx.msk [tilespmem:v4+s18+$0xFFFFFC80 ss:$0x1], $0xffff  }
0x8a: {  	v35 =	vld.idx.msk [tilespmem:v5+s18+$0x100 ss:$0x1], $0xffff  }
0x8b: {  	v36 =	vld.idx.msk [tilespmem:v4+s18+$0xFFFFFD00 ss:$0x1], $0xffff  }
0x8c: {  	v37 =	vld.idx.msk [tilespmem:v5+s18+$0x180 ss:$0x1], $0xffff  }
0x8d: {  	v38 =	vld.idx.msk [tilespmem:v4+s18+$0xFFFFFD80 ss:$0x1], $0xffff  }
0x8e: {  	v39 =	vld.idx.msk [tilespmem:v5+s18+$0x200 ss:$0x1], $0xffff  }
0x8f: {  	v40 =	vld.idx.msk [tilespmem:v4+s18+$0xFFFFFE00 ss:$0x1], $0xffff  }
0x90: {  	v41 =	vld.idx.msk [tilespmem:v5+s18+$0x280 ss:$0x1], $0xffff  }
0x91: {  	v42 =	vld.idx.msk [tilespmem:v4+s18+$0xFFFFFE80 ss:$0x1], $0xffff  }
0x92: {  	v43 =	vld.idx.msk [tilespmem:v5+s18+$0x300 ss:$0x1], $0xffff  }
0x93: {  	v44 =	vld.idx.msk [tilespmem:v4+s18+$0xFFFFFF00 ss:$0x1], $0xffff  }
0x94: {  	v45 =	vld.idx.msk [tilespmem:v5+s18+$0x380 ss:$0x1], $0xffff  }
0x95: {  	v46 =	vld.idx.msk [tilespmem:v4+s18+$0xFFFFFF80 ss:$0x1], $0xffff  }
0x96: {  	v47 =	vld.idx.msk [tilespmem:v5+s18+$0x400 ss:$0x1], $0xffff  }
0x97: {  	v48 =	vld.idx.msk [tilespmem:v4+s18+$0x0 ss:$0x1], $0xffff  }
0x98: {  	v49 =	vld.idx.msk [tilespmem:v5+s18+$0x480 ss:$0x1], $0xffff  }
0x99: {  	v50 =	vld.idx.msk [tilespmem:v5+s18+$0x600 ss:$0x1], $0xffff  }
0x9a: {  	v22 =	vmul.f32 v24, v22;
	v53 =	vld.idx.msk [tilespmem:v4+s18+$0x200 ss:$0x1], $0xffff;
	v23 =	vmul.f32 v26, v23  }
0x9b: {  	v24 =	vld.idx.msk [tilespmem:v4+s18+$0x80 ss:$0x1], $0xffff;
	v51 =	vmul.f32 v28, v25;
	v52 =	vmul.f32 v30, v27  }
0x9c: {  	v18 =	vadd.f32 v29, v18;
	v56 =	vld.idx.msk [tilespmem:v5+s18+$0x500 ss:$0x1], $0xffff;
	v54 =	vmul.f32 v32, v31;
	v55 =	vmul.f32 v34, v33  }
0x9d: {  	v58 =	vld.idx.msk [tilespmem:v4+s18+$0x100 ss:$0x1], $0xffff;
	v21 =	vadd.f32 v22, v21;
	v57 =	vmul.f32 v36, v35;
	v59 =	vmul.f32 v38, v37  }
0x9e: {  	v60 =	vld.idx.msk [tilespmem:v5+s18+$0x580 ss:$0x1], $0xffff;
	v20 =	vadd.f32 v23, v20;
	v61 =	vmul.f32 v40, v39;
	v62 =	vmul.f32 v42, v41  }
0x9f: {  	v63 =	vld.idx.msk [tilespmem:v4+s18+$0x180 ss:$0x1], $0xffff;
	v19 =	vadd.f32 v51, v19;
	v32 =	vmul.f32 v48, v47;
	v26 =	vmul.f32 v53, v50  }
0xa0: {  	v34 =	vmul.f32 v44, v43;
	v11 =	vadd.f32 v52, v11;
	v13 =	vadd.f32 v54, v13  }
0xa1: {  	v36 =	vmul.f32 v46, v45;
	v16 =	vadd.f32 v55, v16;
	v15 =	vadd.f32 v57, v15  }
0xa2: {  	v24 =	vmul.f32 v24, v49;
	v14 =	vadd.f32 v59, v14;
	v9 =	vadd.f32 v61, v9  }
0xa3: {  	v33 =	vld.idx.msk [tilespmem:v5+s18+$0x680 ss:$0x1], $0xffff;
	v25 =	vmul.f32 v58, v56;
	v12 =	vadd.f32 v62, v12;
	v17 =	vadd.f32 v32, v17  }
0xa4: {  	v5 =	vld.idx.msk [tilespmem:v5+s18+$0x700 ss:$0x1], $0xffff;
	v28 =	vmul.f32 v63, v60;
	v21 =	vadd.f32 v26, v21;
	v10 =	vadd.f32 v34, v10  }
0xa5: {  	v35 =	vld.idx.msk [tilespmem:v4+s18+$0x300 ss:$0x1], $0xffff;
	v8 =	vadd.f32 v36, v8;
	v6 =	vadd.f32 v24, v6  }
0xa6: {  	v4 =	vld.idx.msk [tilespmem:v4+s18+$0x280 ss:$0x1], $0xffff;
	v7 =	vadd.f32 v25, v7;
	v41 =	vadd.f32 v28, v18  }
0xa7: {  	v37 =	vsel vm3, v17, v13;
	v38 =	vsel vm3, v21, v9;
	v13 =	vsel vm3, v13, v17  }
0xa8: {  	v9 =	vsel vm3, v9, v21;
	v43 =	vsel vm3, v7, v15;
	v45 =	vsel vm3, v6, v16  }
0xa9: {  	v7 =	vsel vm3, v15, v7;
	v6 =	vsel vm3, v16, v6;
	v49 =	vsel vm3, v41, v14  }
0xaa: {  	v50 =	vsel vm3, v11, v8;
	v39 =	vperm.xlane v37, v0;
	v40 =	vperm.xlane v38, v0  }
0xab: {  	v53 =	vsel vm3, v14, v41;
	v5 =	vmul.f32 v35, v5;
	v4 =	vmul.f32 v4, v33  }
0xac: {  	v8 =	vsel vm3, v8, v11;
	v47 =	vperm.xlane v45, v0;
	v51 =	vperm.xlane v49, v0  }
0xad: {  	v52 =	vperm.xlane v50, v0;
	v13 =	vadd.f32 v39, v13;
	v5 =	vadd.f32 v5, v19  }
0xae: {  	v9 =	vadd.f32 v40, v9;
	v4 =	vadd.f32 v4, v20;
	v19 =	vperm.xlane v43, v0  }
0xaf: {  	v6 =	vadd.f32 v47, v6;
	v8 =	vadd.f32 v52, v8;
	v44 =	vsel vm3, v5, v10  }
0xb0: {  	v42 =	vsel vm0, v9, v13;
	v48 =	vsel vm3, v4, v12;
	v46 =	vperm.xlane v44, v0  }
0xb1: {  	v7 =	vadd.f32 v19, v7;
	v5 =	vsel vm3, v10, v5;
	v10 =	vperm.xlane v48, v0  }
0xb2: {  	v4 =	vsel vm3, v12, v4;
	v18 =	vperm.xlane v42, v1;
	v5 =	vadd.f32 v46, v5  }
0xb3: {  	v9 =	vsel vm0, v13, v9;
	v4 =	vadd.f32 v10, v4;
	v10 =	vadd.f32 v51, v53  }
0xb4: {  	v9 =	vadd.f32 v9, v18;
	v54 =	vsel vm0, v5, v7  }
0xb5: {  	v55 =	vsel vm0, v4, v6;
	v56 =	vsel vm0, v8, v10;
	v11 =	vperm.xlane v54, v1  }
0xb6: {  	v5 =	vsel vm0, v7, v5;
	v57 =	vperm.xlane v55, v1;
	v58 =	vperm.xlane v56, v1  }
0xb7: {  	v4 =	vsel vm0, v6, v4;
	v59 =	vsel vm0, v10, v8;
	v5 =	vadd.f32 v5, v11  }
0xb8: {  	v4 =	vadd.f32 v4, v57;
	v6 =	vadd.f32 v59, v58;
	_ =	sdelay $0x1  }
0xb9: {  	v60 =	vsel vm1, v5, v9;
	v61 =	vsel vm1, v6, v4  }
0xba: {  	v7 =	vperm.xlane v60, v2;
	v8 =	vperm.xlane v61, v2  }
0xbb: {  	v5 =	vsel vm1, v9, v5;
	v4 =	vsel vm1, v4, v6  }
0xbc: {  	v5 =	vadd.f32 v5, v7;
	v4 =	vadd.f32 v4, v8  }
0xbd: {  	s7 =	sshll.u32 s20, $0x4  }
0xbe: {  	v63 =	vld [tilespmem:s7+$0x400];
	v62 =	vsel vm2, v4, v5  }
0xbf: {  	v6 =	vperm.xlane v62, v3  }
0xc0: {  	v4 =	vsel vm2, v5, v4;
	v5 =	vld [tilespmem:s7+$0x600]  }
0xc1: {  	s20 =	sadd.s32 $0x1, s20;
	v4 =	vadd.f32 v4, v6  }
0xc2: {  	p0 =	sne.s32 s20, $0x8  }
.Ltmp1:
0xc3: {  	v4 =	vadd.f32 v4, v63;
	(pc) =	sbr.rel @p0 .LBB2_2-.Ltmp1, $3  }
0xc4: {  	_ = 	snop  }
0xc5: {  	v4 =	vadd.f32 v4, v5;
	_ =	sdelay $0x1  }
0xc6: {  	s30 =	sadd.s32 $0x800, s30;
	s4 =	sadd.s32 $0x800, s4;
	[tilespmem:s7+$0x18800] =	vst v4  }
0xc7: {  	s30 =	simm.s32 $0x0;
	s4 =	simm.s32 $0x18800  }
0xc8: {  	[hbm4b:s9+s30] =	stream.linear.scatter [tilespmem:s4], [sflag:$0x6], $0x80, $0x38;
	[tilespmem:$0x18A00] =	vst v63  }
0xc9: {  	_ =	swait.ge [sflag:s16], $0x4000  }
0xca: {  	[sflag:s16] =	ssyncset.done $0x0  }
0xcb: {  	[sflag:s16] =	ssyncadd.s32 $0xFFFFC000  }
0xcc: {  	_ =	swait.ge [sflag:s16], $0x4000  }
0xcd: {  	[sflag:s16] =	ssyncset.done $0x0  }
0xce: {  	[sflag:s16] =	ssyncadd.s32 $0xFFFFC000  }
0xcf: {  	[tilespmem:s23], [sflag:$0x1] =	stream.indirect.gather [hbm4b:s0+s17], $0x80, s21, s17, $0xb8;
	[tilespmem:$0x18A00] =	vst v63  }
0xd0: {  	s7 =	simm.s32 $0x4800  }
0xd1: {  	[tilespmem:s7], [sflag:$0x1] =	stream.indirect.gather [hbm4b:s1+s17], $0x80, s24, s17, $0xb8;
	[tilespmem:$0x18A00] =	vst v63  }
0xd2: {  	s18 =	simm.s32 $0x580  }
0xd3: {  	[tilespmem:s18], [sflag:$0x4] =	stream.indirect.gather [hbm4b:s2+s17], $0x1, s21, s17, $0xb8;
	[tilespmem:$0x18A00] =	vst v63  }
0xd4: {  	s20 =	simm.s32 $0x780  }
0xd5: {  	[tilespmem:s20], [sflag:$0x5] =	stream.indirect.gather [hbm4b:s3+s17], $0x1, s24, s17, $0xb8;
	[tilespmem:$0x18A00] =	vst v63  }
0xd6: {  	_ =	swait.ge [sflag:s5], $0x80  }
0xd7: {  	[sflag:s5] =	ssyncset.done $0x0  }
0xd8: {  	[sflag:s5] =	ssyncadd.s32 $0xFFFFFF80  }
0xd9: {  	_ =	swait.ge [sflag:s19], $0x80  }
0xda: {  	[sflag:s19] =	ssyncset.done $0x0  }
0xdb: {  	s4 =	simm.s32 $0xCC00;
	s20 =	simm.s32 $0x8800;
	[sflag:s19] =	ssyncadd.s32 $0xFFFFFF80  }
.LBB2_6:
0xdc: {  	v5 =	vmov s20  }
0xdd: {  	v4 =	vmov s4;
	_ =	sdelay $0x2  }
0xde: {  	s7 =	simm.s32 $0x0  }
0xdf: {  	v6 =	vld.idx.msk [tilespmem:v5+s7+$0x780 ss:$0x1], $0xffff  }
0xe0: {  	v7 =	vld.idx.msk [tilespmem:v4+s7+$0x380 ss:$0x1], $0xffff  }
0xe1: {  	v8 =	vld.idx.msk [tilespmem:v5+s7+$0x0 ss:$0x1], $0xffff  }
0xe2: {  	v9 =	vld.idx.msk [tilespmem:v4+s7+$0xFFFFFC00 ss:$0x1], $0xffff  }
0xe3: {  	v10 =	vld.idx.msk [tilespmem:v5+s7+$0x80 ss:$0x1], $0xffff  }
0xe4: {  	v12 =	vld.idx.msk [tilespmem:v4+s7+$0xFFFFFC80 ss:$0x1], $0xffff  }
0xe5: {  	v13 =	vld.idx.msk [tilespmem:v5+s7+$0x100 ss:$0x1], $0xffff  }
0xe6: {  	v14 =	vld.idx.msk [tilespmem:v4+s7+$0xFFFFFD00 ss:$0x1], $0xffff  }
0xe7: {  	v15 =	vld.idx.msk [tilespmem:v5+s7+$0x180 ss:$0x1], $0xffff  }
0xe8: {  	v16 =	vld.idx.msk [tilespmem:v4+s7+$0xFFFFFD80 ss:$0x1], $0xffff  }
0xe9: {  	v17 =	vld.idx.msk [tilespmem:v5+s7+$0x200 ss:$0x1], $0xffff  }
0xea: {  	v19 =	vld.idx.msk [tilespmem:v4+s7+$0xFFFFFE00 ss:$0x1], $0xffff  }
0xeb: {  	v20 =	vld.idx.msk [tilespmem:v5+s7+$0x280 ss:$0x1], $0xffff  }
0xec: {  	v21 =	vld.idx.msk [tilespmem:v4+s7+$0xFFFFFE80 ss:$0x1], $0xffff  }
0xed: {  	v23 =	vld.idx.msk [tilespmem:v5+s7+$0x300 ss:$0x1], $0xffff  }
0xee: {  	v24 =	vld.idx.msk [tilespmem:v4+s7+$0xFFFFFF00 ss:$0x1], $0xffff  }
0xef: {  	v25 =	vld.idx.msk [tilespmem:v5+s7+$0x380 ss:$0x1], $0xffff  }
0xf0: {  	v26 =	vld.idx.msk [tilespmem:v4+s7+$0xFFFFFF80 ss:$0x1], $0xffff  }
0xf1: {  	v27 =	vld.idx.msk [tilespmem:v5+s7+$0x400 ss:$0x1], $0xffff  }
0xf2: {  	v28 =	vld.idx.msk [tilespmem:v4+s7+$0x0 ss:$0x1], $0xffff  }
0xf3: {  	v29 =	vld.idx.msk [tilespmem:v5+s7+$0x480 ss:$0x1], $0xffff  }
0xf4: {  	v30 =	vld.idx.msk [tilespmem:v4+s7+$0x80 ss:$0x1], $0xffff  }
0xf5: {  	v31 =	vld.idx.msk [tilespmem:v4+s7+$0x100 ss:$0x1], $0xffff;
	v6 =	vmul.f32 v7, v6  }
0xf6: {  	v18 =	vimm.f32 $0.0e+00;
	v32 =	vld.idx.msk [tilespmem:v5+s7+$0x580 ss:$0x1], $0xffff;
	v8 =	vmul.f32 v9, v8  }
0xf7: {  	v7 =	vld.idx.msk [tilespmem:v5+s7+$0x500 ss:$0x1], $0xffff;
	v9 =	vmul.f32 v14, v13;
	v11 =	vadd.f32 v6, v18  }
0xf8: {  	v22 =	vld.idx.msk [tilespmem:v5+s7+$0x600 ss:$0x1], $0xffff;
	v6 =	vmul.f32 v12, v10;
	v13 =	vadd.f32 v8, v18;
	v8 =	vmul.f32 v16, v15  }
0xf9: {  	v10 =	vmul.f32 v19, v17;
	v19 =	vld.idx.msk [tilespmem:v4+s7+$0x180 ss:$0x1], $0xffff;
	v15 =	vadd.f32 v9, v18;
	v17 =	vmul.f32 v28, v27  }
0xfa: {  	v28 =	vld.idx.msk [tilespmem:v4+s7+$0x300 ss:$0x1], $0xffff;
	v16 =	vadd.f32 v6, v18;
	v6 =	vmul.f32 v21, v20;
	v14 =	vadd.f32 v8, v18  }
0xfb: {  	v9 =	vadd.f32 v10, v18;
	v8 =	vmul.f32 v24, v23;
	v24 =	vld.idx.msk [tilespmem:v4+s7+$0x200 ss:$0x1], $0xffff;
	v20 =	vmul.f32 v30, v29  }
0xfc: {  	v23 =	vld.idx.msk [tilespmem:v5+s7+$0x680 ss:$0x1], $0xffff;
	v17 =	vadd.f32 v17, v18;
	v21 =	vimm.f32 $0.0e+00;
	v7 =	vmul.f32 v31, v7  }
0xfd: {  	s18 =	simm.s32 $0x10;
	v12 =	vadd.f32 v6, v18;
	v6 =	vmul.f32 v26, v25;
	v10 =	vadd.f32 v8, v18;
	v26 =	vld.idx.msk [tilespmem:v4+s7+$0x280 ss:$0x1], $0xffff  }
0xfe: {  	v27 =	vld.idx.msk [tilespmem:v5+s18+$0x780 ss:$0x1], $0xffff;
	v7 =	vadd.f32 v7, v18;
	v29 =	vmul.f32 v19, v32;
	v19 =	vimm.f32 $0.0e+00  }
0xff: {  	v25 =	vld.idx.msk [tilespmem:v5+s7+$0x700 ss:$0x1], $0xffff;
	s7 =	simm.s32 $0x80;
	v8 =	vadd.f32 v6, v18;
	v6 =	vadd.f32 v20, v18;
	v20 =	vimm.f32 $0.0e+00  }
.LBB2_7:
0x100: {  	p0 =	sne.s32 s7, $0x1C0;
	v30 =	vld.idx.msk [tilespmem:v4+s18+$0x380 ss:$0x1], $0xffff;
	v18 =	vadd.f32 v29, v18;
	v22 =	vmul.f32 v24, v22  }
0x101: {  	v24 =	vld.idx.msk [tilespmem:v5+s18+$0x0 ss:$0x1], $0xffff  }
0x102: {  	v29 =	vld.idx.msk [tilespmem:v4+s18+$0xFFFFFC00 ss:$0x1], $0xffff;
	v21 =	vadd.f32 v22, v21;
	v22 =	vmul.f32 v26, v23  }
0x103: {  	v23 =	vld.idx.msk [tilespmem:v5+s18+$0x80 ss:$0x1], $0xffff  }
0x104: {  	v26 =	vld.idx.msk [tilespmem:v4+s18+$0xFFFFFC80 ss:$0x1], $0xffff;
	v20 =	vadd.f32 v22, v20;
	v22 =	vmul.f32 v28, v25  }
0x105: {  	v25 =	vld.idx.msk [tilespmem:v5+s18+$0x100 ss:$0x1], $0xffff  }
0x106: {  	v27 =	vmul.f32 v30, v27;
	v28 =	vld.idx.msk [tilespmem:v4+s18+$0xFFFFFD00 ss:$0x1], $0xffff;
	v19 =	vadd.f32 v22, v19  }
0x107: {  	v22 =	vld.idx.msk [tilespmem:v5+s18+$0x180 ss:$0x1], $0xffff  }
0x108: {  	v24 =	vmul.f32 v29, v24;
	v11 =	vadd.f32 v27, v11;
	v29 =	vld.idx.msk [tilespmem:v4+s18+$0xFFFFFD80 ss:$0x1], $0xffff  }
0x109: {  	v27 =	vld.idx.msk [tilespmem:v5+s18+$0x200 ss:$0x1], $0xffff  }
0x10a: {  	v13 =	vadd.f32 v24, v13;
	v23 =	vmul.f32 v26, v23;
	v24 =	vld.idx.msk [tilespmem:v4+s18+$0xFFFFFE00 ss:$0x1], $0xffff  }
0x10b: {  	v26 =	vld.idx.msk [tilespmem:v5+s18+$0x280 ss:$0x1], $0xffff  }
0x10c: {  	v16 =	vadd.f32 v23, v16;
	v23 =	vmul.f32 v28, v25;
	v25 =	vld.idx.msk [tilespmem:v4+s18+$0xFFFFFE80 ss:$0x1], $0xffff  }
0x10d: {  	v28 =	vld.idx.msk [tilespmem:v5+s18+$0x300 ss:$0x1], $0xffff  }
0x10e: {  	v15 =	vadd.f32 v23, v15;
	v22 =	vmul.f32 v29, v22;
	v23 =	vld.idx.msk [tilespmem:v4+s18+$0xFFFFFF00 ss:$0x1], $0xffff  }
0x10f: {  	v29 =	vld.idx.msk [tilespmem:v5+s18+$0x380 ss:$0x1], $0xffff  }
0x110: {  	v14 =	vadd.f32 v22, v14;
	v22 =	vmul.f32 v24, v27;
	v24 =	vld.idx.msk [tilespmem:v4+s18+$0xFFFFFF80 ss:$0x1], $0xffff  }
0x111: {  	v27 =	vld.idx.msk [tilespmem:v5+s18+$0x400 ss:$0x1], $0xffff  }
0x112: {  	v9 =	vadd.f32 v22, v9;
	v22 =	vmul.f32 v25, v26;
	v25 =	vld.idx.msk [tilespmem:v4+s18+$0x0 ss:$0x1], $0xffff  }
0x113: {  	v26 =	vld.idx.msk [tilespmem:v5+s18+$0x480 ss:$0x1], $0xffff  }
0x114: {  	v12 =	vadd.f32 v22, v12;
	v22 =	vmul.f32 v23, v28;
	v23 =	vld.idx.msk [tilespmem:v4+s18+$0x80 ss:$0x1], $0xffff  }
0x115: {  	v28 =	vld.idx.msk [tilespmem:v5+s18+$0x500 ss:$0x1], $0xffff  }
0x116: {  	v10 =	vadd.f32 v22, v10;
	v22 =	vmul.f32 v24, v29;
	v29 =	vld.idx.msk [tilespmem:v4+s18+$0x100 ss:$0x1], $0xffff  }
0x117: {  	v30 =	vld.idx.msk [tilespmem:v5+s18+$0x580 ss:$0x1], $0xffff  }
0x118: {  	v8 =	vadd.f32 v22, v8;
	v24 =	vmul.f32 v25, v27;
	v27 =	vld.idx.msk [tilespmem:v4+s18+$0x180 ss:$0x1], $0xffff  }
0x119: {  	v22 =	vld.idx.msk [tilespmem:v5+s18+$0x600 ss:$0x1], $0xffff  }
0x11a: {  	v17 =	vadd.f32 v24, v17;
	v25 =	vmul.f32 v23, v26;
	v24 =	vld.idx.msk [tilespmem:v4+s18+$0x200 ss:$0x1], $0xffff  }
.Ltmp2:
0x11b: {  	v23 =	vld.idx.msk [tilespmem:v5+s18+$0x680 ss:$0x1], $0xffff;
	(pc) =	sbr.rel @p0 .LBB2_7-.Ltmp2, $4  }
0x11c: {  	v6 =	vadd.f32 v25, v6;
	v28 =	vmul.f32 v29, v28;
	v26 =	vld.idx.msk [tilespmem:v4+s18+$0x280 ss:$0x1], $0xffff  }
0x11d: {  	v25 =	vld.idx.msk [tilespmem:v5+s18+$0x700 ss:$0x1], $0xffff  }
0x11e: {  	v7 =	vadd.f32 v28, v7;
	v29 =	vmul.f32 v27, v30;
	v28 =	vld.idx.msk [tilespmem:v4+s18+$0x300 ss:$0x1], $0xffff;
	s18 =	sshra.s32 s7, $0x2  }
0x11f: {  	s7 =	sadd.s32 $0x40, s7;
	v27 =	vld.idx.msk [tilespmem:v5+s18+$0x780 ss:$0x1], $0xffff  }
0x120: {  	_ =	sdelay $0x3  }
0x121: {  	v30 =	vld.idx.msk [tilespmem:v4+s18+$0x380 ss:$0x1], $0xffff  }
0x122: {  	v31 =	vld.idx.msk [tilespmem:v5+s18+$0x0 ss:$0x1], $0xffff  }
0x123: {  	v32 =	vld.idx.msk [tilespmem:v4+s18+$0xFFFFFC00 ss:$0x1], $0xffff  }
0x124: {  	v33 =	vld.idx.msk [tilespmem:v5+s18+$0x80 ss:$0x1], $0xffff  }
0x125: {  	v34 =	vld.idx.msk [tilespmem:v4+s18+$0xFFFFFC80 ss:$0x1], $0xffff  }
0x126: {  	v35 =	vld.idx.msk [tilespmem:v5+s18+$0x100 ss:$0x1], $0xffff  }
0x127: {  	v36 =	vld.idx.msk [tilespmem:v4+s18+$0xFFFFFD00 ss:$0x1], $0xffff  }
0x128: {  	v37 =	vld.idx.msk [tilespmem:v5+s18+$0x180 ss:$0x1], $0xffff  }
0x129: {  	v38 =	vld.idx.msk [tilespmem:v4+s18+$0xFFFFFD80 ss:$0x1], $0xffff  }
0x12a: {  	v39 =	vld.idx.msk [tilespmem:v5+s18+$0x200 ss:$0x1], $0xffff  }
0x12b: {  	v40 =	vld.idx.msk [tilespmem:v4+s18+$0xFFFFFE00 ss:$0x1], $0xffff  }
0x12c: {  	v41 =	vld.idx.msk [tilespmem:v5+s18+$0x280 ss:$0x1], $0xffff  }
0x12d: {  	v42 =	vld.idx.msk [tilespmem:v4+s18+$0xFFFFFE80 ss:$0x1], $0xffff  }
0x12e: {  	v43 =	vld.idx.msk [tilespmem:v5+s18+$0x300 ss:$0x1], $0xffff  }
0x12f: {  	v44 =	vld.idx.msk [tilespmem:v4+s18+$0xFFFFFF00 ss:$0x1], $0xffff  }
0x130: {  	v45 =	vld.idx.msk [tilespmem:v5+s18+$0x380 ss:$0x1], $0xffff  }
0x131: {  	v46 =	vld.idx.msk [tilespmem:v4+s18+$0xFFFFFF80 ss:$0x1], $0xffff  }
0x132: {  	v47 =	vld.idx.msk [tilespmem:v5+s18+$0x400 ss:$0x1], $0xffff  }
0x133: {  	v48 =	vld.idx.msk [tilespmem:v4+s18+$0x0 ss:$0x1], $0xffff  }
0x134: {  	v49 =	vld.idx.msk [tilespmem:v5+s18+$0x480 ss:$0x1], $0xffff  }
0x135: {  	v50 =	vld.idx.msk [tilespmem:v5+s18+$0x600 ss:$0x1], $0xffff  }
0x136: {  	v22 =	vmul.f32 v24, v22;
	v53 =	vld.idx.msk [tilespmem:v4+s18+$0x200 ss:$0x1], $0xffff;
	v23 =	vmul.f32 v26, v23  }
0x137: {  	v24 =	vld.idx.msk [tilespmem:v4+s18+$0x80 ss:$0x1], $0xffff;
	v51 =	vmul.f32 v28, v25;
	v52 =	vmul.f32 v30, v27  }
0x138: {  	v18 =	vadd.f32 v29, v18;
	v56 =	vld.idx.msk [tilespmem:v5+s18+$0x500 ss:$0x1], $0xffff;
	v54 =	vmul.f32 v32, v31;
	v55 =	vmul.f32 v34, v33  }
0x139: {  	v58 =	vld.idx.msk [tilespmem:v4+s18+$0x100 ss:$0x1], $0xffff;
	v21 =	vadd.f32 v22, v21;
	v57 =	vmul.f32 v36, v35;
	v59 =	vmul.f32 v38, v37  }
0x13a: {  	v60 =	vld.idx.msk [tilespmem:v5+s18+$0x580 ss:$0x1], $0xffff;
	v20 =	vadd.f32 v23, v20;
	v61 =	vmul.f32 v40, v39;
	v62 =	vmul.f32 v42, v41  }
0x13b: {  	v63 =	vld.idx.msk [tilespmem:v4+s18+$0x180 ss:$0x1], $0xffff;
	v19 =	vadd.f32 v51, v19;
	v32 =	vmul.f32 v48, v47;
	v26 =	vmul.f32 v53, v50  }
0x13c: {  	v34 =	vmul.f32 v44, v43;
	v11 =	vadd.f32 v52, v11;
	v13 =	vadd.f32 v54, v13  }
0x13d: {  	v36 =	vmul.f32 v46, v45;
	v16 =	vadd.f32 v55, v16;
	v15 =	vadd.f32 v57, v15  }
0x13e: {  	v24 =	vmul.f32 v24, v49;
	v14 =	vadd.f32 v59, v14;
	v9 =	vadd.f32 v61, v9  }
0x13f: {  	v33 =	vld.idx.msk [tilespmem:v5+s18+$0x680 ss:$0x1], $0xffff;
	v25 =	vmul.f32 v58, v56;
	v12 =	vadd.f32 v62, v12;
	v17 =	vadd.f32 v32, v17  }
0x140: {  	v5 =	vld.idx.msk [tilespmem:v5+s18+$0x700 ss:$0x1], $0xffff;
	v28 =	vmul.f32 v63, v60;
	v21 =	vadd.f32 v26, v21;
	v10 =	vadd.f32 v34, v10  }
0x141: {  	v35 =	vld.idx.msk [tilespmem:v4+s18+$0x300 ss:$0x1], $0xffff;
	v8 =	vadd.f32 v36, v8;
	v6 =	vadd.f32 v24, v6  }
0x142: {  	v4 =	vld.idx.msk [tilespmem:v4+s18+$0x280 ss:$0x1], $0xffff;
	v7 =	vadd.f32 v25, v7;
	v41 =	vadd.f32 v28, v18  }
0x143: {  	v37 =	vsel vm3, v17, v13;
	v38 =	vsel vm3, v21, v9;
	v13 =	vsel vm3, v13, v17  }
0x144: {  	v9 =	vsel vm3, v9, v21;
	v43 =	vsel vm3, v7, v15;
	v45 =	vsel vm3, v6, v16  }
0x145: {  	v7 =	vsel vm3, v15, v7;
	v6 =	vsel vm3, v16, v6;
	v49 =	vsel vm3, v41, v14  }
0x146: {  	v50 =	vsel vm3, v11, v8;
	v39 =	vperm.xlane v37, v0;
	v40 =	vperm.xlane v38, v0  }
0x147: {  	v53 =	vsel vm3, v14, v41;
	v5 =	vmul.f32 v35, v5;
	v4 =	vmul.f32 v4, v33  }
0x148: {  	v8 =	vsel vm3, v8, v11;
	v47 =	vperm.xlane v45, v0;
	v51 =	vperm.xlane v49, v0  }
0x149: {  	v52 =	vperm.xlane v50, v0;
	v13 =	vadd.f32 v39, v13;
	v5 =	vadd.f32 v5, v19  }
0x14a: {  	v9 =	vadd.f32 v40, v9;
	v4 =	vadd.f32 v4, v20;
	v19 =	vperm.xlane v43, v0  }
0x14b: {  	v6 =	vadd.f32 v47, v6;
	v8 =	vadd.f32 v52, v8;
	v44 =	vsel vm3, v5, v10  }
0x14c: {  	v42 =	vsel vm0, v9, v13;
	v48 =	vsel vm3, v4, v12;
	v46 =	vperm.xlane v44, v0  }
0x14d: {  	v7 =	vadd.f32 v19, v7;
	v5 =	vsel vm3, v10, v5;
	v10 =	vperm.xlane v48, v0  }
0x14e: {  	v4 =	vsel vm3, v12, v4;
	v18 =	vperm.xlane v42, v1;
	v5 =	vadd.f32 v46, v5  }
0x14f: {  	v9 =	vsel vm0, v13, v9;
	v4 =	vadd.f32 v10, v4;
	v10 =	vadd.f32 v51, v53  }
0x150: {  	v9 =	vadd.f32 v9, v18;
	v54 =	vsel vm0, v5, v7  }
0x151: {  	v55 =	vsel vm0, v4, v6;
	v56 =	vsel vm0, v8, v10;
	v11 =	vperm.xlane v54, v1  }
0x152: {  	v5 =	vsel vm0, v7, v5;
	v57 =	vperm.xlane v55, v1;
	v58 =	vperm.xlane v56, v1  }
0x153: {  	v4 =	vsel vm0, v6, v4;
	v59 =	vsel vm0, v10, v8;
	v5 =	vadd.f32 v5, v11  }
0x154: {  	v4 =	vadd.f32 v4, v57;
	v6 =	vadd.f32 v59, v58;
	_ =	sdelay $0x1  }
0x155: {  	v60 =	vsel vm1, v5, v9;
	v61 =	vsel vm1, v6, v4  }
0x156: {  	v7 =	vperm.xlane v60, v2;
	v8 =	vperm.xlane v61, v2  }
0x157: {  	v5 =	vsel vm1, v9, v5;
	v4 =	vsel vm1, v4, v6  }
0x158: {  	v5 =	vadd.f32 v5, v7;
	v4 =	vadd.f32 v4, v8  }
0x159: {  	s7 =	sshll.u32 s30, $0x4  }
0x15a: {  	v63 =	vld [tilespmem:s7+$0x480];
	v62 =	vsel vm2, v4, v5  }
0x15b: {  	v6 =	vperm.xlane v62, v3  }
0x15c: {  	v4 =	vsel vm2, v5, v4;
	v5 =	vld [tilespmem:s7+$0x680]  }
0x15d: {  	s30 =	sadd.s32 $0x1, s30;
	v4 =	vadd.f32 v4, v6  }
0x15e: {  	p0 =	sne.s32 s30, $0x8  }
.Ltmp3:
0x15f: {  	v4 =	vadd.f32 v4, v63;
	(pc) =	sbr.rel @p0 .LBB2_6-.Ltmp3, $3  }
0x160: {  	_ = 	snop  }
0x161: {  	v4 =	vadd.f32 v4, v5;
	_ =	sdelay $0x1  }
0x162: {  	s4 =	sadd.s32 $0x800, s4;
	s20 =	sadd.s32 $0x800, s20;
	[tilespmem:s7+$0x18880] =	vst v4  }
0x163: {  	s30 =	simm.s32 $0x0;
	s4 =	simm.s32 $0x18880  }
0x164: {  	[hbm4b:s10+s30] =	stream.linear.scatter [tilespmem:s4], [sflag:$0x6], $0x80, $0x38;
	[tilespmem:$0x18A00] =	vst v63  }
0x165: {  	_ =	swait.ge [sflag:s31], $0x4000  }
0x166: {  	[sflag:s31] =	ssyncset.done $0x0  }
0x167: {  	[sflag:s31] =	ssyncadd.s32 $0xFFFFC000  }
0x168: {  	_ =	swait.ge [sflag:s31], $0x4000  }
0x169: {  	[sflag:s31] =	ssyncset.done $0x0  }
0x16a: {  	[sflag:s31] =	ssyncadd.s32 $0xFFFFC000  }
0x16b: {  	_ =	swait.ge [sflag:s5], $0x80  }
0x16c: {  	[sflag:s5] =	ssyncset.done $0x0  }
0x16d: {  	[sflag:s5] =	ssyncadd.s32 $0xFFFFFF80  }
0x16e: {  	_ =	swait.ge [sflag:s19], $0x80  }
0x16f: {  	[sflag:s19] =	ssyncset.done $0x0  }
0x170: {  	s20 =	simm.s32 $0x10800;
	s4 =	simm.s32 $0x14C00;
	[sflag:s19] =	ssyncadd.s32 $0xFFFFFF80  }
.LBB2_10:
0x171: {  	v5 =	vmov s20  }
0x172: {  	v4 =	vmov s4;
	_ =	sdelay $0x2  }
0x173: {  	s7 =	simm.s32 $0x0  }
0x174: {  	v6 =	vld.idx.msk [tilespmem:v5+s7+$0x780 ss:$0x1], $0xffff  }
0x175: {  	v7 =	vld.idx.msk [tilespmem:v4+s7+$0x380 ss:$0x1], $0xffff  }
0x176: {  	v8 =	vld.idx.msk [tilespmem:v5+s7+$0x0 ss:$0x1], $0xffff  }
0x177: {  	v9 =	vld.idx.msk [tilespmem:v4+s7+$0xFFFFFC00 ss:$0x1], $0xffff  }
0x178: {  	v10 =	vld.idx.msk [tilespmem:v5+s7+$0x80 ss:$0x1], $0xffff  }
0x179: {  	v12 =	vld.idx.msk [tilespmem:v4+s7+$0xFFFFFC80 ss:$0x1], $0xffff  }
0x17a: {  	v13 =	vld.idx.msk [tilespmem:v5+s7+$0x100 ss:$0x1], $0xffff  }
0x17b: {  	v14 =	vld.idx.msk [tilespmem:v4+s7+$0xFFFFFD00 ss:$0x1], $0xffff  }
0x17c: {  	v15 =	vld.idx.msk [tilespmem:v5+s7+$0x180 ss:$0x1], $0xffff  }
0x17d: {  	v16 =	vld.idx.msk [tilespmem:v4+s7+$0xFFFFFD80 ss:$0x1], $0xffff  }
0x17e: {  	v17 =	vld.idx.msk [tilespmem:v5+s7+$0x200 ss:$0x1], $0xffff  }
0x17f: {  	v19 =	vld.idx.msk [tilespmem:v4+s7+$0xFFFFFE00 ss:$0x1], $0xffff  }
0x180: {  	v20 =	vld.idx.msk [tilespmem:v5+s7+$0x280 ss:$0x1], $0xffff  }
0x181: {  	v21 =	vld.idx.msk [tilespmem:v4+s7+$0xFFFFFE80 ss:$0x1], $0xffff  }
0x182: {  	v23 =	vld.idx.msk [tilespmem:v5+s7+$0x300 ss:$0x1], $0xffff  }
0x183: {  	v24 =	vld.idx.msk [tilespmem:v4+s7+$0xFFFFFF00 ss:$0x1], $0xffff  }
0x184: {  	v25 =	vld.idx.msk [tilespmem:v5+s7+$0x380 ss:$0x1], $0xffff  }
0x185: {  	v26 =	vld.idx.msk [tilespmem:v4+s7+$0xFFFFFF80 ss:$0x1], $0xffff  }
0x186: {  	v27 =	vld.idx.msk [tilespmem:v5+s7+$0x400 ss:$0x1], $0xffff  }
0x187: {  	v28 =	vld.idx.msk [tilespmem:v4+s7+$0x0 ss:$0x1], $0xffff  }
0x188: {  	v29 =	vld.idx.msk [tilespmem:v5+s7+$0x480 ss:$0x1], $0xffff  }
0x189: {  	v30 =	vld.idx.msk [tilespmem:v4+s7+$0x80 ss:$0x1], $0xffff  }
0x18a: {  	v31 =	vld.idx.msk [tilespmem:v4+s7+$0x100 ss:$0x1], $0xffff;
	v6 =	vmul.f32 v7, v6  }
0x18b: {  	v18 =	vimm.f32 $0.0e+00;
	v32 =	vld.idx.msk [tilespmem:v5+s7+$0x580 ss:$0x1], $0xffff;
	v8 =	vmul.f32 v9, v8  }
0x18c: {  	v7 =	vld.idx.msk [tilespmem:v5+s7+$0x500 ss:$0x1], $0xffff;
	v9 =	vmul.f32 v14, v13;
	v11 =	vadd.f32 v6, v18  }
0x18d: {  	v22 =	vld.idx.msk [tilespmem:v5+s7+$0x600 ss:$0x1], $0xffff;
	v6 =	vmul.f32 v12, v10;
	v13 =	vadd.f32 v8, v18;
	v8 =	vmul.f32 v16, v15  }
0x18e: {  	v10 =	vmul.f32 v19, v17;
	v19 =	vld.idx.msk [tilespmem:v4+s7+$0x180 ss:$0x1], $0xffff;
	v15 =	vadd.f32 v9, v18;
	v17 =	vmul.f32 v28, v27  }
0x18f: {  	v28 =	vld.idx.msk [tilespmem:v4+s7+$0x300 ss:$0x1], $0xffff;
	v16 =	vadd.f32 v6, v18;
	v6 =	vmul.f32 v21, v20;
	v14 =	vadd.f32 v8, v18  }
0x190: {  	v9 =	vadd.f32 v10, v18;
	v8 =	vmul.f32 v24, v23;
	v24 =	vld.idx.msk [tilespmem:v4+s7+$0x200 ss:$0x1], $0xffff;
	v20 =	vmul.f32 v30, v29  }
0x191: {  	v23 =	vld.idx.msk [tilespmem:v5+s7+$0x680 ss:$0x1], $0xffff;
	v17 =	vadd.f32 v17, v18;
	v21 =	vimm.f32 $0.0e+00;
	v7 =	vmul.f32 v31, v7  }
0x192: {  	s18 =	simm.s32 $0x10;
	v12 =	vadd.f32 v6, v18;
	v6 =	vmul.f32 v26, v25;
	v10 =	vadd.f32 v8, v18;
	v26 =	vld.idx.msk [tilespmem:v4+s7+$0x280 ss:$0x1], $0xffff  }
0x193: {  	v27 =	vld.idx.msk [tilespmem:v5+s18+$0x780 ss:$0x1], $0xffff;
	v7 =	vadd.f32 v7, v18;
	v29 =	vmul.f32 v19, v32;
	v19 =	vimm.f32 $0.0e+00  }
0x194: {  	v25 =	vld.idx.msk [tilespmem:v5+s7+$0x700 ss:$0x1], $0xffff;
	s7 =	simm.s32 $0x80;
	v8 =	vadd.f32 v6, v18;
	v6 =	vadd.f32 v20, v18;
	v20 =	vimm.f32 $0.0e+00  }
.LBB2_11:
0x195: {  	p0 =	sne.s32 s7, $0x1C0;
	v30 =	vld.idx.msk [tilespmem:v4+s18+$0x380 ss:$0x1], $0xffff;
	v18 =	vadd.f32 v29, v18;
	v22 =	vmul.f32 v24, v22  }
0x196: {  	v24 =	vld.idx.msk [tilespmem:v5+s18+$0x0 ss:$0x1], $0xffff  }
0x197: {  	v29 =	vld.idx.msk [tilespmem:v4+s18+$0xFFFFFC00 ss:$0x1], $0xffff;
	v21 =	vadd.f32 v22, v21;
	v22 =	vmul.f32 v26, v23  }
0x198: {  	v23 =	vld.idx.msk [tilespmem:v5+s18+$0x80 ss:$0x1], $0xffff  }
0x199: {  	v26 =	vld.idx.msk [tilespmem:v4+s18+$0xFFFFFC80 ss:$0x1], $0xffff;
	v20 =	vadd.f32 v22, v20;
	v22 =	vmul.f32 v28, v25  }
0x19a: {  	v25 =	vld.idx.msk [tilespmem:v5+s18+$0x100 ss:$0x1], $0xffff  }
0x19b: {  	v27 =	vmul.f32 v30, v27;
	v28 =	vld.idx.msk [tilespmem:v4+s18+$0xFFFFFD00 ss:$0x1], $0xffff;
	v19 =	vadd.f32 v22, v19  }
0x19c: {  	v22 =	vld.idx.msk [tilespmem:v5+s18+$0x180 ss:$0x1], $0xffff  }
0x19d: {  	v24 =	vmul.f32 v29, v24;
	v11 =	vadd.f32 v27, v11;
	v29 =	vld.idx.msk [tilespmem:v4+s18+$0xFFFFFD80 ss:$0x1], $0xffff  }
0x19e: {  	v27 =	vld.idx.msk [tilespmem:v5+s18+$0x200 ss:$0x1], $0xffff  }
0x19f: {  	v13 =	vadd.f32 v24, v13;
	v23 =	vmul.f32 v26, v23;
	v24 =	vld.idx.msk [tilespmem:v4+s18+$0xFFFFFE00 ss:$0x1], $0xffff  }
0x1a0: {  	v26 =	vld.idx.msk [tilespmem:v5+s18+$0x280 ss:$0x1], $0xffff  }
0x1a1: {  	v16 =	vadd.f32 v23, v16;
	v23 =	vmul.f32 v28, v25;
	v25 =	vld.idx.msk [tilespmem:v4+s18+$0xFFFFFE80 ss:$0x1], $0xffff  }
0x1a2: {  	v28 =	vld.idx.msk [tilespmem:v5+s18+$0x300 ss:$0x1], $0xffff  }
0x1a3: {  	v15 =	vadd.f32 v23, v15;
	v22 =	vmul.f32 v29, v22;
	v23 =	vld.idx.msk [tilespmem:v4+s18+$0xFFFFFF00 ss:$0x1], $0xffff  }
0x1a4: {  	v29 =	vld.idx.msk [tilespmem:v5+s18+$0x380 ss:$0x1], $0xffff  }
0x1a5: {  	v14 =	vadd.f32 v22, v14;
	v22 =	vmul.f32 v24, v27;
	v24 =	vld.idx.msk [tilespmem:v4+s18+$0xFFFFFF80 ss:$0x1], $0xffff  }
0x1a6: {  	v27 =	vld.idx.msk [tilespmem:v5+s18+$0x400 ss:$0x1], $0xffff  }
0x1a7: {  	v9 =	vadd.f32 v22, v9;
	v22 =	vmul.f32 v25, v26;
	v25 =	vld.idx.msk [tilespmem:v4+s18+$0x0 ss:$0x1], $0xffff  }
0x1a8: {  	v26 =	vld.idx.msk [tilespmem:v5+s18+$0x480 ss:$0x1], $0xffff  }
0x1a9: {  	v12 =	vadd.f32 v22, v12;
	v22 =	vmul.f32 v23, v28;
	v23 =	vld.idx.msk [tilespmem:v4+s18+$0x80 ss:$0x1], $0xffff  }
0x1aa: {  	v28 =	vld.idx.msk [tilespmem:v5+s18+$0x500 ss:$0x1], $0xffff  }
0x1ab: {  	v10 =	vadd.f32 v22, v10;
	v22 =	vmul.f32 v24, v29;
	v29 =	vld.idx.msk [tilespmem:v4+s18+$0x100 ss:$0x1], $0xffff  }
0x1ac: {  	v30 =	vld.idx.msk [tilespmem:v5+s18+$0x580 ss:$0x1], $0xffff  }
0x1ad: {  	v8 =	vadd.f32 v22, v8;
	v24 =	vmul.f32 v25, v27;
	v27 =	vld.idx.msk [tilespmem:v4+s18+$0x180 ss:$0x1], $0xffff  }
0x1ae: {  	v22 =	vld.idx.msk [tilespmem:v5+s18+$0x600 ss:$0x1], $0xffff  }
0x1af: {  	v17 =	vadd.f32 v24, v17;
	v25 =	vmul.f32 v23, v26;
	v24 =	vld.idx.msk [tilespmem:v4+s18+$0x200 ss:$0x1], $0xffff  }
.Ltmp4:
0x1b0: {  	v23 =	vld.idx.msk [tilespmem:v5+s18+$0x680 ss:$0x1], $0xffff;
	(pc) =	sbr.rel @p0 .LBB2_11-.Ltmp4, $4  }
0x1b1: {  	v6 =	vadd.f32 v25, v6;
	v28 =	vmul.f32 v29, v28;
	v26 =	vld.idx.msk [tilespmem:v4+s18+$0x280 ss:$0x1], $0xffff  }
0x1b2: {  	v25 =	vld.idx.msk [tilespmem:v5+s18+$0x700 ss:$0x1], $0xffff  }
0x1b3: {  	v7 =	vadd.f32 v28, v7;
	v29 =	vmul.f32 v27, v30;
	v28 =	vld.idx.msk [tilespmem:v4+s18+$0x300 ss:$0x1], $0xffff;
	s18 =	sshra.s32 s7, $0x2  }
0x1b4: {  	s7 =	sadd.s32 $0x40, s7;
	v27 =	vld.idx.msk [tilespmem:v5+s18+$0x780 ss:$0x1], $0xffff  }
0x1b5: {  	_ =	sdelay $0x3  }
0x1b6: {  	v30 =	vld.idx.msk [tilespmem:v4+s18+$0x380 ss:$0x1], $0xffff  }
0x1b7: {  	v31 =	vld.idx.msk [tilespmem:v5+s18+$0x0 ss:$0x1], $0xffff  }
0x1b8: {  	v32 =	vld.idx.msk [tilespmem:v4+s18+$0xFFFFFC00 ss:$0x1], $0xffff  }
0x1b9: {  	v33 =	vld.idx.msk [tilespmem:v5+s18+$0x80 ss:$0x1], $0xffff  }
0x1ba: {  	v34 =	vld.idx.msk [tilespmem:v4+s18+$0xFFFFFC80 ss:$0x1], $0xffff  }
0x1bb: {  	v35 =	vld.idx.msk [tilespmem:v5+s18+$0x100 ss:$0x1], $0xffff  }
0x1bc: {  	v36 =	vld.idx.msk [tilespmem:v4+s18+$0xFFFFFD00 ss:$0x1], $0xffff  }
0x1bd: {  	v37 =	vld.idx.msk [tilespmem:v5+s18+$0x180 ss:$0x1], $0xffff  }
0x1be: {  	v38 =	vld.idx.msk [tilespmem:v4+s18+$0xFFFFFD80 ss:$0x1], $0xffff  }
0x1bf: {  	v39 =	vld.idx.msk [tilespmem:v5+s18+$0x200 ss:$0x1], $0xffff  }
0x1c0: {  	v40 =	vld.idx.msk [tilespmem:v4+s18+$0xFFFFFE00 ss:$0x1], $0xffff  }
0x1c1: {  	v41 =	vld.idx.msk [tilespmem:v5+s18+$0x280 ss:$0x1], $0xffff  }
0x1c2: {  	v42 =	vld.idx.msk [tilespmem:v4+s18+$0xFFFFFE80 ss:$0x1], $0xffff  }
0x1c3: {  	v43 =	vld.idx.msk [tilespmem:v5+s18+$0x300 ss:$0x1], $0xffff  }
0x1c4: {  	v44 =	vld.idx.msk [tilespmem:v4+s18+$0xFFFFFF00 ss:$0x1], $0xffff  }
0x1c5: {  	v45 =	vld.idx.msk [tilespmem:v5+s18+$0x380 ss:$0x1], $0xffff  }
0x1c6: {  	v46 =	vld.idx.msk [tilespmem:v4+s18+$0xFFFFFF80 ss:$0x1], $0xffff  }
0x1c7: {  	v47 =	vld.idx.msk [tilespmem:v5+s18+$0x400 ss:$0x1], $0xffff  }
0x1c8: {  	v48 =	vld.idx.msk [tilespmem:v4+s18+$0x0 ss:$0x1], $0xffff  }
0x1c9: {  	v49 =	vld.idx.msk [tilespmem:v5+s18+$0x480 ss:$0x1], $0xffff  }
0x1ca: {  	v50 =	vld.idx.msk [tilespmem:v5+s18+$0x600 ss:$0x1], $0xffff  }
0x1cb: {  	v22 =	vmul.f32 v24, v22;
	v53 =	vld.idx.msk [tilespmem:v4+s18+$0x200 ss:$0x1], $0xffff;
	v23 =	vmul.f32 v26, v23  }
0x1cc: {  	v24 =	vld.idx.msk [tilespmem:v4+s18+$0x80 ss:$0x1], $0xffff;
	v51 =	vmul.f32 v28, v25;
	v52 =	vmul.f32 v30, v27  }
0x1cd: {  	v18 =	vadd.f32 v29, v18;
	v56 =	vld.idx.msk [tilespmem:v5+s18+$0x500 ss:$0x1], $0xffff;
	v54 =	vmul.f32 v32, v31;
	v55 =	vmul.f32 v34, v33  }
0x1ce: {  	v58 =	vld.idx.msk [tilespmem:v4+s18+$0x100 ss:$0x1], $0xffff;
	v21 =	vadd.f32 v22, v21;
	v57 =	vmul.f32 v36, v35;
	v59 =	vmul.f32 v38, v37  }
0x1cf: {  	v60 =	vld.idx.msk [tilespmem:v5+s18+$0x580 ss:$0x1], $0xffff;
	v20 =	vadd.f32 v23, v20;
	v61 =	vmul.f32 v40, v39;
	v62 =	vmul.f32 v42, v41  }
0x1d0: {  	v63 =	vld.idx.msk [tilespmem:v4+s18+$0x180 ss:$0x1], $0xffff;
	v19 =	vadd.f32 v51, v19;
	v32 =	vmul.f32 v48, v47;
	v26 =	vmul.f32 v53, v50  }
0x1d1: {  	v34 =	vmul.f32 v44, v43;
	v11 =	vadd.f32 v52, v11;
	v13 =	vadd.f32 v54, v13  }
0x1d2: {  	v36 =	vmul.f32 v46, v45;
	v16 =	vadd.f32 v55, v16;
	v15 =	vadd.f32 v57, v15  }
0x1d3: {  	v24 =	vmul.f32 v24, v49;
	v14 =	vadd.f32 v59, v14;
	v9 =	vadd.f32 v61, v9  }
0x1d4: {  	v33 =	vld.idx.msk [tilespmem:v5+s18+$0x680 ss:$0x1], $0xffff;
	v25 =	vmul.f32 v58, v56;
	v12 =	vadd.f32 v62, v12;
	v17 =	vadd.f32 v32, v17  }
0x1d5: {  	v5 =	vld.idx.msk [tilespmem:v5+s18+$0x700 ss:$0x1], $0xffff;
	v28 =	vmul.f32 v63, v60;
	v21 =	vadd.f32 v26, v21;
	v10 =	vadd.f32 v34, v10  }
0x1d6: {  	v35 =	vld.idx.msk [tilespmem:v4+s18+$0x300 ss:$0x1], $0xffff;
	v8 =	vadd.f32 v36, v8;
	v6 =	vadd.f32 v24, v6  }
0x1d7: {  	v4 =	vld.idx.msk [tilespmem:v4+s18+$0x280 ss:$0x1], $0xffff;
	v7 =	vadd.f32 v25, v7;
	v41 =	vadd.f32 v28, v18  }
0x1d8: {  	v37 =	vsel vm3, v17, v13;
	v38 =	vsel vm3, v21, v9;
	v13 =	vsel vm3, v13, v17  }
0x1d9: {  	v9 =	vsel vm3, v9, v21;
	v43 =	vsel vm3, v7, v15;
	v45 =	vsel vm3, v6, v16  }
0x1da: {  	v7 =	vsel vm3, v15, v7;
	v6 =	vsel vm3, v16, v6;
	v49 =	vsel vm3, v41, v14  }
0x1db: {  	v50 =	vsel vm3, v11, v8;
	v39 =	vperm.xlane v37, v0;
	v40 =	vperm.xlane v38, v0  }
0x1dc: {  	v53 =	vsel vm3, v14, v41;
	v5 =	vmul.f32 v35, v5;
	v4 =	vmul.f32 v4, v33  }
0x1dd: {  	v8 =	vsel vm3, v8, v11;
	v47 =	vperm.xlane v45, v0;
	v51 =	vperm.xlane v49, v0  }
0x1de: {  	v52 =	vperm.xlane v50, v0;
	v13 =	vadd.f32 v39, v13;
	v5 =	vadd.f32 v5, v19  }
0x1df: {  	v9 =	vadd.f32 v40, v9;
	v4 =	vadd.f32 v4, v20;
	v19 =	vperm.xlane v43, v0  }
0x1e0: {  	v6 =	vadd.f32 v47, v6;
	v8 =	vadd.f32 v52, v8;
	v44 =	vsel vm3, v5, v10  }
0x1e1: {  	v42 =	vsel vm0, v9, v13;
	v48 =	vsel vm3, v4, v12;
	v46 =	vperm.xlane v44, v0  }
0x1e2: {  	v7 =	vadd.f32 v19, v7;
	v5 =	vsel vm3, v10, v5;
	v10 =	vperm.xlane v48, v0  }
0x1e3: {  	v4 =	vsel vm3, v12, v4;
	v18 =	vperm.xlane v42, v1;
	v5 =	vadd.f32 v46, v5  }
0x1e4: {  	v9 =	vsel vm0, v13, v9;
	v4 =	vadd.f32 v10, v4;
	v10 =	vadd.f32 v51, v53  }
0x1e5: {  	v9 =	vadd.f32 v9, v18;
	v54 =	vsel vm0, v5, v7  }
0x1e6: {  	v55 =	vsel vm0, v4, v6;
	v56 =	vsel vm0, v8, v10;
	v11 =	vperm.xlane v54, v1  }
0x1e7: {  	v5 =	vsel vm0, v7, v5;
	v57 =	vperm.xlane v55, v1;
	v58 =	vperm.xlane v56, v1  }
0x1e8: {  	v4 =	vsel vm0, v6, v4;
	v59 =	vsel vm0, v10, v8;
	v5 =	vadd.f32 v5, v11  }
0x1e9: {  	v4 =	vadd.f32 v4, v57;
	v6 =	vadd.f32 v59, v58;
	_ =	sdelay $0x1  }
0x1ea: {  	v60 =	vsel vm1, v5, v9;
	v61 =	vsel vm1, v6, v4  }
0x1eb: {  	v7 =	vperm.xlane v60, v2;
	v8 =	vperm.xlane v61, v2  }
0x1ec: {  	v5 =	vsel vm1, v9, v5;
	v4 =	vsel vm1, v4, v6  }
0x1ed: {  	v5 =	vadd.f32 v5, v7;
	v4 =	vadd.f32 v4, v8  }
0x1ee: {  	s7 =	sshll.u32 s30, $0x4  }
0x1ef: {  	v63 =	vld [tilespmem:s7+$0x500];
	v62 =	vsel vm2, v4, v5  }
0x1f0: {  	v6 =	vperm.xlane v62, v3  }
0x1f1: {  	v4 =	vsel vm2, v5, v4;
	v5 =	vld [tilespmem:s7+$0x700]  }
0x1f2: {  	s30 =	sadd.s32 $0x1, s30;
	v4 =	vadd.f32 v4, v6  }
0x1f3: {  	p0 =	sne.s32 s30, $0x8  }
.Ltmp5:
0x1f4: {  	v4 =	vadd.f32 v4, v63;
	(pc) =	sbr.rel @p0 .LBB2_10-.Ltmp5, $3  }
0x1f5: {  	_ = 	snop  }
0x1f6: {  	v4 =	vadd.f32 v4, v5;
	_ =	sdelay $0x1  }
0x1f7: {  	s4 =	sadd.s32 $0x800, s4;
	s20 =	sadd.s32 $0x800, s20;
	[tilespmem:s7+$0x18900] =	vst v4  }
0x1f8: {  	s30 =	simm.s32 $0x0;
	s4 =	simm.s32 $0x18900  }
0x1f9: {  	[hbm4b:s11+s30] =	stream.linear.scatter [tilespmem:s4], [sflag:$0x6], $0x80, $0x38;
	[tilespmem:$0x18A00] =	vst v63  }
0x1fa: {  	_ =	swait.ge [sflag:s15], $0x4000  }
0x1fb: {  	[sflag:s15] =	ssyncset.done $0x0  }
0x1fc: {  	[sflag:s15] =	ssyncadd.s32 $0xFFFFC000  }
0x1fd: {  	_ =	swait.ge [sflag:s15], $0x4000  }
0x1fe: {  	[sflag:s15] =	ssyncset.done $0x0  }
0x1ff: {  	[sflag:s15] =	ssyncadd.s32 $0xFFFFC000  }
0x200: {  	_ =	swait.ge [sflag:s5], $0x80  }
0x201: {  	[sflag:s5] =	ssyncset.done $0x0  }
0x202: {  	[sflag:s5] =	ssyncadd.s32 $0xFFFFFF80  }
0x203: {  	_ =	swait.ge [sflag:s19], $0x80  }
0x204: {  	[sflag:s19] =	ssyncset.done $0x0  }
0x205: {  	s20 =	simm.s32 $0x800;
	s4 =	simm.s32 $0x4C00;
	[sflag:s19] =	ssyncadd.s32 $0xFFFFFF80  }
.LBB2_14:
0x206: {  	v5 =	vmov s20  }
0x207: {  	v4 =	vmov s4;
	_ =	sdelay $0x2  }
0x208: {  	s7 =	simm.s32 $0x0  }
0x209: {  	v6 =	vld.idx.msk [tilespmem:v5+s7+$0x780 ss:$0x1], $0xffff  }
0x20a: {  	v7 =	vld.idx.msk [tilespmem:v4+s7+$0x380 ss:$0x1], $0xffff  }
0x20b: {  	v8 =	vld.idx.msk [tilespmem:v5+s7+$0x0 ss:$0x1], $0xffff  }
0x20c: {  	v9 =	vld.idx.msk [tilespmem:v4+s7+$0xFFFFFC00 ss:$0x1], $0xffff  }
0x20d: {  	v10 =	vld.idx.msk [tilespmem:v5+s7+$0x80 ss:$0x1], $0xffff  }
0x20e: {  	v12 =	vld.idx.msk [tilespmem:v4+s7+$0xFFFFFC80 ss:$0x1], $0xffff  }
0x20f: {  	v13 =	vld.idx.msk [tilespmem:v5+s7+$0x100 ss:$0x1], $0xffff  }
0x210: {  	v14 =	vld.idx.msk [tilespmem:v4+s7+$0xFFFFFD00 ss:$0x1], $0xffff  }
0x211: {  	v15 =	vld.idx.msk [tilespmem:v5+s7+$0x180 ss:$0x1], $0xffff  }
0x212: {  	v16 =	vld.idx.msk [tilespmem:v4+s7+$0xFFFFFD80 ss:$0x1], $0xffff  }
0x213: {  	v17 =	vld.idx.msk [tilespmem:v5+s7+$0x200 ss:$0x1], $0xffff  }
0x214: {  	v19 =	vld.idx.msk [tilespmem:v4+s7+$0xFFFFFE00 ss:$0x1], $0xffff  }
0x215: {  	v20 =	vld.idx.msk [tilespmem:v5+s7+$0x280 ss:$0x1], $0xffff  }
0x216: {  	v21 =	vld.idx.msk [tilespmem:v4+s7+$0xFFFFFE80 ss:$0x1], $0xffff  }
0x217: {  	v23 =	vld.idx.msk [tilespmem:v5+s7+$0x300 ss:$0x1], $0xffff  }
0x218: {  	v24 =	vld.idx.msk [tilespmem:v4+s7+$0xFFFFFF00 ss:$0x1], $0xffff  }
0x219: {  	v25 =	vld.idx.msk [tilespmem:v5+s7+$0x380 ss:$0x1], $0xffff  }
0x21a: {  	v26 =	vld.idx.msk [tilespmem:v4+s7+$0xFFFFFF80 ss:$0x1], $0xffff  }
0x21b: {  	v27 =	vld.idx.msk [tilespmem:v5+s7+$0x400 ss:$0x1], $0xffff  }
0x21c: {  	v28 =	vld.idx.msk [tilespmem:v4+s7+$0x0 ss:$0x1], $0xffff  }
0x21d: {  	v29 =	vld.idx.msk [tilespmem:v5+s7+$0x480 ss:$0x1], $0xffff  }
0x21e: {  	v30 =	vld.idx.msk [tilespmem:v4+s7+$0x80 ss:$0x1], $0xffff  }
0x21f: {  	v31 =	vld.idx.msk [tilespmem:v4+s7+$0x100 ss:$0x1], $0xffff;
	v6 =	vmul.f32 v7, v6  }
0x220: {  	v18 =	vimm.f32 $0.0e+00;
	v32 =	vld.idx.msk [tilespmem:v5+s7+$0x580 ss:$0x1], $0xffff;
	v8 =	vmul.f32 v9, v8  }
0x221: {  	v7 =	vld.idx.msk [tilespmem:v5+s7+$0x500 ss:$0x1], $0xffff;
	v9 =	vmul.f32 v14, v13;
	v11 =	vadd.f32 v6, v18  }
0x222: {  	v22 =	vld.idx.msk [tilespmem:v5+s7+$0x600 ss:$0x1], $0xffff;
	v6 =	vmul.f32 v12, v10;
	v13 =	vadd.f32 v8, v18;
	v8 =	vmul.f32 v16, v15  }
0x223: {  	v10 =	vmul.f32 v19, v17;
	v19 =	vld.idx.msk [tilespmem:v4+s7+$0x180 ss:$0x1], $0xffff;
	v15 =	vadd.f32 v9, v18;
	v17 =	vmul.f32 v28, v27  }
0x224: {  	v28 =	vld.idx.msk [tilespmem:v4+s7+$0x300 ss:$0x1], $0xffff;
	v16 =	vadd.f32 v6, v18;
	v6 =	vmul.f32 v21, v20;
	v14 =	vadd.f32 v8, v18  }
0x225: {  	v9 =	vadd.f32 v10, v18;
	v8 =	vmul.f32 v24, v23;
	v24 =	vld.idx.msk [tilespmem:v4+s7+$0x200 ss:$0x1], $0xffff;
	v20 =	vmul.f32 v30, v29  }
0x226: {  	v23 =	vld.idx.msk [tilespmem:v5+s7+$0x680 ss:$0x1], $0xffff;
	v17 =	vadd.f32 v17, v18;
	v21 =	vimm.f32 $0.0e+00;
	v7 =	vmul.f32 v31, v7  }
0x227: {  	s18 =	simm.s32 $0x10;
	v12 =	vadd.f32 v6, v18;
	v6 =	vmul.f32 v26, v25;
	v10 =	vadd.f32 v8, v18;
	v26 =	vld.idx.msk [tilespmem:v4+s7+$0x280 ss:$0x1], $0xffff  }
0x228: {  	v27 =	vld.idx.msk [tilespmem:v5+s18+$0x780 ss:$0x1], $0xffff;
	v7 =	vadd.f32 v7, v18;
	v29 =	vmul.f32 v19, v32;
	v19 =	vimm.f32 $0.0e+00  }
0x229: {  	v25 =	vld.idx.msk [tilespmem:v5+s7+$0x700 ss:$0x1], $0xffff;
	s7 =	simm.s32 $0x80;
	v8 =	vadd.f32 v6, v18;
	v6 =	vadd.f32 v20, v18;
	v20 =	vimm.f32 $0.0e+00  }
.LBB2_15:
0x22a: {  	p0 =	sne.s32 s7, $0x1C0;
	v30 =	vld.idx.msk [tilespmem:v4+s18+$0x380 ss:$0x1], $0xffff;
	v18 =	vadd.f32 v29, v18;
	v22 =	vmul.f32 v24, v22  }
0x22b: {  	v24 =	vld.idx.msk [tilespmem:v5+s18+$0x0 ss:$0x1], $0xffff  }
0x22c: {  	v29 =	vld.idx.msk [tilespmem:v4+s18+$0xFFFFFC00 ss:$0x1], $0xffff;
	v21 =	vadd.f32 v22, v21;
	v22 =	vmul.f32 v26, v23  }
0x22d: {  	v23 =	vld.idx.msk [tilespmem:v5+s18+$0x80 ss:$0x1], $0xffff  }
0x22e: {  	v26 =	vld.idx.msk [tilespmem:v4+s18+$0xFFFFFC80 ss:$0x1], $0xffff;
	v20 =	vadd.f32 v22, v20;
	v22 =	vmul.f32 v28, v25  }
0x22f: {  	v25 =	vld.idx.msk [tilespmem:v5+s18+$0x100 ss:$0x1], $0xffff  }
0x230: {  	v27 =	vmul.f32 v30, v27;
	v28 =	vld.idx.msk [tilespmem:v4+s18+$0xFFFFFD00 ss:$0x1], $0xffff;
	v19 =	vadd.f32 v22, v19  }
0x231: {  	v22 =	vld.idx.msk [tilespmem:v5+s18+$0x180 ss:$0x1], $0xffff  }
0x232: {  	v24 =	vmul.f32 v29, v24;
	v11 =	vadd.f32 v27, v11;
	v29 =	vld.idx.msk [tilespmem:v4+s18+$0xFFFFFD80 ss:$0x1], $0xffff  }
0x233: {  	v27 =	vld.idx.msk [tilespmem:v5+s18+$0x200 ss:$0x1], $0xffff  }
0x234: {  	v13 =	vadd.f32 v24, v13;
	v23 =	vmul.f32 v26, v23;
	v24 =	vld.idx.msk [tilespmem:v4+s18+$0xFFFFFE00 ss:$0x1], $0xffff  }
0x235: {  	v26 =	vld.idx.msk [tilespmem:v5+s18+$0x280 ss:$0x1], $0xffff  }
0x236: {  	v16 =	vadd.f32 v23, v16;
	v23 =	vmul.f32 v28, v25;
	v25 =	vld.idx.msk [tilespmem:v4+s18+$0xFFFFFE80 ss:$0x1], $0xffff  }
0x237: {  	v28 =	vld.idx.msk [tilespmem:v5+s18+$0x300 ss:$0x1], $0xffff  }
0x238: {  	v15 =	vadd.f32 v23, v15;
	v22 =	vmul.f32 v29, v22;
	v23 =	vld.idx.msk [tilespmem:v4+s18+$0xFFFFFF00 ss:$0x1], $0xffff  }
0x239: {  	v29 =	vld.idx.msk [tilespmem:v5+s18+$0x380 ss:$0x1], $0xffff  }
0x23a: {  	v14 =	vadd.f32 v22, v14;
	v22 =	vmul.f32 v24, v27;
	v24 =	vld.idx.msk [tilespmem:v4+s18+$0xFFFFFF80 ss:$0x1], $0xffff  }
0x23b: {  	v27 =	vld.idx.msk [tilespmem:v5+s18+$0x400 ss:$0x1], $0xffff  }
0x23c: {  	v9 =	vadd.f32 v22, v9;
	v22 =	vmul.f32 v25, v26;
	v25 =	vld.idx.msk [tilespmem:v4+s18+$0x0 ss:$0x1], $0xffff  }
0x23d: {  	v26 =	vld.idx.msk [tilespmem:v5+s18+$0x480 ss:$0x1], $0xffff  }
0x23e: {  	v12 =	vadd.f32 v22, v12;
	v22 =	vmul.f32 v23, v28;
	v23 =	vld.idx.msk [tilespmem:v4+s18+$0x80 ss:$0x1], $0xffff  }
0x23f: {  	v28 =	vld.idx.msk [tilespmem:v5+s18+$0x500 ss:$0x1], $0xffff  }
0x240: {  	v10 =	vadd.f32 v22, v10;
	v22 =	vmul.f32 v24, v29;
	v29 =	vld.idx.msk [tilespmem:v4+s18+$0x100 ss:$0x1], $0xffff  }
0x241: {  	v30 =	vld.idx.msk [tilespmem:v5+s18+$0x580 ss:$0x1], $0xffff  }
0x242: {  	v8 =	vadd.f32 v22, v8;
	v24 =	vmul.f32 v25, v27;
	v27 =	vld.idx.msk [tilespmem:v4+s18+$0x180 ss:$0x1], $0xffff  }
0x243: {  	v22 =	vld.idx.msk [tilespmem:v5+s18+$0x600 ss:$0x1], $0xffff  }
0x244: {  	v17 =	vadd.f32 v24, v17;
	v25 =	vmul.f32 v23, v26;
	v24 =	vld.idx.msk [tilespmem:v4+s18+$0x200 ss:$0x1], $0xffff  }
.Ltmp6:
0x245: {  	v23 =	vld.idx.msk [tilespmem:v5+s18+$0x680 ss:$0x1], $0xffff;
	(pc) =	sbr.rel @p0 .LBB2_15-.Ltmp6, $4  }
0x246: {  	v6 =	vadd.f32 v25, v6;
	v28 =	vmul.f32 v29, v28;
	v26 =	vld.idx.msk [tilespmem:v4+s18+$0x280 ss:$0x1], $0xffff  }
0x247: {  	v25 =	vld.idx.msk [tilespmem:v5+s18+$0x700 ss:$0x1], $0xffff  }
0x248: {  	v7 =	vadd.f32 v28, v7;
	v29 =	vmul.f32 v27, v30;
	v28 =	vld.idx.msk [tilespmem:v4+s18+$0x300 ss:$0x1], $0xffff;
	s18 =	sshra.s32 s7, $0x2  }
0x249: {  	s7 =	sadd.s32 $0x40, s7;
	v27 =	vld.idx.msk [tilespmem:v5+s18+$0x780 ss:$0x1], $0xffff  }
0x24a: {  	_ =	sdelay $0x3  }
0x24b: {  	v30 =	vld.idx.msk [tilespmem:v4+s18+$0x380 ss:$0x1], $0xffff  }
0x24c: {  	v31 =	vld.idx.msk [tilespmem:v5+s18+$0x0 ss:$0x1], $0xffff  }
0x24d: {  	v32 =	vld.idx.msk [tilespmem:v4+s18+$0xFFFFFC00 ss:$0x1], $0xffff  }
0x24e: {  	v33 =	vld.idx.msk [tilespmem:v5+s18+$0x80 ss:$0x1], $0xffff  }
0x24f: {  	v34 =	vld.idx.msk [tilespmem:v4+s18+$0xFFFFFC80 ss:$0x1], $0xffff  }
0x250: {  	v35 =	vld.idx.msk [tilespmem:v5+s18+$0x100 ss:$0x1], $0xffff  }
0x251: {  	v36 =	vld.idx.msk [tilespmem:v4+s18+$0xFFFFFD00 ss:$0x1], $0xffff  }
0x252: {  	v37 =	vld.idx.msk [tilespmem:v5+s18+$0x180 ss:$0x1], $0xffff  }
0x253: {  	v38 =	vld.idx.msk [tilespmem:v4+s18+$0xFFFFFD80 ss:$0x1], $0xffff  }
0x254: {  	v39 =	vld.idx.msk [tilespmem:v5+s18+$0x200 ss:$0x1], $0xffff  }
0x255: {  	v40 =	vld.idx.msk [tilespmem:v4+s18+$0xFFFFFE00 ss:$0x1], $0xffff  }
0x256: {  	v41 =	vld.idx.msk [tilespmem:v5+s18+$0x280 ss:$0x1], $0xffff  }
0x257: {  	v42 =	vld.idx.msk [tilespmem:v4+s18+$0xFFFFFE80 ss:$0x1], $0xffff  }
0x258: {  	v43 =	vld.idx.msk [tilespmem:v5+s18+$0x300 ss:$0x1], $0xffff  }
0x259: {  	v44 =	vld.idx.msk [tilespmem:v4+s18+$0xFFFFFF00 ss:$0x1], $0xffff  }
0x25a: {  	v45 =	vld.idx.msk [tilespmem:v5+s18+$0x380 ss:$0x1], $0xffff  }
0x25b: {  	v46 =	vld.idx.msk [tilespmem:v4+s18+$0xFFFFFF80 ss:$0x1], $0xffff  }
0x25c: {  	v47 =	vld.idx.msk [tilespmem:v5+s18+$0x400 ss:$0x1], $0xffff  }
0x25d: {  	v48 =	vld.idx.msk [tilespmem:v4+s18+$0x0 ss:$0x1], $0xffff  }
0x25e: {  	v49 =	vld.idx.msk [tilespmem:v5+s18+$0x480 ss:$0x1], $0xffff  }
0x25f: {  	v50 =	vld.idx.msk [tilespmem:v5+s18+$0x600 ss:$0x1], $0xffff  }
0x260: {  	v22 =	vmul.f32 v24, v22;
	v53 =	vld.idx.msk [tilespmem:v4+s18+$0x200 ss:$0x1], $0xffff;
	v23 =	vmul.f32 v26, v23  }
0x261: {  	v24 =	vld.idx.msk [tilespmem:v4+s18+$0x80 ss:$0x1], $0xffff;
	v51 =	vmul.f32 v28, v25;
	v52 =	vmul.f32 v30, v27  }
0x262: {  	v18 =	vadd.f32 v29, v18;
	v56 =	vld.idx.msk [tilespmem:v5+s18+$0x500 ss:$0x1], $0xffff;
	v54 =	vmul.f32 v32, v31;
	v55 =	vmul.f32 v34, v33  }
0x263: {  	v58 =	vld.idx.msk [tilespmem:v4+s18+$0x100 ss:$0x1], $0xffff;
	v21 =	vadd.f32 v22, v21;
	v57 =	vmul.f32 v36, v35;
	v59 =	vmul.f32 v38, v37  }
0x264: {  	v60 =	vld.idx.msk [tilespmem:v5+s18+$0x580 ss:$0x1], $0xffff;
	v20 =	vadd.f32 v23, v20;
	v61 =	vmul.f32 v40, v39;
	v62 =	vmul.f32 v42, v41  }
0x265: {  	v63 =	vld.idx.msk [tilespmem:v4+s18+$0x180 ss:$0x1], $0xffff;
	v19 =	vadd.f32 v51, v19;
	v32 =	vmul.f32 v48, v47;
	v26 =	vmul.f32 v53, v50  }
0x266: {  	v34 =	vmul.f32 v44, v43;
	v11 =	vadd.f32 v52, v11;
	v13 =	vadd.f32 v54, v13  }
0x267: {  	v36 =	vmul.f32 v46, v45;
	v16 =	vadd.f32 v55, v16;
	v15 =	vadd.f32 v57, v15  }
0x268: {  	v24 =	vmul.f32 v24, v49;
	v14 =	vadd.f32 v59, v14;
	v9 =	vadd.f32 v61, v9  }
0x269: {  	v33 =	vld.idx.msk [tilespmem:v5+s18+$0x680 ss:$0x1], $0xffff;
	v25 =	vmul.f32 v58, v56;
	v12 =	vadd.f32 v62, v12;
	v17 =	vadd.f32 v32, v17  }
0x26a: {  	v5 =	vld.idx.msk [tilespmem:v5+s18+$0x700 ss:$0x1], $0xffff;
	v28 =	vmul.f32 v63, v60;
	v21 =	vadd.f32 v26, v21;
	v10 =	vadd.f32 v34, v10  }
0x26b: {  	v35 =	vld.idx.msk [tilespmem:v4+s18+$0x300 ss:$0x1], $0xffff;
	v8 =	vadd.f32 v36, v8;
	v6 =	vadd.f32 v24, v6  }
0x26c: {  	v4 =	vld.idx.msk [tilespmem:v4+s18+$0x280 ss:$0x1], $0xffff;
	v7 =	vadd.f32 v25, v7;
	v41 =	vadd.f32 v28, v18  }
0x26d: {  	v37 =	vsel vm3, v17, v13;
	v38 =	vsel vm3, v21, v9;
	v13 =	vsel vm3, v13, v17  }
0x26e: {  	v9 =	vsel vm3, v9, v21;
	v43 =	vsel vm3, v7, v15;
	v45 =	vsel vm3, v6, v16  }
0x26f: {  	v7 =	vsel vm3, v15, v7;
	v6 =	vsel vm3, v16, v6;
	v49 =	vsel vm3, v41, v14  }
0x270: {  	v50 =	vsel vm3, v11, v8;
	v39 =	vperm.xlane v37, v0;
	v40 =	vperm.xlane v38, v0  }
0x271: {  	v53 =	vsel vm3, v14, v41;
	v5 =	vmul.f32 v35, v5;
	v4 =	vmul.f32 v4, v33  }
0x272: {  	v8 =	vsel vm3, v8, v11;
	v47 =	vperm.xlane v45, v0;
	v51 =	vperm.xlane v49, v0  }
0x273: {  	v52 =	vperm.xlane v50, v0;
	v13 =	vadd.f32 v39, v13;
	v5 =	vadd.f32 v5, v19  }
0x274: {  	v9 =	vadd.f32 v40, v9;
	v4 =	vadd.f32 v4, v20;
	v19 =	vperm.xlane v43, v0  }
0x275: {  	v6 =	vadd.f32 v47, v6;
	v8 =	vadd.f32 v52, v8;
	v44 =	vsel vm3, v5, v10  }
0x276: {  	v42 =	vsel vm0, v9, v13;
	v48 =	vsel vm3, v4, v12;
	v46 =	vperm.xlane v44, v0  }
0x277: {  	v7 =	vadd.f32 v19, v7;
	v5 =	vsel vm3, v10, v5;
	v10 =	vperm.xlane v48, v0  }
0x278: {  	v4 =	vsel vm3, v12, v4;
	v18 =	vperm.xlane v42, v1;
	v5 =	vadd.f32 v46, v5  }
0x279: {  	v9 =	vsel vm0, v13, v9;
	v4 =	vadd.f32 v10, v4;
	v10 =	vadd.f32 v51, v53  }
0x27a: {  	v9 =	vadd.f32 v9, v18;
	v54 =	vsel vm0, v5, v7  }
0x27b: {  	v55 =	vsel vm0, v4, v6;
	v56 =	vsel vm0, v8, v10;
	v11 =	vperm.xlane v54, v1  }
0x27c: {  	v5 =	vsel vm0, v7, v5;
	v57 =	vperm.xlane v55, v1;
	v58 =	vperm.xlane v56, v1  }
0x27d: {  	v4 =	vsel vm0, v6, v4;
	v59 =	vsel vm0, v10, v8;
	v5 =	vadd.f32 v5, v11  }
0x27e: {  	v4 =	vadd.f32 v4, v57;
	v6 =	vadd.f32 v59, v58;
	_ =	sdelay $0x1  }
0x27f: {  	v60 =	vsel vm1, v5, v9;
	v61 =	vsel vm1, v6, v4  }
0x280: {  	v7 =	vperm.xlane v60, v2;
	v8 =	vperm.xlane v61, v2  }
0x281: {  	v5 =	vsel vm1, v9, v5;
	v4 =	vsel vm1, v4, v6  }
0x282: {  	v5 =	vadd.f32 v5, v7;
	v4 =	vadd.f32 v4, v8  }
0x283: {  	s7 =	sshll.u32 s30, $0x4  }
0x284: {  	v63 =	vld [tilespmem:s7+$0x580];
	v62 =	vsel vm2, v4, v5  }
0x285: {  	v6 =	vperm.xlane v62, v3  }
0x286: {  	v4 =	vsel vm2, v5, v4;
	v5 =	vld [tilespmem:s7+$0x780]  }
0x287: {  	s30 =	sadd.s32 $0x1, s30;
	v4 =	vadd.f32 v4, v6  }
0x288: {  	p0 =	sne.s32 s30, $0x8  }
.Ltmp7:
0x289: {  	v4 =	vadd.f32 v4, v63;
	(pc) =	sbr.rel @p0 .LBB2_14-.Ltmp7, $3  }
0x28a: {  	_ = 	snop  }
0x28b: {  	v4 =	vadd.f32 v4, v5;
	_ =	sdelay $0x1  }
0x28c: {  	s4 =	sadd.s32 $0x800, s4;
	s20 =	sadd.s32 $0x800, s20;
	[tilespmem:s7+$0x18980] =	vst v4  }
0x28d: {  	s4 =	simm.s32 $0x18980  }
0x28e: {  	[hbm4b:s12+s6] =	stream.linear.scatter [tilespmem:s4], [sflag:$0x6], $0x80, $0x38;
	[tilespmem:$0x18A00] =	vst v63  }
0x28f: {  	_ =	swait.ge [sflag:s25], $0x80  }
0x290: {  	[sflag:s25] =	ssyncset.done $0x0  }
0x291: {  	[sflag:s25] =	ssyncadd.s32 $0xFFFFFF80  }
0x292: {  	_ =	swait.ge [sflag:s25], $0x80  }
0x293: {  	[sflag:s25] =	ssyncset.done $0x0  }
0x294: {  	s28 =	sadd.s32 $0x1, s28;
	[sflag:s25] =	ssyncadd.s32 $0xFFFFFF80  }
0x295: {  	p0 =	sne.s32 s28, s13;
	_ =	swait.ge [sflag:s25], $0x80  }
.Ltmp8:
0x296: {  	[sflag:s25] =	ssyncset.done $0x0;
	(pc) =	sbr.rel @p0 .LBB2_1-.Ltmp8, $4  }
0x297: {  	[sflag:s25] =	ssyncadd.s32 $0xFFFFFF80  }
0x298: {  	_ =	swait.ge [sflag:s25], $0x80  }
0x299: {  	[sflag:s25] =	ssyncset.done $0x0  }
0x29a: {  	[sflag:s25] =	ssyncadd.s32 $0xFFFFFF80  }
0x29b: {  	_ =	sfence.sel $0x180000  }
0x29c: {  	[bflag:$0x0] =	sbarrier.arrive $0xFFFF  }
0x29d: {  	_ =	strace $0x90000047  }
0x29e: {  	s0 =	stileid.u32;
	[bflag:$0x2] =	sbarrier.arrive $0xFFFF  }
0x29f: {  	p0 =	sne.s32 s0, $0x0;
	s0 =	rddreg [dreg:$0x7]  }
0x2a0: {  	s0 =	sadd.s32 @!p0 $0x100000, s0  }
0x2a1: {  	[sflag:s0] =	ssyncadd.tile.s32 @!p0 $0x1;
	_ =	shalt  }
.Lfunc_end2:
_tile_overlayer_lowered:
.L_overlay_start_2:
0x2a2: {  	(tag) =	ssettag $0x2  }
0x2a3: {  	s0 =	rddreg [dreg:$0x0];
	s2 =	stileid.u32  }
0x2a4: {  	s1 =	rddreg [dreg:$0x1];
	p0 =	sne.s32 s2, $0x0  }
0x2a5: {  	s3 =	rddreg [dreg:$0x2];
	[bflag:$0x3] =	sbarrier.arrive $0xFFFF;
	s2 =	simm.s32 @!p0 $0x1C07  }
0x2a6: {  	[timem:s3], [sflag:s2] =	dma.local @!p0 [hbm:s0], s1  }
0x2a7: {  	s0 =	simm.s32 @!p0 $0x7  }
0x2a8: {  	_ =	swait.ge @!p0 [sflag:s0], s1  }
0x2a9: {  	s1 =	ssub.s32 @!p0 $0x0, s1;
	[sflag:s0] =	ssyncset.done @!p0 $0x0  }
0x2aa: {  	[sflag:s0] =	ssyncadd.s32 @!p0 s1  }
0x2ab: {  	[bflag:$0x3] =	sbarrier.arrive $0xFFFF  }
0x2ac: {  	_ =	shalt  }

</sc_bundles>
